<compile_context>
chip_gen: v7x
topology: tpu7x:2x2x1
jax: 0.10.2.dev20260603
libtpu: 0.0.44.dev20260713+nightly
codegen_flags: <defaults>
</compile_context>

<pallas_src>
import jax
import jax.numpy as jnp
from jax import lax
from jax.experimental import pallas as pl
from jax.experimental.pallas import tpu as pltpu
from jax.experimental.pallas import tpu_sc as plsc

N_POINTS = 4096
N_BATCH = 4
QSPLIT = 3840
SC_Q = N_POINTS - QSPLIT

L = 16
QV = 2
NUM_CORES = 2
NUM_SUBCORES = 16
NUM_TILES = NUM_CORES * NUM_SUBCORES


def _sc_sweep(q_hbm, k_hbm, out_hbm, kpx, kpy, kpz, kn,
              qsx, qsy, qsz, o_v, qbase, kbase, obase, qlen, klen):
    for d in range(3):
        pltpu.sync_copy(k_hbm.at[pl.ds(kbase + d * N_POINTS, klen)],
                        [kpx, kpy, kpz][d].at[pl.ds(0, klen)])
        pltpu.sync_copy(q_hbm.at[pl.ds(qbase + d * N_POINTS, qlen)],
                        [qsx, qsy, qsz][d].at[pl.ds(0, qlen)])

    def pre_body(t, carry):
        sl = pl.ds(t * L, L)
        kx = kpx[sl]
        ky = kpy[sl]
        kz = kpz[sl]
        kn[sl] = kx * kx + ky * ky + kz * kz
        kpx[sl] = kx * (-2.0)
        kpy[sl] = ky * (-2.0)
        kpz[sl] = kz * (-2.0)
        return carry

    lax.fori_loop(0, klen // L, pre_body, 0)

    def group_body(g, carry):
        base = g * (QV * L)
        qx = [qsx[pl.ds(base + i * L, L)] for i in range(QV)]
        qy = [qsy[pl.ds(base + i * L, L)] for i in range(QV)]
        qz = [qsz[pl.ds(base + i * L, L)] for i in range(QV)]
        qn = [qx[i] * qx[i] + qy[i] * qy[i] + qz[i] * qz[i]
              for i in range(QV)]
        inf = jnp.full((L,), jnp.inf, jnp.float32)

        def key_body(t, accs):
            sl = pl.ds(t * L, L)
            kxv = kpx[sl]
            kyv = kpy[sl]
            kzv = kpz[sl]
            knv = kn[sl]
            accs = list(accs)
            for u in range(L):
                idx = jnp.full((L,), u, jnp.int32)
                bkx = kxv.at[idx].get(mode="promise_in_bounds")
                bky = kyv.at[idx].get(mode="promise_in_bounds")
                bkz = kzv.at[idx].get(mode="promise_in_bounds")
                bkn = knv.at[idx].get(mode="promise_in_bounds")
                for i in range(QV):
                    d = (qx[i] * bkx + qy[i] * bky) + (qz[i] * bkz + bkn)
                    accs[i] = jnp.minimum(accs[i], d)
            return tuple(accs)

        accs = lax.fori_loop(0, klen // L, key_body, (inf,) * QV)
        for i in range(QV):
            o_v[pl.ds(base + i * L, L)] = accs[i] + qn[i]
        return carry

    lax.fori_loop(0, qlen // (QV * L), group_body, 0)

    pltpu.sync_copy(o_v.at[pl.ds(0, qlen)], out_hbm.at[pl.ds(obase, qlen)])


def _sc_body(x1_hbm, x2_hbm, out_hbm,
             kpx, kpy, kpz, kn, qsx, qsy, qsz, o_v):
    wid = lax.axis_index("s") * NUM_CORES + lax.axis_index("c")
    item = wid // 4
    s = wid % 4
    batch = item % N_BATCH
    q1 = SC_Q // 4
    q2 = N_POINTS // 4

    @pl.when(item < N_BATCH)
    def _dir1():
        _sc_sweep(x1_hbm, x2_hbm, out_hbm, kpx, kpy, kpz, kn,
                  qsx, qsy, qsz, o_v,
                  qbase=batch * 3 * N_POINTS + QSPLIT + s * q1,
                  kbase=batch * 3 * N_POINTS,
                  obase=batch * SC_Q + s * q1,
                  qlen=q1, klen=N_POINTS)

    @pl.when(item >= N_BATCH)
    def _dir2():
        _sc_sweep(x2_hbm, x1_hbm, out_hbm, kpx, kpy, kpz, kn,
                  qsx, qsy, qsz, o_v,
                  qbase=batch * 3 * N_POINTS + s * q2,
                  kbase=batch * 3 * N_POINTS + QSPLIT,
                  obase=N_BATCH * SC_Q + batch * N_POINTS + s * q2,
                  qlen=q2, klen=SC_Q)


@jax.jit
def _chamfer_sc(x1t, x2t):
    mesh = plsc.VectorSubcoreMesh(core_axis_name="c", subcore_axis_name="s",
                                  num_cores=NUM_CORES,
                                  num_subcores=NUM_SUBCORES)
    return pl.kernel(
        _sc_body,
        out_type=jax.ShapeDtypeStruct(
            (N_BATCH * SC_Q + N_BATCH * N_POINTS,), jnp.float32),
        mesh=mesh,
        scratch_types=[
            pltpu.VMEM((N_POINTS,), jnp.float32),
            pltpu.VMEM((N_POINTS,), jnp.float32),
            pltpu.VMEM((N_POINTS,), jnp.float32),
            pltpu.VMEM((N_POINTS,), jnp.float32),
            pltpu.VMEM((N_POINTS // 4,), jnp.float32),
            pltpu.VMEM((N_POINTS // 4,), jnp.float32),
            pltpu.VMEM((N_POINTS // 4,), jnp.float32),
            pltpu.VMEM((N_POINTS // 4,), jnp.float32),
        ],
    )(x1t.reshape(-1), x2t.reshape(-1))


RBLK = 1280


def _tc_body(qa_ref, ks_ref, o1_ref, o2_ref):
    r = pl.program_id(1)
    qa = qa_ref[0]
    ks = ks_ref[0]
    d = None
    for c in range(3):
        diff = qa[:, c:c + 1] - ks[c:c + 1, :]
        sq = diff * diff
        d = sq if d is None else d + sq
    o1_ref[0] = jnp.min(d, axis=1, keepdims=True)
    row = jnp.min(d, axis=0, keepdims=True)

    @pl.when(r == 0)
    def _init():
        o2_ref[0] = row

    @pl.when(r > 0)
    def _acc():
        o2_ref[0] = jnp.minimum(o2_ref[0], row)


@jax.jit
def _chamfer_tc(qa, ks):
    grid = (N_BATCH, QSPLIT // RBLK)
    out1, out2 = pl.pallas_call(
        _tc_body,
        grid=grid,
        in_specs=[
            pl.BlockSpec((1, RBLK, 8), lambda c, r: (c, r, 0)),
            pl.BlockSpec((1, 8, N_POINTS), lambda c, r: (c, 0, 0)),
        ],
        out_specs=[
            pl.BlockSpec((1, RBLK, 1), lambda c, r: (c, r, 0)),
            pl.BlockSpec((1, 1, N_POINTS), lambda c, r: (c, 0, 0)),
        ],
        out_shape=[
            jax.ShapeDtypeStruct((N_BATCH, QSPLIT, 1), jnp.float32),
            jax.ShapeDtypeStruct((N_BATCH, 1, N_POINTS), jnp.float32),
        ],
    )(qa, ks)
    return out1.reshape(N_BATCH, QSPLIT), out2.reshape(N_BATCH, N_POINTS)


def kernel(input1, input2):
    x1t = jnp.transpose(input1, (0, 2, 1))
    x2t = jnp.transpose(input2, (0, 2, 1))
    sc_out = _chamfer_sc(x1t, x2t)
    x1a = jnp.pad(input1[:, :QSPLIT, :], ((0, 0), (0, 0), (0, 5)))
    x2p = jnp.pad(x2t, ((0, 0), (0, 5), (0, 0)))
    d1_head, d2_tc = _chamfer_tc(x1a, x2p)
    d1_tail = sc_out[:N_BATCH * SC_Q].reshape(N_BATCH, SC_Q)
    d2_sc = sc_out[N_BATCH * SC_Q:].reshape(N_BATCH, N_POINTS)
    dist1 = jnp.concatenate([d1_head, d1_tail], axis=1)
    dist2 = jnp.minimum(d2_tc, d2_sc)
    return dist1, dist2

# --- scband reference (transcript-rebuilt; emitter-appended) ---
"""Pipeline reference for scband-chamfer-dist-60662118088778 (READ-ONLY COPY).

The authoritative reference and input builder live on the scoring server;
editing this copy changes nothing except your own understanding.
"""

import jax, jax.numpy as jnp
import numpy as np


def setup_inputs(seed: int = 0) -> dict:
    key = jax.random.key(seed)
    k1, k2 = jax.random.split(key)
    input1 = jax.random.normal(k1, (4, 4096, 3), dtype=jnp.float32)
    input2 = jax.random.normal(k2, (4, 4096, 3), dtype=jnp.float32)
    return {"input1": input1, "input2": input2}


def reference(input1, input2):
    # Chamfer distance: for each point in cloud1, squared distance to the
    # nearest point in cloud2, and vice versa. Faithful to the CUDA kernel
    # semantics (brute-force nearest neighbor, squared L2 distance).
    def per_batch(operands):
        x1, x2 = operands  # x1: [N, 3], x2: [M, 3]
        d = jnp.sum((x1[:, None, :] - x2[None, :, :]) ** 2, axis=-1)  # [N, M]
        dist1 = jnp.min(d, axis=1)  # [N] nearest in cloud2 for each point of cloud1
        dist2 = jnp.min(d, axis=0)  # [M] nearest in cloud1 for each point of cloud2
        return dist1, dist2

    # Process batch elements sequentially to bound peak memory of the
    # [N, M] pairwise distance matrix.
    dist1, dist2 = jax.lax.map(per_batch, (input1, input2))
    return dist1, dist2

if __name__ == "__main__":
    import jax
    _d = setup_inputs()
    print(jax.jit(kernel)(*tuple(_d.values())))

</pallas_src>

<mosaic_0001>
#map = affine_map<(d0, d1) -> (0)>
module attributes {stable_mosaic.version = 14 : i64} {
  func.func @_sc_body(%arg0: i32, %arg1: i32, %arg2: memref<49152xf32, #tpu.memory_space<hbm>>, %arg3: memref<49152xf32, #tpu.memory_space<hbm>>, %arg4: memref<17408xf32, #tpu.memory_space<hbm>>, %arg5: memref<4096xf32, #tpu.memory_space<vmem>>, %arg6: memref<4096xf32, #tpu.memory_space<vmem>>, %arg7: memref<4096xf32, #tpu.memory_space<vmem>>, %arg8: memref<4096xf32, #tpu.memory_space<vmem>>, %arg9: memref<1024xf32, #tpu.memory_space<vmem>>, %arg10: memref<1024xf32, #tpu.memory_space<vmem>>, %arg11: memref<1024xf32, #tpu.memory_space<vmem>>, %arg12: memref<1024xf32, #tpu.memory_space<vmem>>) attributes {dimension_semantics = [#tpu.dimension_semantics<core_parallel>, #tpu.dimension_semantics<subcore_parallel>], iteration_bounds = array<i64: 2, 16>, scalar_prefetch = 0 : i64, scratch_operands = 8 : i64, tpu.core_type = #tpu.core_type<sc_vector_subcore>, window_params = [{transform_indices = #map}, {transform_indices = #map}, {transform_indices = #map}]} {
    %mul3A = arith.constant 2 : i32
    %mul3A_0 = arith.muli %arg1, %mul3A : i32
    %add3A = arith.addi %mul3A_0, %arg0 : i32
    %jit3A = arith.constant 4 : i32
    %div3A = arith.divsi %add3A, %jit3A : i32
    %sign3A = arith.constant 0 : i32
    %sign3A_1 = arith.cmpi sgt, %add3A, %sign3A : i32
    %sign3A_2 = arith.extui %sign3A_1 : i1 to i32
    %sign3A_3 = arith.constant 0 : i32
    %sign3A_4 = arith.cmpi slt, %add3A, %sign3A_3 : i32
    %sign3A_5 = arith.extui %sign3A_4 : i1 to i32
    %sign3A_6 = arith.subi %sign3A_2, %sign3A_5 : i32
    %sign3A_7 = arith.constant 0 : i32
    %sign3A_8 = arith.cmpi sgt, %jit3A, %sign3A_7 : i32
    %sign3A_9 = arith.extui %sign3A_8 : i1 to i32
    %sign3A_10 = arith.constant 0 : i32
    %sign3A_11 = arith.cmpi slt, %jit3A, %sign3A_10 : i32
    %sign3A_12 = arith.extui %sign3A_11 : i1 to i32
    %sign3A_13 = arith.subi %sign3A_9, %sign3A_12 : i32
    %ne3A = arith.cmpi ne, %sign3A_6, %sign3A_13 : i32
    %rem3A = arith.remsi %add3A, %jit3A : i32
    %ne3A_14 = arith.constant 0 : i32
    %ne3A_15 = arith.cmpi ne, %rem3A, %ne3A_14 : i32
    %and3A = arith.andi %ne3A, %ne3A_15 : i1
    %sub3A = arith.constant 1 : i32
    %sub3A_16 = arith.subi %div3A, %sub3A : i32
    %select_n3A = arith.select %and3A, %sub3A_16, %div3A : i32
    %jit3A_17 = arith.constant 4 : i32
    %eq3A = arith.constant 0 : i32
    %eq3A_18 = arith.cmpi eq, %jit3A_17, %eq3A : i32
    %jit3A_19 = arith.constant 1 : i32
    %select_n3A_20 = arith.select %eq3A_18, %jit3A_19, %jit3A_17 : i32
    %rem3A_21 = arith.remsi %add3A, %select_n3A_20 : i32
    %ne3A_22 = arith.constant 0 : i32
    %ne3A_23 = arith.cmpi ne, %rem3A_21, %ne3A_22 : i32
    %lt3A = arith.constant 0 : i32
    %lt3A_24 = arith.cmpi slt, %rem3A_21, %lt3A : i32
    %lt3A_25 = arith.constant 0 : i32
    %lt3A_26 = arith.cmpi slt, %select_n3A_20, %lt3A_25 : i32
    %ne3A_27 = arith.xori %lt3A_24, %lt3A_26 : i1
    %and3A_28 = arith.andi %ne3A_27, %ne3A_23 : i1
    %add3A_29 = arith.addi %rem3A_21, %select_n3A_20 : i32
    %select_n3A_30 = arith.select %and3A_28, %add3A_29, %rem3A_21 : i32
    %jit3A_31 = arith.constant 4 : i32
    %eq3A_32 = arith.constant 0 : i32
    %eq3A_33 = arith.cmpi eq, %jit3A_31, %eq3A_32 : i32
    %jit3A_34 = arith.constant 1 : i32
    %select_n3A_35 = arith.select %eq3A_33, %jit3A_34, %jit3A_31 : i32
    %rem3A_36 = arith.remsi %select_n3A, %select_n3A_35 : i32
    %ne3A_37 = arith.constant 0 : i32
    %ne3A_38 = arith.cmpi ne, %rem3A_36, %ne3A_37 : i32
    %lt3A_39 = arith.constant 0 : i32
    %lt3A_40 = arith.cmpi slt, %rem3A_36, %lt3A_39 : i32
    %lt3A_41 = arith.constant 0 : i32
    %lt3A_42 = arith.cmpi slt, %select_n3A_35, %lt3A_41 : i32
    %ne3A_43 = arith.xori %lt3A_40, %lt3A_42 : i1
    %and3A_44 = arith.andi %ne3A_43, %ne3A_38 : i1
    %add3A_45 = arith.addi %rem3A_36, %select_n3A_35 : i32
    %select_n3A_46 = arith.select %and3A_44, %add3A_45, %rem3A_36 : i32
    %lt3A_47 = arith.constant 4 : i32
    %lt3A_48 = arith.cmpi slt, %select_n3A, %lt3A_47 : i32
    %convert_element_type3A = arith.extui %lt3A_48 : i1 to i32
    %cond3A = arith.constant 0 : i32
    %cond3A_49 = arith.cmpi ne, %convert_element_type3A, %cond3A : i32
    scf.if %cond3A_49 {
      %mul3A_54 = arith.constant 3 : i32
      %mul3A_55 = arith.muli %select_n3A_46, %mul3A_54 : i32
      %mul3A_56 = arith.constant 4096 : i32
      %mul3A_57 = arith.muli %mul3A_55, %mul3A_56 : i32
      %add3A_58 = arith.constant 3840 : i32
      %add3A_59 = arith.addi %mul3A_57, %add3A_58 : i32
      %mul3A_60 = arith.constant 64 : i32
      %mul3A_61 = arith.muli %select_n3A_30, %mul3A_60 : i32
      %add3A_62 = arith.addi %add3A_59, %mul3A_61 : i32
      %mul3A_63 = arith.constant 3 : i32
      %mul3A_64 = arith.muli %select_n3A_46, %mul3A_63 : i32
      %mul3A_65 = arith.constant 4096 : i32
      %mul3A_66 = arith.muli %mul3A_64, %mul3A_65 : i32
      %mul3A_67 = arith.constant 256 : i32
      %mul3A_68 = arith.muli %select_n3A_46, %mul3A_67 : i32
      %mul3A_69 = arith.constant 64 : i32
      %mul3A_70 = arith.muli %select_n3A_30, %mul3A_69 : i32
      %add3A_71 = arith.addi %mul3A_68, %mul3A_70 : i32
      %add3A_72 = arith.constant 0 : i32
      %add3A_73 = arith.addi %mul3A_66, %add3A_72 : i32
      "tpu.region"() ({
        %run_scoped3A = tpu.sem_alloc : memref<!tpu.dma_semaphore, #tpu.memory_space<semaphore_mem>>
        %dma_start3A = arith.constant 0 : i32
        %dma_start3A_95 = tpu.memref_slice %arg5[%dma_start3A] : memref<4096xf32, #tpu.memory_space<vmem>> -> memref<4096xf32, #tpu.memory_space<vmem>>
        %dma_start3A_96 = tpu.memref_slice %arg3[%add3A_73] : memref<49152xf32, #tpu.memory_space<hbm>> -> memref<4096xf32, #tpu.memory_space<hbm>>
        %dma_start3A_97 = arith.constant 0 : i32
        %dma_start3A_98 = tpu.memref_slice %arg5[%dma_start3A_97] : memref<4096xf32, #tpu.memory_space<vmem>> -> memref<4096xf32, #tpu.memory_space<vmem>>
        %dma_start3A_99 = tpu.memref_slice %arg3[%add3A_73] : memref<49152xf32, #tpu.memory_space<hbm>> -> memref<4096xf32, #tpu.memory_space<hbm>>
        tpu.enqueue_dma source(%dma_start3A_99 : memref<4096xf32, #tpu.memory_space<hbm>>) target(%dma_start3A_98 : memref<4096xf32, #tpu.memory_space<vmem>>) target_semaphore(%run_scoped3A : memref<!tpu.dma_semaphore, #tpu.memory_space<semaphore_mem>>)
        %dma_wait3A = arith.constant 0 : i32
        %dma_wait3A_100 = tpu.memref_slice %arg5[%dma_wait3A] : memref<4096xf32, #tpu.memory_space<vmem>> -> memref<4096xf32, #tpu.memory_space<vmem>>
        %dma_wait3A_101 = tpu.memref_slice %arg3[%add3A_73] : memref<49152xf32, #tpu.memory_space<hbm>> -> memref<4096xf32, #tpu.memory_space<hbm>>
        %dma_wait3A_102 = arith.constant 0 : i32
        %dma_wait3A_103 = tpu.memref_slice %arg5[%dma_wait3A_102] : memref<4096xf32, #tpu.memory_space<vmem>> -> memref<4096xf32, #tpu.memory_space<vmem>>
        %dma_wait3A_104 = tpu.memref_slice %arg3[%add3A_73] : memref<49152xf32, #tpu.memory_space<hbm>> -> memref<4096xf32, #tpu.memory_space<hbm>>
        tpu.wait_dma2 semaphore(%run_scoped3A : memref<!tpu.dma_semaphore, #tpu.memory_space<semaphore_mem>>) src(%dma_wait3A_104 : memref<4096xf32, #tpu.memory_space<hbm>>) dst(%dma_wait3A_103 : memref<4096xf32, #tpu.memory_space<vmem>>)
        tpu.yield
      }) : () -> ()
      %add3A_74 = arith.constant 0 : i32
      %add3A_75 = arith.addi %add3A_62, %add3A_74 : i32
      "tpu.region"() ({
        %run_scoped3A = tpu.sem_alloc : memref<!tpu.dma_semaphore, #tpu.memory_space<semaphore_mem>>
        %dma_start3A = arith.constant 0 : i32
        %dma_start3A_95 = tpu.memref_slice %arg9[%dma_start3A] : memref<1024xf32, #tpu.memory_space<vmem>> -> memref<64xf32, #tpu.memory_space<vmem>>
        %dma_start3A_96 = tpu.memref_slice %arg2[%add3A_75] : memref<49152xf32, #tpu.memory_space<hbm>> -> memref<64xf32, #tpu.memory_space<hbm>>
        %dma_start3A_97 = arith.constant 0 : i32
        %dma_start3A_98 = tpu.memref_slice %arg9[%dma_start3A_97] : memref<1024xf32, #tpu.memory_space<vmem>> -> memref<64xf32, #tpu.memory_space<vmem>>
        %dma_start3A_99 = tpu.memref_slice %arg2[%add3A_75] : memref<49152xf32, #tpu.memory_space<hbm>> -> memref<64xf32, #tpu.memory_space<hbm>>
        tpu.enqueue_dma source(%dma_start3A_99 : memref<64xf32, #tpu.memory_space<hbm>>) target(%dma_start3A_98 : memref<64xf32, #tpu.memory_space<vmem>>) target_semaphore(%run_scoped3A : memref<!tpu.dma_semaphore, #tpu.memory_space<semaphore_mem>>)
        %dma_wait3A = arith.constant 0 : i32
        %dma_wait3A_100 = tpu.memref_slice %arg9[%dma_wait3A] : memref<1024xf32, #tpu.memory_space<vmem>> -> memref<64xf32, #tpu.memory_space<vmem>>
        %dma_wait3A_101 = tpu.memref_slice %arg2[%add3A_75] : memref<49152xf32, #tpu.memory_space<hbm>> -> memref<64xf32, #tpu.memory_space<hbm>>
        %dma_wait3A_102 = arith.constant 0 : i32
        %dma_wait3A_103 = tpu.memref_slice %arg9[%dma_wait3A_102] : memref<1024xf32, #tpu.memory_space<vmem>> -> memref<64xf32, #tpu.memory_space<vmem>>
        %dma_wait3A_104 = tpu.memref_slice %arg2[%add3A_75] : memref<49152xf32, #tpu.memory_space<hbm>> -> memref<64xf32, #tpu.memory_space<hbm>>
        tpu.wait_dma2 semaphore(%run_scoped3A : memref<!tpu.dma_semaphore, #tpu.memory_space<semaphore_mem>>) src(%dma_wait3A_104 : memref<64xf32, #tpu.memory_space<hbm>>) dst(%dma_wait3A_103 : memref<64xf32, #tpu.memory_space<vmem>>)
        tpu.yield
      }) : () -> ()
      %add3A_76 = arith.constant 4096 : i32
      %add3A_77 = arith.addi %mul3A_66, %add3A_76 : i32
      "tpu.region"() ({
        %run_scoped3A = tpu.sem_alloc : memref<!tpu.dma_semaphore, #tpu.memory_space<semaphore_mem>>
        %dma_start3A = arith.constant 0 : i32
        %dma_start3A_95 = tpu.memref_slice %arg6[%dma_start3A] : memref<4096xf32, #tpu.memory_space<vmem>> -> memref<4096xf32, #tpu.memory_space<vmem>>
        %dma_start3A_96 = tpu.memref_slice %arg3[%add3A_77] : memref<49152xf32, #tpu.memory_space<hbm>> -> memref<4096xf32, #tpu.memory_space<hbm>>
        %dma_start3A_97 = arith.constant 0 : i32
        %dma_start3A_98 = tpu.memref_slice %arg6[%dma_start3A_97] : memref<4096xf32, #tpu.memory_space<vmem>> -> memref<4096xf32, #tpu.memory_space<vmem>>
        %dma_start3A_99 = tpu.memref_slice %arg3[%add3A_77] : memref<49152xf32, #tpu.memory_space<hbm>> -> memref<4096xf32, #tpu.memory_space<hbm>>
        tpu.enqueue_dma source(%dma_start3A_99 : memref<4096xf32, #tpu.memory_space<hbm>>) target(%dma_start3A_98 : memref<4096xf32, #tpu.memory_space<vmem>>) target_semaphore(%run_scoped3A : memref<!tpu.dma_semaphore, #tpu.memory_space<semaphore_mem>>)
        %dma_wait3A = arith.constant 0 : i32
        %dma_wait3A_100 = tpu.memref_slice %arg6[%dma_wait3A] : memref<4096xf32, #tpu.memory_space<vmem>> -> memref<4096xf32, #tpu.memory_space<vmem>>
        %dma_wait3A_101 = tpu.memref_slice %arg3[%add3A_77] : memref<49152xf32, #tpu.memory_space<hbm>> -> memref<4096xf32, #tpu.memory_space<hbm>>
        %dma_wait3A_102 = arith.constant 0 : i32
        %dma_wait3A_103 = tpu.memref_slice %arg6[%dma_wait3A_102] : memref<4096xf32, #tpu.memory_space<vmem>> -> memref<4096xf32, #tpu.memory_space<vmem>>
        %dma_wait3A_104 = tpu.memref_slice %arg3[%add3A_77] : memref<49152xf32, #tpu.memory_space<hbm>> -> memref<4096xf32, #tpu.memory_space<hbm>>
        tpu.wait_dma2 semaphore(%run_scoped3A : memref<!tpu.dma_semaphore, #tpu.memory_space<semaphore_mem>>) src(%dma_wait3A_104 : memref<4096xf32, #tpu.memory_space<hbm>>) dst(%dma_wait3A_103 : memref<4096xf32, #tpu.memory_space<vmem>>)
        tpu.yield
      }) : () -> ()
      %add3A_78 = arith.constant 4096 : i32
      %add3A_79 = arith.addi %add3A_62, %add3A_78 : i32
      "tpu.region"() ({
        %run_scoped3A = tpu.sem_alloc : memref<!tpu.dma_semaphore, #tpu.memory_space<semaphore_mem>>
        %dma_start3A = arith.constant 0 : i32
        %dma_start3A_95 = tpu.memref_slice %arg10[%dma_start3A] : memref<1024xf32, #tpu.memory_space<vmem>> -> memref<64xf32, #tpu.memory_space<vmem>>
        %dma_start3A_96 = tpu.memref_slice %arg2[%add3A_79] : memref<49152xf32, #tpu.memory_space<hbm>> -> memref<64xf32, #tpu.memory_space<hbm>>
        %dma_start3A_97 = arith.constant 0 : i32
        %dma_start3A_98 = tpu.memref_slice %arg10[%dma_start3A_97] : memref<1024xf32, #tpu.memory_space<vmem>> -> memref<64xf32, #tpu.memory_space<vmem>>
        %dma_start3A_99 = tpu.memref_slice %arg2[%add3A_79] : memref<49152xf32, #tpu.memory_space<hbm>> -> memref<64xf32, #tpu.memory_space<hbm>>
        tpu.enqueue_dma source(%dma_start3A_99 : memref<64xf32, #tpu.memory_space<hbm>>) target(%dma_start3A_98 : memref<64xf32, #tpu.memory_space<vmem>>) target_semaphore(%run_scoped3A : memref<!tpu.dma_semaphore, #tpu.memory_space<semaphore_mem>>)
        %dma_wait3A = arith.constant 0 : i32
        %dma_wait3A_100 = tpu.memref_slice %arg10[%dma_wait3A] : memref<1024xf32, #tpu.memory_space<vmem>> -> memref<64xf32, #tpu.memory_space<vmem>>
        %dma_wait3A_101 = tpu.memref_slice %arg2[%add3A_79] : memref<49152xf32, #tpu.memory_space<hbm>> -> memref<64xf32, #tpu.memory_space<hbm>>
        %dma_wait3A_102 = arith.constant 0 : i32
        %dma_wait3A_103 = tpu.memref_slice %arg10[%dma_wait3A_102] : memref<1024xf32, #tpu.memory_space<vmem>> -> memref<64xf32, #tpu.memory_space<vmem>>
        %dma_wait3A_104 = tpu.memref_slice %arg2[%add3A_79] : memref<49152xf32, #tpu.memory_space<hbm>> -> memref<64xf32, #tpu.memory_space<hbm>>
        tpu.wait_dma2 semaphore(%run_scoped3A : memref<!tpu.dma_semaphore, #tpu.memory_space<semaphore_mem>>) src(%dma_wait3A_104 : memref<64xf32, #tpu.memory_space<hbm>>) dst(%dma_wait3A_103 : memref<64xf32, #tpu.memory_space<vmem>>)
        tpu.yield
      }) : () -> ()
      %add3A_80 = arith.constant 8192 : i32
      %add3A_81 = arith.addi %mul3A_66, %add3A_80 : i32
      "tpu.region"() ({
        %run_scoped3A = tpu.sem_alloc : memref<!tpu.dma_semaphore, #tpu.memory_space<semaphore_mem>>
        %dma_start3A = arith.constant 0 : i32
        %dma_start3A_95 = tpu.memref_slice %arg7[%dma_start3A] : memref<4096xf32, #tpu.memory_space<vmem>> -> memref<4096xf32, #tpu.memory_space<vmem>>
        %dma_start3A_96 = tpu.memref_slice %arg3[%add3A_81] : memref<49152xf32, #tpu.memory_space<hbm>> -> memref<4096xf32, #tpu.memory_space<hbm>>
        %dma_start3A_97 = arith.constant 0 : i32
        %dma_start3A_98 = tpu.memref_slice %arg7[%dma_start3A_97] : memref<4096xf32, #tpu.memory_space<vmem>> -> memref<4096xf32, #tpu.memory_space<vmem>>
        %dma_start3A_99 = tpu.memref_slice %arg3[%add3A_81] : memref<49152xf32, #tpu.memory_space<hbm>> -> memref<4096xf32, #tpu.memory_space<hbm>>
        tpu.enqueue_dma source(%dma_start3A_99 : memref<4096xf32, #tpu.memory_space<hbm>>) target(%dma_start3A_98 : memref<4096xf32, #tpu.memory_space<vmem>>) target_semaphore(%run_scoped3A : memref<!tpu.dma_semaphore, #tpu.memory_space<semaphore_mem>>)
        %dma_wait3A = arith.constant 0 : i32
        %dma_wait3A_100 = tpu.memref_slice %arg7[%dma_wait3A] : memref<4096xf32, #tpu.memory_space<vmem>> -> memref<4096xf32, #tpu.memory_space<vmem>>
        %dma_wait3A_101 = tpu.memref_slice %arg3[%add3A_81] : memref<49152xf32, #tpu.memory_space<hbm>> -> memref<4096xf32, #tpu.memory_space<hbm>>
        %dma_wait3A_102 = arith.constant 0 : i32
        %dma_wait3A_103 = tpu.memref_slice %arg7[%dma_wait3A_102] : memref<4096xf32, #tpu.memory_space<vmem>> -> memref<4096xf32, #tpu.memory_space<vmem>>
        %dma_wait3A_104 = tpu.memref_slice %arg3[%add3A_81] : memref<49152xf32, #tpu.memory_space<hbm>> -> memref<4096xf32, #tpu.memory_space<hbm>>
        tpu.wait_dma2 semaphore(%run_scoped3A : memref<!tpu.dma_semaphore, #tpu.memory_space<semaphore_mem>>) src(%dma_wait3A_104 : memref<4096xf32, #tpu.memory_space<hbm>>) dst(%dma_wait3A_103 : memref<4096xf32, #tpu.memory_space<vmem>>)
        tpu.yield
      }) : () -> ()
      %add3A_82 = arith.constant 8192 : i32
      %add3A_83 = arith.addi %add3A_62, %add3A_82 : i32
      "tpu.region"() ({
        %run_scoped3A = tpu.sem_alloc : memref<!tpu.dma_semaphore, #tpu.memory_space<semaphore_mem>>
        %dma_start3A = arith.constant 0 : i32
        %dma_start3A_95 = tpu.memref_slice %arg11[%dma_start3A] : memref<1024xf32, #tpu.memory_space<vmem>> -> memref<64xf32, #tpu.memory_space<vmem>>
        %dma_start3A_96 = tpu.memref_slice %arg2[%add3A_83] : memref<49152xf32, #tpu.memory_space<hbm>> -> memref<64xf32, #tpu.memory_space<hbm>>
        %dma_start3A_97 = arith.constant 0 : i32
        %dma_start3A_98 = tpu.memref_slice %arg11[%dma_start3A_97] : memref<1024xf32, #tpu.memory_space<vmem>> -> memref<64xf32, #tpu.memory_space<vmem>>
        %dma_start3A_99 = tpu.memref_slice %arg2[%add3A_83] : memref<49152xf32, #tpu.memory_space<hbm>> -> memref<64xf32, #tpu.memory_space<hbm>>
        tpu.enqueue_dma source(%dma_start3A_99 : memref<64xf32, #tpu.memory_space<hbm>>) target(%dma_start3A_98 : memref<64xf32, #tpu.memory_space<vmem>>) target_semaphore(%run_scoped3A : memref<!tpu.dma_semaphore, #tpu.memory_space<semaphore_mem>>)
        %dma_wait3A = arith.constant 0 : i32
        %dma_wait3A_100 = tpu.memref_slice %arg11[%dma_wait3A] : memref<1024xf32, #tpu.memory_space<vmem>> -> memref<64xf32, #tpu.memory_space<vmem>>
        %dma_wait3A_101 = tpu.memref_slice %arg2[%add3A_83] : memref<49152xf32, #tpu.memory_space<hbm>> -> memref<64xf32, #tpu.memory_space<hbm>>
        %dma_wait3A_102 = arith.constant 0 : i32
        %dma_wait3A_103 = tpu.memref_slice %arg11[%dma_wait3A_102] : memref<1024xf32, #tpu.memory_space<vmem>> -> memref<64xf32, #tpu.memory_space<vmem>>
        %dma_wait3A_104 = tpu.memref_slice %arg2[%add3A_83] : memref<49152xf32, #tpu.memory_space<hbm>> -> memref<64xf32, #tpu.memory_space<hbm>>
        tpu.wait_dma2 semaphore(%run_scoped3A : memref<!tpu.dma_semaphore, #tpu.memory_space<semaphore_mem>>) src(%dma_wait3A_104 : memref<64xf32, #tpu.memory_space<hbm>>) dst(%dma_wait3A_103 : memref<64xf32, #tpu.memory_space<vmem>>)
        tpu.yield
      }) : () -> ()
      %scan3A = arith.constant 0 : i32
      %scan3A_84 = arith.constant 0 : i32
      %scan3A_85 = arith.constant 256 : i32
      %scan3A_86 = arith.addi %scan3A_84, %scan3A_85 : i32
      %scan3A_87 = arith.constant 1 : i32
      scf.for %scan3A_95 = %scan3A_84 to %scan3A_86 step %scan3A_87  : i32 {
        %mul3A_96 = arith.constant 16 : i32
        %mul3A_97 = arith.muli %scan3A_95, %mul3A_96 : i32
        %get3A = arith.index_cast %mul3A_97 : i32 to index
        %get3A_98 = tpu.vector_load %arg5[%get3A] {strides = array<i32>} : memref<4096xf32, #tpu.memory_space<vmem>>, vector<16xf32>,
        %get3A_99 = vector.shape_cast %get3A_98 : vector<16xf32> to vector<16xf32>
        %get3A_100 = arith.index_cast %mul3A_97 : i32 to index
        %get3A_101 = tpu.vector_load %arg6[%get3A_100] {strides = array<i32>} : memref<4096xf32, #tpu.memory_space<vmem>>, vector<16xf32>,
        %get3A_102 = vector.shape_cast %get3A_101 : vector<16xf32> to vector<16xf32>
        %get3A_103 = arith.index_cast %mul3A_97 : i32 to index
        %get3A_104 = tpu.vector_load %arg7[%get3A_103] {strides = array<i32>} : memref<4096xf32, #tpu.memory_space<vmem>>, vector<16xf32>,
        %get3A_105 = vector.shape_cast %get3A_104 : vector<16xf32> to vector<16xf32>
        %mul3A_106 = arith.mulf %get3A_99, %get3A_99 : vector<16xf32>
        %mul3A_107 = arith.mulf %get3A_102, %get3A_102 : vector<16xf32>
        %add3A_108 = arith.addf %mul3A_106, %mul3A_107 : vector<16xf32>
        %mul3A_109 = arith.mulf %get3A_105, %get3A_105 : vector<16xf32>
        %add3A_110 = arith.addf %add3A_108, %mul3A_109 : vector<16xf32>
        %swap3A = arith.index_cast %mul3A_97 : i32 to index
        %swap3A_111 = tpu.vector_load %arg8[%swap3A] {strides = array<i32>} : memref<4096xf32, #tpu.memory_space<vmem>>, vector<16xf32>,
        %swap3A_112 = vector.shape_cast %swap3A_111 : vector<16xf32> to vector<16xf32>
        %swap3A_113 = vector.shape_cast %add3A_110 : vector<16xf32> to vector<16xf32>
        tpu.vector_store %arg8[%swap3A], %swap3A_113 {strides = array<i32>} : memref<4096xf32, #tpu.memory_space<vmem>>, vector<16xf32>,
        %mul3A_114 = arith.constant -2.000000e+00 : f32
        %mul3A_115 = vector.broadcast %mul3A_114 : f32 to vector<16xf32>
        %mul3A_116 = arith.mulf %get3A_99, %mul3A_115 : vector<16xf32>
        %swap3A_117 = arith.index_cast %mul3A_97 : i32 to index
        %swap3A_118 = tpu.vector_load %arg5[%swap3A_117] {strides = array<i32>} : memref<4096xf32, #tpu.memory_space<vmem>>, vector<16xf32>,
        %swap3A_119 = vector.shape_cast %swap3A_118 : vector<16xf32> to vector<16xf32>
        %swap3A_120 = vector.shape_cast %mul3A_116 : vector<16xf32> to vector<16xf32>
        tpu.vector_store %arg5[%swap3A_117], %swap3A_120 {strides = array<i32>} : memref<4096xf32, #tpu.memory_space<vmem>>, vector<16xf32>,
        %mul3A_121 = arith.constant -2.000000e+00 : f32
        %mul3A_122 = vector.broadcast %mul3A_121 : f32 to vector<16xf32>
        %mul3A_123 = arith.mulf %get3A_102, %mul3A_122 : vector<16xf32>
        %swap3A_124 = arith.index_cast %mul3A_97 : i32 to index
        %swap3A_125 = tpu.vector_load %arg6[%swap3A_124] {strides = array<i32>} : memref<4096xf32, #tpu.memory_space<vmem>>, vector<16xf32>,
        %swap3A_126 = vector.shape_cast %swap3A_125 : vector<16xf32> to vector<16xf32>
        %swap3A_127 = vector.shape_cast %mul3A_123 : vector<16xf32> to vector<16xf32>
        tpu.vector_store %arg6[%swap3A_124], %swap3A_127 {strides = array<i32>} : memref<4096xf32, #tpu.memory_space<vmem>>, vector<16xf32>,
        %mul3A_128 = arith.constant -2.000000e+00 : f32
        %mul3A_129 = vector.broadcast %mul3A_128 : f32 to vector<16xf32>
        %mul3A_130 = arith.mulf %get3A_105, %mul3A_129 : vector<16xf32>
        %swap3A_131 = arith.index_cast %mul3A_97 : i32 to index
        %swap3A_132 = tpu.vector_load %arg7[%swap3A_131] {strides = array<i32>} : memref<4096xf32, #tpu.memory_space<vmem>>, vector<16xf32>,
        %swap3A_133 = vector.shape_cast %swap3A_132 : vector<16xf32> to vector<16xf32>
        %swap3A_134 = vector.shape_cast %mul3A_130 : vector<16xf32> to vector<16xf32>
        tpu.vector_store %arg7[%swap3A_131], %swap3A_134 {strides = array<i32>} : memref<4096xf32, #tpu.memory_space<vmem>>, vector<16xf32>,
      }
      %scan3A_88 = arith.constant 256 : i32
      %scan3A_89 = arith.constant 0 : i32
      %scan3A_90 = arith.constant 0 : i32
      %scan3A_91 = arith.constant 2 : i32
      %scan3A_92 = arith.addi %scan3A_90, %scan3A_91 : i32
      %scan3A_93 = arith.constant 1 : i32
      scf.for %scan3A_95 = %scan3A_90 to %scan3A_92 step %scan3A_93  : i32 {
        %mul3A_96 = arith.constant 32 : i32
        %mul3A_97 = arith.muli %scan3A_95, %mul3A_96 : i32
        %add3A_98 = arith.constant 0 : i32
        %add3A_99 = arith.addi %mul3A_97, %add3A_98 : i32
        %get3A = arith.index_cast %add3A_99 : i32 to index
        %get3A_100 = tpu.vector_load %arg9[%get3A] {strides = array<i32>} : memref<1024xf32, #tpu.memory_space<vmem>>, vector<16xf32>,
        %get3A_101 = vector.shape_cast %get3A_100 : vector<16xf32> to vector<16xf32>
        %add3A_102 = arith.constant 16 : i32
        %add3A_103 = arith.addi %mul3A_97, %add3A_102 : i32
        %get3A_104 = arith.index_cast %add3A_103 : i32 to index
        %get3A_105 = tpu.vector_load %arg9[%get3A_104] {strides = array<i32>} : memref<1024xf32, #tpu.memory_space<vmem>>, vector<16xf32>,
        %get3A_106 = vector.shape_cast %get3A_105 : vector<16xf32> to vector<16xf32>
        %add3A_107 = arith.constant 0 : i32
        %add3A_108 = arith.addi %mul3A_97, %add3A_107 : i32
        %get3A_109 = arith.index_cast %add3A_108 : i32 to index
        %get3A_110 = tpu.vector_load %arg10[%get3A_109] {strides = array<i32>} : memref<1024xf32, #tpu.memory_space<vmem>>, vector<16xf32>,
        %get3A_111 = vector.shape_cast %get3A_110 : vector<16xf32> to vector<16xf32>
        %add3A_112 = arith.constant 16 : i32
        %add3A_113 = arith.addi %mul3A_97, %add3A_112 : i32
        %get3A_114 = arith.index_cast %add3A_113 : i32 to index
        %get3A_115 = tpu.vector_load %arg10[%get3A_114] {strides = array<i32>} : memref<1024xf32, #tpu.memory_space<vmem>>, vector<16xf32>,
        %get3A_116 = vector.shape_cast %get3A_115 : vector<16xf32> to vector<16xf32>
        %add3A_117 = arith.constant 0 : i32
        %add3A_118 = arith.addi %mul3A_97, %add3A_117 : i32
        %get3A_119 = arith.index_cast %add3A_118 : i32 to index
        %get3A_120 = tpu.vector_load %arg11[%get3A_119] {strides = array<i32>} : memref<1024xf32, #tpu.memory_space<vmem>>, vector<16xf32>,
        %get3A_121 = vector.shape_cast %get3A_120 : vector<16xf32> to vector<16xf32>
        %add3A_122 = arith.constant 16 : i32
        %add3A_123 = arith.addi %mul3A_97, %add3A_122 : i32
        %get3A_124 = arith.index_cast %add3A_123 : i32 to index
        %get3A_125 = tpu.vector_load %arg11[%get3A_124] {strides = array<i32>} : memref<1024xf32, #tpu.memory_space<vmem>>, vector<16xf32>,
        %get3A_126 = vector.shape_cast %get3A_125 : vector<16xf32> to vector<16xf32>
        %mul3A_127 = arith.mulf %get3A_101, %get3A_101 : vector<16xf32>
        %mul3A_128 = arith.mulf %get3A_111, %get3A_111 : vector<16xf32>
        %add3A_129 = arith.addf %mul3A_127, %mul3A_128 : vector<16xf32>
        %mul3A_130 = arith.mulf %get3A_121, %get3A_121 : vector<16xf32>
        %add3A_131 = arith.addf %add3A_129, %mul3A_130 : vector<16xf32>
        %mul3A_132 = arith.mulf %get3A_106, %get3A_106 : vector<16xf32>
        %mul3A_133 = arith.mulf %get3A_116, %get3A_116 : vector<16xf32>
        %add3A_134 = arith.addf %mul3A_132, %mul3A_133 : vector<16xf32>
        %mul3A_135 = arith.mulf %get3A_126, %get3A_126 : vector<16xf32>
        %add3A_136 = arith.addf %add3A_134, %mul3A_135 : vector<16xf32>
        %broadcast_in_dim3A = arith.constant 0x7F800000 : f32
        %broadcast_in_dim3A_137 = vector.broadcast %broadcast_in_dim3A : f32 to vector<16xf32>
        %scan3A_138 = arith.constant 0 : i32
        %scan3A_139 = arith.constant 256 : i32
        %scan3A_140 = arith.addi %scan3A_138, %scan3A_139 : i32
        %scan3A_141 = arith.constant 1 : i32
        %scan3A_142:2 = scf.for %scan3A_157 = %scan3A_138 to %scan3A_140 step %scan3A_141 iter_args(%scan3A_158 = %broadcast_in_dim3A_137, %scan3A_159 = %broadcast_in_dim3A_137) -> (vector<16xf32>, vector<16xf32>)  : i32 {
          %mul3A_160 = arith.constant 16 : i32
          %mul3A_161 = arith.muli %scan3A_157, %mul3A_160 : i32
          %get3A_162 = arith.index_cast %mul3A_161 : i32 to index
          %get3A_163 = tpu.vector_load %arg5[%get3A_162] {strides = array<i32>} : memref<4096xf32, #tpu.memory_space<vmem>>, vector<16xf32>,
          %get3A_164 = vector.shape_cast %get3A_163 : vector<16xf32> to vector<16xf32>
          %get3A_165 = arith.index_cast %mul3A_161 : i32 to index
          %get3A_166 = tpu.vector_load %arg6[%get3A_165] {strides = array<i32>} : memref<4096xf32, #tpu.memory_space<vmem>>, vector<16xf32>,
          %get3A_167 = vector.shape_cast %get3A_166 : vector<16xf32> to vector<16xf32>
          %get3A_168 = arith.index_cast %mul3A_161 : i32 to index
          %get3A_169 = tpu.vector_load %arg7[%get3A_168] {strides = array<i32>} : memref<4096xf32, #tpu.memory_space<vmem>>, vector<16xf32>,
          %get3A_170 = vector.shape_cast %get3A_169 : vector<16xf32> to vector<16xf32>
          %get3A_171 = arith.index_cast %mul3A_161 : i32 to index
          %get3A_172 = tpu.vector_load %arg8[%get3A_171] {strides = array<i32>} : memref<4096xf32, #tpu.memory_space<vmem>>, vector<16xf32>,
          %get3A_173 = vector.shape_cast %get3A_172 : vector<16xf32> to vector<16xf32>
          %broadcast_in_dim3A_174 = arith.constant 0 : i32
          %broadcast_in_dim3A_175 = vector.broadcast %broadcast_in_dim3A_174 : i32 to vector<16xi32>
          %lt3A_176 = arith.constant 0 : i32
          %lt3A_177 = vector.broadcast %lt3A_176 : i32 to vector<16xi32>
          %lt3A_178 = arith.cmpi slt, %broadcast_in_dim3A_175, %lt3A_177 : vector<16xi32>
          %add3A_179 = arith.constant 16 : i32
          %add3A_180 = vector.broadcast %add3A_179 : i32 to vector<16xi32>
          %add3A_181 = arith.addi %broadcast_in_dim3A_175, %add3A_180 : vector<16xi32>
          %select_n3A_182 = arith.select %lt3A_178, %add3A_181, %broadcast_in_dim3A_175 : vector<16xi1>, vector<16xi32>
          %broadcast_in_dim3A_183 = vector.shape_cast %select_n3A_182 : vector<16xi32> to vector<16x1xi32>
          %gather3A = vector.shape_cast %broadcast_in_dim3A_183 : vector<16x1xi32> to vector<16xi32>
          %gather3A_184 = tpu.dynamic_gather %get3A_164[%gather3A] in [0] : vector<16xf32>, vector<16xi32> -> vector<16xf32>
          %lt3A_185 = arith.constant 0 : i32
          %lt3A_186 = vector.broadcast %lt3A_185 : i32 to vector<16xi32>
          %lt3A_187 = arith.cmpi slt, %broadcast_in_dim3A_175, %lt3A_186 : vector<16xi32>
          %add3A_188 = arith.constant 16 : i32
          %add3A_189 = vector.broadcast %add3A_188 : i32 to vector<16xi32>
          %add3A_190 = arith.addi %broadcast_in_dim3A_175, %add3A_189 : vector<16xi32>
          %select_n3A_191 = arith.select %lt3A_187, %add3A_190, %broadcast_in_dim3A_175 : vector<16xi1>, vector<16xi32>
          %broadcast_in_dim3A_192 = vector.shape_cast %select_n3A_191 : vector<16xi32> to vector<16x1xi32>
          %gather3A_193 = vector.shape_cast %broadcast_in_dim3A_192 : vector<16x1xi32> to vector<16xi32>
          %gather3A_194 = tpu.dynamic_gather %get3A_167[%gather3A_193] in [0] : vector<16xf32>, vector<16xi32> -> vector<16xf32>
          %lt3A_195 = arith.constant 0 : i32
          %lt3A_196 = vector.broadcast %lt3A_195 : i32 to vector<16xi32>
          %lt3A_197 = arith.cmpi slt, %broadcast_in_dim3A_175, %lt3A_196 : vector<16xi32>
          %add3A_198 = arith.constant 16 : i32
          %add3A_199 = vector.broadcast %add3A_198 : i32 to vector<16xi32>
          %add3A_200 = arith.addi %broadcast_in_dim3A_175, %add3A_199 : vector<16xi32>
          %select_n3A_201 = arith.select %lt3A_197, %add3A_200, %broadcast_in_dim3A_175 : vector<16xi1>, vector<16xi32>
          %broadcast_in_dim3A_202 = vector.shape_cast %select_n3A_201 : vector<16xi32> to vector<16x1xi32>
          %gather3A_203 = vector.shape_cast %broadcast_in_dim3A_202 : vector<16x1xi32> to vector<16xi32>
          %gather3A_204 = tpu.dynamic_gather %get3A_170[%gather3A_203] in [0] : vector<16xf32>, vector<16xi32> -> vector<16xf32>
          %lt3A_205 = arith.constant 0 : i32
          %lt3A_206 = vector.broadcast %lt3A_205 : i32 to vector<16xi32>
          %lt3A_207 = arith.cmpi slt, %broadcast_in_dim3A_175, %lt3A_206 : vector<16xi32>
          %add3A_208 = arith.constant 16 : i32
          %add3A_209 = vector.broadcast %add3A_208 : i32 to vector<16xi32>
          %add3A_210 = arith.addi %broadcast_in_dim3A_175, %add3A_209 : vector<16xi32>
          %select_n3A_211 = arith.select %lt3A_207, %add3A_210, %broadcast_in_dim3A_175 : vector<16xi1>, vector<16xi32>
          %broadcast_in_dim3A_212 = vector.shape_cast %select_n3A_211 : vector<16xi32> to vector<16x1xi32>
          %gather3A_213 = vector.shape_cast %broadcast_in_dim3A_212 : vector<16x1xi32> to vector<16xi32>
          %gather3A_214 = tpu.dynamic_gather %get3A_173[%gather3A_213] in [0] : vector<16xf32>, vector<16xi32> -> vector<16xf32>
          %mul3A_215 = arith.mulf %get3A_101, %gather3A_184 : vector<16xf32>
          %mul3A_216 = arith.mulf %get3A_111, %gather3A_194 : vector<16xf32>
          %add3A_217 = arith.addf %mul3A_215, %mul3A_216 : vector<16xf32>
          %mul3A_218 = arith.mulf %get3A_121, %gather3A_204 : vector<16xf32>
          %add3A_219 = arith.addf %mul3A_218, %gather3A_214 : vector<16xf32>
          %add3A_220 = arith.addf %add3A_217, %add3A_219 : vector<16xf32>
          %min3A = arith.minimumf %scan3A_158, %add3A_220 : vector<16xf32>
          %mul3A_221 = arith.mulf %get3A_106, %gather3A_184 : vector<16xf32>
          %mul3A_222 = arith.mulf %get3A_116, %gather3A_194 : vector<16xf32>
          %add3A_223 = arith.addf %mul3A_221, %mul3A_222 : vector<16xf32>
          %mul3A_224 = arith.mulf %get3A_126, %gather3A_204 : vector<16xf32>
          %add3A_225 = arith.addf %mul3A_224, %gather3A_214 : vector<16xf32>
          %add3A_226 = arith.addf %add3A_223, %add3A_225 : vector<16xf32>
          %min3A_227 = arith.minimumf %scan3A_159, %add3A_226 : vector<16xf32>
          %broadcast_in_dim3A_228 = arith.constant 1 : i32
          %broadcast_in_dim3A_229 = vector.broadcast %broadcast_in_dim3A_228 : i32 to vector<16xi32>
          %lt3A_230 = arith.constant 0 : i32
          %lt3A_231 = vector.broadcast %lt3A_230 : i32 to vector<16xi32>
          %lt3A_232 = arith.cmpi slt, %broadcast_in_dim3A_229, %lt3A_231 : vector<16xi32>
          %add3A_233 = arith.constant 16 : i32
          %add3A_234 = vector.broadcast %add3A_233 : i32 to vector<16xi32>
          %add3A_235 = arith.addi %broadcast_in_dim3A_229, %add3A_234 : vector<16xi32>
          %select_n3A_236 = arith.select %lt3A_232, %add3A_235, %broadcast_in_dim3A_229 : vector<16xi1>, vector<16xi32>
          %broadcast_in_dim3A_237 = vector.shape_cast %select_n3A_236 : vector<16xi32> to vector<16x1xi32>
          %gather3A_238 = vector.shape_cast %broadcast_in_dim3A_237 : vector<16x1xi32> to vector<16xi32>
          %gather3A_239 = tpu.dynamic_gather %get3A_164[%gather3A_238] in [0] : vector<16xf32>, vector<16xi32> -> vector<16xf32>
          %lt3A_240 = arith.constant 0 : i32
          %lt3A_241 = vector.broadcast %lt3A_240 : i32 to vector<16xi32>
          %lt3A_242 = arith.cmpi slt, %broadcast_in_dim3A_229, %lt3A_241 : vector<16xi32>
          %add3A_243 = arith.constant 16 : i32
          %add3A_244 = vector.broadcast %add3A_243 : i32 to vector<16xi32>
          %add3A_245 = arith.addi %broadcast_in_dim3A_229, %add3A_244 : vector<16xi32>
          %select_n3A_246 = arith.select %lt3A_242, %add3A_245, %broadcast_in_dim3A_229 : vector<16xi1>, vector<16xi32>
          %broadcast_in_dim3A_247 = vector.shape_cast %select_n3A_246 : vector<16xi32> to vector<16x1xi32>
          %gather3A_248 = vector.shape_cast %broadcast_in_dim3A_247 : vector<16x1xi32> to vector<16xi32>
          %gather3A_249 = tpu.dynamic_gather %get3A_167[%gather3A_248] in [0] : vector<16xf32>, vector<16xi32> -> vector<16xf32>
          %lt3A_250 = arith.constant 0 : i32
          %lt3A_251 = vector.broadcast %lt3A_250 : i32 to vector<16xi32>
          %lt3A_252 = arith.cmpi slt, %broadcast_in_dim3A_229, %lt3A_251 : vector<16xi32>
          %add3A_253 = arith.constant 16 : i32
          %add3A_254 = vector.broadcast %add3A_253 : i32 to vector<16xi32>
          %add3A_255 = arith.addi %broadcast_in_dim3A_229, %add3A_254 : vector<16xi32>
          %select_n3A_256 = arith.select %lt3A_252, %add3A_255, %broadcast_in_dim3A_229 : vector<16xi1>, vector<16xi32>
          %broadcast_in_dim3A_257 = vector.shape_cast %select_n3A_256 : vector<16xi32> to vector<16x1xi32>
          %gather3A_258 = vector.shape_cast %broadcast_in_dim3A_257 : vector<16x1xi32> to vector<16xi32>
          %gather3A_259 = tpu.dynamic_gather %get3A_170[%gather3A_258] in [0] : vector<16xf32>, vector<16xi32> -> vector<16xf32>
          %lt3A_260 = arith.constant 0 : i32
          %lt3A_261 = vector.broadcast %lt3A_260 : i32 to vector<16xi32>
          %lt3A_262 = arith.cmpi slt, %broadcast_in_dim3A_229, %lt3A_261 : vector<16xi32>
          %add3A_263 = arith.constant 16 : i32
          %add3A_264 = vector.broadcast %add3A_263 : i32 to vector<16xi32>
          %add3A_265 = arith.addi %broadcast_in_dim3A_229, %add3A_264 : vector<16xi32>
          %select_n3A_266 = arith.select %lt3A_262, %add3A_265, %broadcast_in_dim3A_229 : vector<16xi1>, vector<16xi32>
          %broadcast_in_dim3A_267 = vector.shape_cast %select_n3A_266 : vector<16xi32> to vector<16x1xi32>
          %gather3A_268 = vector.shape_cast %broadcast_in_dim3A_267 : vector<16x1xi32> to vector<16xi32>
          %gather3A_269 = tpu.dynamic_gather %get3A_173[%gather3A_268] in [0] : vector<16xf32>, vector<16xi32> -> vector<16xf32>
          %mul3A_270 = arith.mulf %get3A_101, %gather3A_239 : vector<16xf32>
          %mul3A_271 = arith.mulf %get3A_111, %gather3A_249 : vector<16xf32>
          %add3A_272 = arith.addf %mul3A_270, %mul3A_271 : vector<16xf32>
          %mul3A_273 = arith.mulf %get3A_121, %gather3A_259 : vector<16xf32>
          %add3A_274 = arith.addf %mul3A_273, %gather3A_269 : vector<16xf32>
          %add3A_275 = arith.addf %add3A_272, %add3A_274 : vector<16xf32>
          %min3A_276 = arith.minimumf %min3A, %add3A_275 : vector<16xf32>
          %mul3A_277 = arith.mulf %get3A_106, %gather3A_239 : vector<16xf32>
          %mul3A_278 = arith.mulf %get3A_116, %gather3A_249 : vector<16xf32>
          %add3A_279 = arith.addf %mul3A_277, %mul3A_278 : vector<16xf32>
          %mul3A_280 = arith.mulf %get3A_126, %gather3A_259 : vector<16xf32>
          %add3A_281 = arith.addf %mul3A_280, %gather3A_269 : vector<16xf32>
          %add3A_282 = arith.addf %add3A_279, %add3A_281 : vector<16xf32>
          %min3A_283 = arith.minimumf %min3A_227, %add3A_282 : vector<16xf32>
          %broadcast_in_dim3A_284 = arith.constant 2 : i32
          %broadcast_in_dim3A_285 = vector.broadcast %broadcast_in_dim3A_284 : i32 to vector<16xi32>
          %lt3A_286 = arith.constant 0 : i32
          %lt3A_287 = vector.broadcast %lt3A_286 : i32 to vector<16xi32>
          %lt3A_288 = arith.cmpi slt, %broadcast_in_dim3A_285, %lt3A_287 : vector<16xi32>
          %add3A_289 = arith.constant 16 : i32
          %add3A_290 = vector.broadcast %add3A_289 : i32 to vector<16xi32>
          %add3A_291 = arith.addi %broadcast_in_dim3A_285, %add3A_290 : vector<16xi32>
          %select_n3A_292 = arith.select %lt3A_288, %add3A_291, %broadcast_in_dim3A_285 : vector<16xi1>, vector<16xi32>
          %broadcast_in_dim3A_293 = vector.shape_cast %select_n3A_292 : vector<16xi32> to vector<16x1xi32>
          %gather3A_294 = vector.shape_cast %broadcast_in_dim3A_293 : vector<16x1xi32> to vector<16xi32>
          %gather3A_295 = tpu.dynamic_gather %get3A_164[%gather3A_294] in [0] : vector<16xf32>, vector<16xi32> -> vector<16xf32>
          %lt3A_296 = arith.constant 0 : i32
          %lt3A_297 = vector.broadcast %lt3A_296 : i32 to vector<16xi32>
          %lt3A_298 = arith.cmpi slt, %broadcast_in_dim3A_285, %lt3A_297 : vector<16xi32>
          %add3A_299 = arith.constant 16 : i32
          %add3A_300 = vector.broadcast %add3A_299 : i32 to vector<16xi32>
          %add3A_301 = arith.addi %broadcast_in_dim3A_285, %add3A_300 : vector<16xi32>
          %select_n3A_302 = arith.select %lt3A_298, %add3A_301, %broadcast_in_dim3A_285 : vector<16xi1>, vector<16xi32>
          %broadcast_in_dim3A_303 = vector.shape_cast %select_n3A_302 : vector<16xi32> to vector<16x1xi32>
          %gather3A_304 = vector.shape_cast %broadcast_in_dim3A_303 : vector<16x1xi32> to vector<16xi32>
          %gather3A_305 = tpu.dynamic_gather %get3A_167[%gather3A_304] in [0] : vector<16xf32>, vector<16xi32> -> vector<16xf32>
          %lt3A_306 = arith.constant 0 : i32
          %lt3A_307 = vector.broadcast %lt3A_306 : i32 to vector<16xi32>
          %lt3A_308 = arith.cmpi slt, %broadcast_in_dim3A_285, %lt3A_307 : vector<16xi32>
          %add3A_309 = arith.constant 16 : i32
          %add3A_310 = vector.broadcast %add3A_309 : i32 to vector<16xi32>
          %add3A_311 = arith.addi %broadcast_in_dim3A_285, %add3A_310 : vector<16xi32>
          %select_n3A_312 = arith.select %lt3A_308, %add3A_311, %broadcast_in_dim3A_285 : vector<16xi1>, vector<16xi32>
          %broadcast_in_dim3A_313 = vector.shape_cast %select_n3A_312 : vector<16xi32> to vector<16x1xi32>
          %gather3A_314 = vector.shape_cast %broadcast_in_dim3A_313 : vector<16x1xi32> to vector<16xi32>
          %gather3A_315 = tpu.dynamic_gather %get3A_170[%gather3A_314] in [0] : vector<16xf32>, vector<16xi32> -> vector<16xf32>
          %lt3A_316 = arith.constant 0 : i32
          %lt3A_317 = vector.broadcast %lt3A_316 : i32 to vector<16xi32>
          %lt3A_318 = arith.cmpi slt, %broadcast_in_dim3A_285, %lt3A_317 : vector<16xi32>
          %add3A_319 = arith.constant 16 : i32
          %add3A_320 = vector.broadcast %add3A_319 : i32 to vector<16xi32>
          %add3A_321 = arith.addi %broadcast_in_dim3A_285, %add3A_320 : vector<16xi32>
          %select_n3A_322 = arith.select %lt3A_318, %add3A_321, %broadcast_in_dim3A_285 : vector<16xi1>, vector<16xi32>
          %broadcast_in_dim3A_323 = vector.shape_cast %select_n3A_322 : vector<16xi32> to vector<16x1xi32>
          %gather3A_324 = vector.shape_cast %broadcast_in_dim3A_323 : vector<16x1xi32> to vector<16xi32>
          %gather3A_325 = tpu.dynamic_gather %get3A_173[%gather3A_324] in [0] : vector<16xf32>, vector<16xi32> -> vector<16xf32>
          %mul3A_326 = arith.mulf %get3A_101, %gather3A_295 : vector<16xf32>
          %mul3A_327 = arith.mulf %get3A_111, %gather3A_305 : vector<16xf32>
          %add3A_328 = arith.addf %mul3A_326, %mul3A_327 : vector<16xf32>
          %mul3A_329 = arith.mulf %get3A_121, %gather3A_315 : vector<16xf32>
          %add3A_330 = arith.addf %mul3A_329, %gather3A_325 : vector<16xf32>
          %add3A_331 = arith.addf %add3A_328, %add3A_330 : vector<16xf32>
          %min3A_332 = arith.minimumf %min3A_276, %add3A_331 : vector<16xf32>
          %mul3A_333 = arith.mulf %get3A_106, %gather3A_295 : vector<16xf32>
          %mul3A_334 = arith.mulf %get3A_116, %gather3A_305 : vector<16xf32>
          %add3A_335 = arith.addf %mul3A_333, %mul3A_334 : vector<16xf32>
          %mul3A_336 = arith.mulf %get3A_126, %gather3A_315 : vector<16xf32>
          %add3A_337 = arith.addf %mul3A_336, %gather3A_325 : vector<16xf32>
          %add3A_338 = arith.addf %add3A_335, %add3A_337 : vector<16xf32>
          %min3A_339 = arith.minimumf %min3A_283, %add3A_338 : vector<16xf32>
          %broadcast_in_dim3A_340 = arith.constant 3 : i32
          %broadcast_in_dim3A_341 = vector.broadcast %broadcast_in_dim3A_340 : i32 to vector<16xi32>
          %lt3A_342 = arith.constant 0 : i32
          %lt3A_343 = vector.broadcast %lt3A_342 : i32 to vector<16xi32>
          %lt3A_344 = arith.cmpi slt, %broadcast_in_dim3A_341, %lt3A_343 : vector<16xi32>
          %add3A_345 = arith.constant 16 : i32
          %add3A_346 = vector.broadcast %add3A_345 : i32 to vector<16xi32>
          %add3A_347 = arith.addi %broadcast_in_dim3A_341, %add3A_346 : vector<16xi32>
          %select_n3A_348 = arith.select %lt3A_344, %add3A_347, %broadcast_in_dim3A_341 : vector<16xi1>, vector<16xi32>
          %broadcast_in_dim3A_349 = vector.shape_cast %select_n3A_348 : vector<16xi32> to vector<16x1xi32>
          %gather3A_350 = vector.shape_cast %broadcast_in_dim3A_349 : vector<16x1xi32> to vector<16xi32>
          %gather3A_351 = tpu.dynamic_gather %get3A_164[%gather3A_350] in [0] : vector<16xf32>, vector<16xi32> -> vector<16xf32>
          %lt3A_352 = arith.constant 0 : i32
          %lt3A_353 = vector.broadcast %lt3A_352 : i32 to vector<16xi32>
          %lt3A_354 = arith.cmpi slt, %broadcast_in_dim3A_341, %lt3A_353 : vector<16xi32>
          %add3A_355 = arith.constant 16 : i32
          %add3A_356 = vector.broadcast %add3A_355 : i32 to vector<16xi32>
          %add3A_357 = arith.addi %broadcast_in_dim3A_341, %add3A_356 : vector<16xi32>
          %select_n3A_358 = arith.select %lt3A_354, %add3A_357, %broadcast_in_dim3A_341 : vector<16xi1>, vector<16xi32>
          %broadcast_in_dim3A_359 = vector.shape_cast %select_n3A_358 : vector<16xi32> to vector<16x1xi32>
          %gather3A_360 = vector.shape_cast %broadcast_in_dim3A_359 : vector<16x1xi32> to vector<16xi32>
          %gather3A_361 = tpu.dynamic_gather %get3A_167[%gather3A_360] in [0] : vector<16xf32>, vector<16xi32> -> vector<16xf32>
          %lt3A_362 = arith.constant 0 : i32
          %lt3A_363 = vector.broadcast %lt3A_362 : i32 to vector<16xi32>
          %lt3A_364 = arith.cmpi slt, %broadcast_in_dim3A_341, %lt3A_363 : vector<16xi32>
          %add3A_365 = arith.constant 16 : i32
          %add3A_366 = vector.broadcast %add3A_365 : i32 to vector<16xi32>
          %add3A_367 = arith.addi %broadcast_in_dim3A_341, %add3A_366 : vector<16xi32>
          %select_n3A_368 = arith.select %lt3A_364, %add3A_367, %broadcast_in_dim3A_341 : vector<16xi1>, vector<16xi32>
          %broadcast_in_dim3A_369 = vector.shape_cast %select_n3A_368 : vector<16xi32> to vector<16x1xi32>
          %gather3A_370 = vector.shape_cast %broadcast_in_dim3A_369 : vector<16x1xi32> to vector<16xi32>
          %gather3A_371 = tpu.dynamic_gather %get3A_170[%gather3A_370] in [0] : vector<16xf32>, vector<16xi32> -> vector<16xf32>
          %lt3A_372 = arith.constant 0 : i32
          %lt3A_373 = vector.broadcast %lt3A_372 : i32 to vector<16xi32>
          %lt3A_374 = arith.cmpi slt, %broadcast_in_dim3A_341, %lt3A_373 : vector<16xi32>
          %add3A_375 = arith.constant 16 : i32
          %add3A_376 = vector.broadcast %add3A_375 : i32 to vector<16xi32>
          %add3A_377 = arith.addi %broadcast_in_dim3A_341, %add3A_376 : vector<16xi32>
          %select_n3A_378 = arith.select %lt3A_374, %add3A_377, %broadcast_in_dim3A_341 : vector<16xi1>, vector<16xi32>
          %broadcast_in_dim3A_379 = vector.shape_cast %select_n3A_378 : vector<16xi32> to vector<16x1xi32>
          %gather3A_380 = vector.shape_cast %broadcast_in_dim3A_379 : vector<16x1xi32> to vector<16xi32>
          %gather3A_381 = tpu.dynamic_gather %get3A_173[%gather3A_380] in [0] : vector<16xf32>, vector<16xi32> -> vector<16xf32>
          %mul3A_382 = arith.mulf %get3A_101, %gather3A_351 : vector<16xf32>
          %mul3A_383 = arith.mulf %get3A_111, %gather3A_361 : vector<16xf32>
          %add3A_384 = arith.addf %mul3A_382, %mul3A_383 : vector<16xf32>
          %mul3A_385 = arith.mulf %get3A_121, %gather3A_371 : vector<16xf32>
          %add3A_386 = arith.addf %mul3A_385, %gather3A_381 : vector<16xf32>
          %add3A_387 = arith.addf %add3A_384, %add3A_386 : vector<16xf32>
          %min3A_388 = arith.minimumf %min3A_332, %add3A_387 : vector<16xf32>
          %mul3A_389 = arith.mulf %get3A_106, %gather3A_351 : vector<16xf32>
          %mul3A_390 = arith.mulf %get3A_116, %gather3A_361 : vector<16xf32>
          %add3A_391 = arith.addf %mul3A_389, %mul3A_390 : vector<16xf32>
          %mul3A_392 = arith.mulf %get3A_126, %gather3A_371 : vector<16xf32>
          %add3A_393 = arith.addf %mul3A_392, %gather3A_381 : vector<16xf32>
          %add3A_394 = arith.addf %add3A_391, %add3A_393 : vector<16xf32>
          %min3A_395 = arith.minimumf %min3A_339, %add3A_394 : vector<16xf32>
          %broadcast_in_dim3A_396 = arith.constant 4 : i32
          %broadcast_in_dim3A_397 = vector.broadcast %broadcast_in_dim3A_396 : i32 to vector<16xi32>
          %lt3A_398 = arith.constant 0 : i32
          %lt3A_399 = vector.broadcast %lt3A_398 : i32 to vector<16xi32>
          %lt3A_400 = arith.cmpi slt, %broadcast_in_dim3A_397, %lt3A_399 : vector<16xi32>
          %add3A_401 = arith.constant 16 : i32
          %add3A_402 = vector.broadcast %add3A_401 : i32 to vector<16xi32>
          %add3A_403 = arith.addi %broadcast_in_dim3A_397, %add3A_402 : vector<16xi32>
          %select_n3A_404 = arith.select %lt3A_400, %add3A_403, %broadcast_in_dim3A_397 : vector<16xi1>, vector<16xi32>
          %broadcast_in_dim3A_405 = vector.shape_cast %select_n3A_404 : vector<16xi32> to vector<16x1xi32>
          %gather3A_406 = vector.shape_cast %broadcast_in_dim3A_405 : vector<16x1xi32> to vector<16xi32>
          %gather3A_407 = tpu.dynamic_gather %get3A_164[%gather3A_406] in [0] : vector<16xf32>, vector<16xi32> -> vector<16xf32>
          %lt3A_408 = arith.constant 0 : i32
          %lt3A_409 = vector.broadcast %lt3A_408 : i32 to vector<16xi32>
          %lt3A_410 = arith.cmpi slt, %broadcast_in_dim3A_397, %lt3A_409 : vector<16xi32>
          %add3A_411 = arith.constant 16 : i32
          %add3A_412 = vector.broadcast %add3A_411 : i32 to vector<16xi32>
          %add3A_413 = arith.addi %broadcast_in_dim3A_397, %add3A_412 : vector<16xi32>
          %select_n3A_414 = arith.select %lt3A_410, %add3A_413, %broadcast_in_dim3A_397 : vector<16xi1>, vector<16xi32>
          %broadcast_in_dim3A_415 = vector.shape_cast %select_n3A_414 : vector<16xi32> to vector<16x1xi32>
          %gather3A_416 = vector.shape_cast %broadcast_in_dim3A_415 : vector<16x1xi32> to vector<16xi32>
          %gather3A_417 = tpu.dynamic_gather %get3A_167[%gather3A_416] in [0] : vector<16xf32>, vector<16xi32> -> vector<16xf32>
          %lt3A_418 = arith.constant 0 : i32
          %lt3A_419 = vector.broadcast %lt3A_418 : i32 to vector<16xi32>
          %lt3A_420 = arith.cmpi slt, %broadcast_in_dim3A_397, %lt3A_419 : vector<16xi32>
          %add3A_421 = arith.constant 16 : i32
          %add3A_422 = vector.broadcast %add3A_421 : i32 to vector<16xi32>
          %add3A_423 = arith.addi %broadcast_in_dim3A_397, %add3A_422 : vector<16xi32>
          %select_n3A_424 = arith.select %lt3A_420, %add3A_423, %broadcast_in_dim3A_397 : vector<16xi1>, vector<16xi32>
          %broadcast_in_dim3A_425 = vector.shape_cast %select_n3A_424 : vector<16xi32> to vector<16x1xi32>
          %gather3A_426 = vector.shape_cast %broadcast_in_dim3A_425 : vector<16x1xi32> to vector<16xi32>
          %gather3A_427 = tpu.dynamic_gather %get3A_170[%gather3A_426] in [0] : vector<16xf32>, vector<16xi32> -> vector<16xf32>
          %lt3A_428 = arith.constant 0 : i32
          %lt3A_429 = vector.broadcast %lt3A_428 : i32 to vector<16xi32>
          %lt3A_430 = arith.cmpi slt, %broadcast_in_dim3A_397, %lt3A_429 : vector<16xi32>
          %add3A_431 = arith.constant 16 : i32
          %add3A_432 = vector.broadcast %add3A_431 : i32 to vector<16xi32>
          %add3A_433 = arith.addi %broadcast_in_dim3A_397, %add3A_432 : vector<16xi32>
          %select_n3A_434 = arith.select %lt3A_430, %add3A_433, %broadcast_in_dim3A_397 : vector<16xi1>, vector<16xi32>
          %broadcast_in_dim3A_435 = vector.shape_cast %select_n3A_434 : vector<16xi32> to vector<16x1xi32>
          %gather3A_436 = vector.shape_cast %broadcast_in_dim3A_435 : vector<16x1xi32> to vector<16xi32>
          %gather3A_437 = tpu.dynamic_gather %get3A_173[%gather3A_436] in [0] : vector<16xf32>, vector<16xi32> -> vector<16xf32>
          %mul3A_438 = arith.mulf %get3A_101, %gather3A_407 : vector<16xf32>
          %mul3A_439 = arith.mulf %get3A_111, %gather3A_417 : vector<16xf32>
          %add3A_440 = arith.addf %mul3A_438, %mul3A_439 : vector<16xf32>
          %mul3A_441 = arith.mulf %get3A_121, %gather3A_427 : vector<16xf32>
          %add3A_442 = arith.addf %mul3A_441, %gather3A_437 : vector<16xf32>
          %add3A_443 = arith.addf %add3A_440, %add3A_442 : vector<16xf32>
          %min3A_444 = arith.minimumf %min3A_388, %add3A_443 : vector<16xf32>
          %mul3A_445 = arith.mulf %get3A_106, %gather3A_407 : vector<16xf32>
          %mul3A_446 = arith.mulf %get3A_116, %gather3A_417 : vector<16xf32>
          %add3A_447 = arith.addf %mul3A_445, %mul3A_446 : vector<16xf32>
          %mul3A_448 = arith.mulf %get3A_126, %gather3A_427 : vector<16xf32>
          %add3A_449 = arith.addf %mul3A_448, %gather3A_437 : vector<16xf32>
          %add3A_450 = arith.addf %add3A_447, %add3A_449 : vector<16xf32>
          %min3A_451 = arith.minimumf %min3A_395, %add3A_450 : vector<16xf32>
          %broadcast_in_dim3A_452 = arith.constant 5 : i32
          %broadcast_in_dim3A_453 = vector.broadcast %broadcast_in_dim3A_452 : i32 to vector<16xi32>
          %lt3A_454 = arith.constant 0 : i32
          %lt3A_455 = vector.broadcast %lt3A_454 : i32 to vector<16xi32>
          %lt3A_456 = arith.cmpi slt, %broadcast_in_dim3A_453, %lt3A_455 : vector<16xi32>
          %add3A_457 = arith.constant 16 : i32
          %add3A_458 = vector.broadcast %add3A_457 : i32 to vector<16xi32>
          %add3A_459 = arith.addi %broadcast_in_dim3A_453, %add3A_458 : vector<16xi32>
          %select_n3A_460 = arith.select %lt3A_456, %add3A_459, %broadcast_in_dim3A_453 : vector<16xi1>, vector<16xi32>
          %broadcast_in_dim3A_461 = vector.shape_cast %select_n3A_460 : vector<16xi32> to vector<16x1xi32>
          %gather3A_462 = vector.shape_cast %broadcast_in_dim3A_461 : vector<16x1xi32> to vector<16xi32>
          %gather3A_463 = tpu.dynamic_gather %get3A_164[%gather3A_462] in [0] : vector<16xf32>, vector<16xi32> -> vector<16xf32>
          %lt3A_464 = arith.constant 0 : i32
          %lt3A_465 = vector.broadcast %lt3A_464 : i32 to vector<16xi32>
          %lt3A_466 = arith.cmpi slt, %broadcast_in_dim3A_453, %lt3A_465 : vector<16xi32>
          %add3A_467 = arith.constant 16 : i32
          %add3A_468 = vector.broadcast %add3A_467 : i32 to vector<16xi32>
          %add3A_469 = arith.addi %broadcast_in_dim3A_453, %add3A_468 : vector<16xi32>
          %select_n3A_470 = arith.select %lt3A_466, %add3A_469, %broadcast_in_dim3A_453 : vector<16xi1>, vector<16xi32>
          %broadcast_in_dim3A_471 = vector.shape_cast %select_n3A_470 : vector<16xi32> to vector<16x1xi32>
          %gather3A_472 = vector.shape_cast %broadcast_in_dim3A_471 : vector<16x1xi32> to vector<16xi32>
          %gather3A_473 = tpu.dynamic_gather %get3A_167[%gather3A_472] in [0] : vector<16xf32>, vector<16xi32> -> vector<16xf32>
          %lt3A_474 = arith.constant 0 : i32
          %lt3A_475 = vector.broadcast %lt3A_474 : i32 to vector<16xi32>
          %lt3A_476 = arith.cmpi slt, %broadcast_in_dim3A_453, %lt3A_475 : vector<16xi32>
          %add3A_477 = arith.constant 16 : i32
          %add3A_478 = vector.broadcast %add3A_477 : i32 to vector<16xi32>
          %add3A_479 = arith.addi %broadcast_in_dim3A_453, %add3A_478 : vector<16xi32>
          %select_n3A_480 = arith.select %lt3A_476, %add3A_479, %broadcast_in_dim3A_453 : vector<16xi1>, vector<16xi32>
          %broadcast_in_dim3A_481 = vector.shape_cast %select_n3A_480 : vector<16xi32> to vector<16x1xi32>
          %gather3A_482 = vector.shape_cast %broadcast_in_dim3A_481 : vector<16x1xi32> to vector<16xi32>
          %gather3A_483 = tpu.dynamic_gather %get3A_170[%gather3A_482] in [0] : vector<16xf32>, vector<16xi32> -> vector<16xf32>
          %lt3A_484 = arith.constant 0 : i32
          %lt3A_485 = vector.broadcast %lt3A_484 : i32 to vector<16xi32>
          %lt3A_486 = arith.cmpi slt, %broadcast_in_dim3A_453, %lt3A_485 : vector<16xi32>
          %add3A_487 = arith.constant 16 : i32
          %add3A_488 = vector.broadcast %add3A_487 : i32 to vector<16xi32>
          %add3A_489 = arith.addi %broadcast_in_dim3A_453, %add3A_488 : vector<16xi32>
          %select_n3A_490 = arith.select %lt3A_486, %add3A_489, %broadcast_in_dim3A_453 : vector<16xi1>, vector<16xi32>
          %broadcast_in_dim3A_491 = vector.shape_cast %select_n3A_490 : vector<16xi32> to vector<16x1xi32>
          %gather3A_492 = vector.shape_cast %broadcast_in_dim3A_491 : vector<16x1xi32> to vector<16xi32>
          %gather3A_493 = tpu.dynamic_gather %get3A_173[%gather3A_492] in [0] : vector<16xf32>, vector<16xi32> -> vector<16xf32>
          %mul3A_494 = arith.mulf %get3A_101, %gather3A_463 : vector<16xf32>
          %mul3A_495 = arith.mulf %get3A_111, %gather3A_473 : vector<16xf32>
          %add3A_496 = arith.addf %mul3A_494, %mul3A_495 : vector<16xf32>
          %mul3A_497 = arith.mulf %get3A_121, %gather3A_483 : vector<16xf32>
          %add3A_498 = arith.addf %mul3A_497, %gather3A_493 : vector<16xf32>
          %add3A_499 = arith.addf %add3A_496, %add3A_498 : vector<16xf32>
          %min3A_500 = arith.minimumf %min3A_444, %add3A_499 : vector<16xf32>
          %mul3A_501 = arith.mulf %get3A_106, %gather3A_463 : vector<16xf32>
          %mul3A_502 = arith.mulf %get3A_116, %gather3A_473 : vector<16xf32>
          %add3A_503 = arith.addf %mul3A_501, %mul3A_502 : vector<16xf32>
          %mul3A_504 = arith.mulf %get3A_126, %gather3A_483 : vector<16xf32>
          %add3A_505 = arith.addf %mul3A_504, %gather3A_493 : vector<16xf32>
          %add3A_506 = arith.addf %add3A_503, %add3A_505 : vector<16xf32>
          %min3A_507 = arith.minimumf %min3A_451, %add3A_506 : vector<16xf32>
          %broadcast_in_dim3A_508 = arith.constant 6 : i32
          %broadcast_in_dim3A_509 = vector.broadcast %broadcast_in_dim3A_508 : i32 to vector<16xi32>
          %lt3A_510 = arith.constant 0 : i32
          %lt3A_511 = vector.broadcast %lt3A_510 : i32 to vector<16xi32>
          %lt3A_512 = arith.cmpi slt, %broadcast_in_dim3A_509, %lt3A_511 : vector<16xi32>
          %add3A_513 = arith.constant 16 : i32
          %add3A_514 = vector.broadcast %add3A_513 : i32 to vector<16xi32>
          %add3A_515 = arith.addi %broadcast_in_dim3A_509, %add3A_514 : vector<16xi32>
          %select_n3A_516 = arith.select %lt3A_512, %add3A_515, %broadcast_in_dim3A_509 : vector<16xi1>, vector<16xi32>
          %broadcast_in_dim3A_517 = vector.shape_cast %select_n3A_516 : vector<16xi32> to vector<16x1xi32>
          %gather3A_518 = vector.shape_cast %broadcast_in_dim3A_517 : vector<16x1xi32> to vector<16xi32>
          %gather3A_519 = tpu.dynamic_gather %get3A_164[%gather3A_518] in [0] : vector<16xf32>, vector<16xi32> -> vector<16xf32>
          %lt3A_520 = arith.constant 0 : i32
          %lt3A_521 = vector.broadcast %lt3A_520 : i32 to vector<16xi32>
          %lt3A_522 = arith.cmpi slt, %broadcast_in_dim3A_509, %lt3A_521 : vector<16xi32>
          %add3A_523 = arith.constant 16 : i32
          %add3A_524 = vector.broadcast %add3A_523 : i32 to vector<16xi32>
          %add3A_525 = arith.addi %broadcast_in_dim3A_509, %add3A_524 : vector<16xi32>
          %select_n3A_526 = arith.select %lt3A_522, %add3A_525, %broadcast_in_dim3A_509 : vector<16xi1>, vector<16xi32>
          %broadcast_in_dim3A_527 = vector.shape_cast %select_n3A_526 : vector<16xi32> to vector<16x1xi32>
          %gather3A_528 = vector.shape_cast %broadcast_in_dim3A_527 : vector<16x1xi32> to vector<16xi32>
          %gather3A_529 = tpu.dynamic_gather %get3A_167[%gather3A_528] in [0] : vector<16xf32>, vector<16xi32> -> vector<16xf32>
          %lt3A_530 = arith.constant 0 : i32
          %lt3A_531 = vector.broadcast %lt3A_530 : i32 to vector<16xi32>
          %lt3A_532 = arith.cmpi slt, %broadcast_in_dim3A_509, %lt3A_531 : vector<16xi32>
          %add3A_533 = arith.constant 16 : i32
          %add3A_534 = vector.broadcast %add3A_533 : i32 to vector<16xi32>
          %add3A_535 = arith.addi %broadcast_in_dim3A_509, %add3A_534 : vector<16xi32>
          %select_n3A_536 = arith.select %lt3A_532, %add3A_535, %broadcast_in_dim3A_509 : vector<16xi1>, vector<16xi32>
          %broadcast_in_dim3A_537 = vector.shape_cast %select_n3A_536 : vector<16xi32> to vector<16x1xi32>
          %gather3A_538 = vector.shape_cast %broadcast_in_dim3A_537 : vector<16x1xi32> to vector<16xi32>
          %gather3A_539 = tpu.dynamic_gather %get3A_170[%gather3A_538] in [0] : vector<16xf32>, vector<16xi32> -> vector<16xf32>
          %lt3A_540 = arith.constant 0 : i32
          %lt3A_541 = vector.broadcast %lt3A_540 : i32 to vector<16xi32>
          %lt3A_542 = arith.cmpi slt, %broadcast_in_dim3A_509, %lt3A_541 : vector<16xi32>
          %add3A_543 = arith.constant 16 : i32
          %add3A_544 = vector.broadcast %add3A_543 : i32 to vector<16xi32>
          %add3A_545 = arith.addi %broadcast_in_dim3A_509, %add3A_544 : vector<16xi32>
          %select_n3A_546 = arith.select %lt3A_542, %add3A_545, %broadcast_in_dim3A_509 : vector<16xi1>, vector<16xi32>
          %broadcast_in_dim3A_547 = vector.shape_cast %select_n3A_546 : vector<16xi32> to vector<16x1xi32>
          %gather3A_548 = vector.shape_cast %broadcast_in_dim3A_547 : vector<16x1xi32> to vector<16xi32>
          %gather3A_549 = tpu.dynamic_gather %get3A_173[%gather3A_548] in [0] : vector<16xf32>, vector<16xi32> -> vector<16xf32>
          %mul3A_550 = arith.mulf %get3A_101, %gather3A_519 : vector<16xf32>
          %mul3A_551 = arith.mulf %get3A_111, %gather3A_529 : vector<16xf32>
          %add3A_552 = arith.addf %mul3A_550, %mul3A_551 : vector<16xf32>
          %mul3A_553 = arith.mulf %get3A_121, %gather3A_539 : vector<16xf32>
          %add3A_554 = arith.addf %mul3A_553, %gather3A_549 : vector<16xf32>
          %add3A_555 = arith.addf %add3A_552, %add3A_554 : vector<16xf32>
          %min3A_556 = arith.minimumf %min3A_500, %add3A_555 : vector<16xf32>
          %mul3A_557 = arith.mulf %get3A_106, %gather3A_519 : vector<16xf32>
          %mul3A_558 = arith.mulf %get3A_116, %gather3A_529 : vector<16xf32>
          %add3A_559 = arith.addf %mul3A_557, %mul3A_558 : vector<16xf32>
          %mul3A_560 = arith.mulf %get3A_126, %gather3A_539 : vector<16xf32>
          %add3A_561 = arith.addf %mul3A_560, %gather3A_549 : vector<16xf32>
          %add3A_562 = arith.addf %add3A_559, %add3A_561 : vector<16xf32>
          %min3A_563 = arith.minimumf %min3A_507, %add3A_562 : vector<16xf32>
          %broadcast_in_dim3A_564 = arith.constant 7 : i32
          %broadcast_in_dim3A_565 = vector.broadcast %broadcast_in_dim3A_564 : i32 to vector<16xi32>
          %lt3A_566 = arith.constant 0 : i32
          %lt3A_567 = vector.broadcast %lt3A_566 : i32 to vector<16xi32>
          %lt3A_568 = arith.cmpi slt, %broadcast_in_dim3A_565, %lt3A_567 : vector<16xi32>
          %add3A_569 = arith.constant 16 : i32
          %add3A_570 = vector.broadcast %add3A_569 : i32 to vector<16xi32>
          %add3A_571 = arith.addi %broadcast_in_dim3A_565, %add3A_570 : vector<16xi32>
          %select_n3A_572 = arith.select %lt3A_568, %add3A_571, %broadcast_in_dim3A_565 : vector<16xi1>, vector<16xi32>
          %broadcast_in_dim3A_573 = vector.shape_cast %select_n3A_572 : vector<16xi32> to vector<16x1xi32>
          %gather3A_574 = vector.shape_cast %broadcast_in_dim3A_573 : vector<16x1xi32> to vector<16xi32>
          %gather3A_575 = tpu.dynamic_gather %get3A_164[%gather3A_574] in [0] : vector<16xf32>, vector<16xi32> -> vector<16xf32>
          %lt3A_576 = arith.constant 0 : i32
          %lt3A_577 = vector.broadcast %lt3A_576 : i32 to vector<16xi32>
          %lt3A_578 = arith.cmpi slt, %broadcast_in_dim3A_565, %lt3A_577 : vector<16xi32>
          %add3A_579 = arith.constant 16 : i32
          %add3A_580 = vector.broadcast %add3A_579 : i32 to vector<16xi32>
          %add3A_581 = arith.addi %broadcast_in_dim3A_565, %add3A_580 : vector<16xi32>
          %select_n3A_582 = arith.select %lt3A_578, %add3A_581, %broadcast_in_dim3A_565 : vector<16xi1>, vector<16xi32>
          %broadcast_in_dim3A_583 = vector.shape_cast %select_n3A_582 : vector<16xi32> to vector<16x1xi32>
          %gather3A_584 = vector.shape_cast %broadcast_in_dim3A_583 : vector<16x1xi32> to vector<16xi32>
          %gather3A_585 = tpu.dynamic_gather %get3A_167[%gather3A_584] in [0] : vector<16xf32>, vector<16xi32> -> vector<16xf32>
          %lt3A_586 = arith.constant 0 : i32
          %lt3A_587 = vector.broadcast %lt3A_586 : i32 to vector<16xi32>
          %lt3A_588 = arith.cmpi slt, %broadcast_in_dim3A_565, %lt3A_587 : vector<16xi32>
          %add3A_589 = arith.constant 16 : i32
          %add3A_590 = vector.broadcast %add3A_589 : i32 to vector<16xi32>
          %add3A_591 = arith.addi %broadcast_in_dim3A_565, %add3A_590 : vector<16xi32>
          %select_n3A_592 = arith.select %lt3A_588, %add3A_591, %broadcast_in_dim3A_565 : vector<16xi1>, vector<16xi32>
          %broadcast_in_dim3A_593 = vector.shape_cast %select_n3A_592 : vector<16xi32> to vector<16x1xi32>
          %gather3A_594 = vector.shape_cast %broadcast_in_dim3A_593 : vector<16x1xi32> to vector<16xi32>
          %gather3A_595 = tpu.dynamic_gather %get3A_170[%gather3A_594] in [0] : vector<16xf32>, vector<16xi32> -> vector<16xf32>
          %lt3A_596 = arith.constant 0 : i32
          %lt3A_597 = vector.broadcast %lt3A_596 : i32 to vector<16xi32>
          %lt3A_598 = arith.cmpi slt, %broadcast_in_dim3A_565, %lt3A_597 : vector<16xi32>
          %add3A_599 = arith.constant 16 : i32
          %add3A_600 = vector.broadcast %add3A_599 : i32 to vector<16xi32>
          %add3A_601 = arith.addi %broadcast_in_dim3A_565, %add3A_600 : vector<16xi32>
          %select_n3A_602 = arith.select %lt3A_598, %add3A_601, %broadcast_in_dim3A_565 : vector<16xi1>, vector<16xi32>
          %broadcast_in_dim3A_603 = vector.shape_cast %select_n3A_602 : vector<16xi32> to vector<16x1xi32>
          %gather3A_604 = vector.shape_cast %broadcast_in_dim3A_603 : vector<16x1xi32> to vector<16xi32>
          %gather3A_605 = tpu.dynamic_gather %get3A_173[%gather3A_604] in [0] : vector<16xf32>, vector<16xi32> -> vector<16xf32>
          %mul3A_606 = arith.mulf %get3A_101, %gather3A_575 : vector<16xf32>
          %mul3A_607 = arith.mulf %get3A_111, %gather3A_585 : vector<16xf32>
          %add3A_608 = arith.addf %mul3A_606, %mul3A_607 : vector<16xf32>
          %mul3A_609 = arith.mulf %get3A_121, %gather3A_595 : vector<16xf32>
          %add3A_610 = arith.addf %mul3A_609, %gather3A_605 : vector<16xf32>
          %add3A_611 = arith.addf %add3A_608, %add3A_610 : vector<16xf32>
          %min3A_612 = arith.minimumf %min3A_556, %add3A_611 : vector<16xf32>
          %mul3A_613 = arith.mulf %get3A_106, %gather3A_575 : vector<16xf32>
          %mul3A_614 = arith.mulf %get3A_116, %gather3A_585 : vector<16xf32>
          %add3A_615 = arith.addf %mul3A_613, %mul3A_614 : vector<16xf32>
          %mul3A_616 = arith.mulf %get3A_126, %gather3A_595 : vector<16xf32>
          %add3A_617 = arith.addf %mul3A_616, %gather3A_605 : vector<16xf32>
          %add3A_618 = arith.addf %add3A_615, %add3A_617 : vector<16xf32>
          %min3A_619 = arith.minimumf %min3A_563, %add3A_618 : vector<16xf32>
          %broadcast_in_dim3A_620 = arith.constant 8 : i32
          %broadcast_in_dim3A_621 = vector.broadcast %broadcast_in_dim3A_620 : i32 to vector<16xi32>
          %lt3A_622 = arith.constant 0 : i32
          %lt3A_623 = vector.broadcast %lt3A_622 : i32 to vector<16xi32>
          %lt3A_624 = arith.cmpi slt, %broadcast_in_dim3A_621, %lt3A_623 : vector<16xi32>
          %add3A_625 = arith.constant 16 : i32
          %add3A_626 = vector.broadcast %add3A_625 : i32 to vector<16xi32>
          %add3A_627 = arith.addi %broadcast_in_dim3A_621, %add3A_626 : vector<16xi32>
          %select_n3A_628 = arith.select %lt3A_624, %add3A_627, %broadcast_in_dim3A_621 : vector<16xi1>, vector<16xi32>
          %broadcast_in_dim3A_629 = vector.shape_cast %select_n3A_628 : vector<16xi32> to vector<16x1xi32>
          %gather3A_630 = vector.shape_cast %broadcast_in_dim3A_629 : vector<16x1xi32> to vector<16xi32>
          %gather3A_631 = tpu.dynamic_gather %get3A_164[%gather3A_630] in [0] : vector<16xf32>, vector<16xi32> -> vector<16xf32>
          %lt3A_632 = arith.constant 0 : i32
          %lt3A_633 = vector.broadcast %lt3A_632 : i32 to vector<16xi32>
          %lt3A_634 = arith.cmpi slt, %broadcast_in_dim3A_621, %lt3A_633 : vector<16xi32>
          %add3A_635 = arith.constant 16 : i32
          %add3A_636 = vector.broadcast %add3A_635 : i32 to vector<16xi32>
          %add3A_637 = arith.addi %broadcast_in_dim3A_621, %add3A_636 : vector<16xi32>
          %select_n3A_638 = arith.select %lt3A_634, %add3A_637, %broadcast_in_dim3A_621 : vector<16xi1>, vector<16xi32>
          %broadcast_in_dim3A_639 = vector.shape_cast %select_n3A_638 : vector<16xi32> to vector<16x1xi32>
          %gather3A_640 = vector.shape_cast %broadcast_in_dim3A_639 : vector<16x1xi32> to vector<16xi32>
          %gather3A_641 = tpu.dynamic_gather %get3A_167[%gather3A_640] in [0] : vector<16xf32>, vector<16xi32> -> vector<16xf32>
          %lt3A_642 = arith.constant 0 : i32
          %lt3A_643 = vector.broadcast %lt3A_642 : i32 to vector<16xi32>
          %lt3A_644 = arith.cmpi slt, %broadcast_in_dim3A_621, %lt3A_643 : vector<16xi32>
          %add3A_645 = arith.constant 16 : i32
          %add3A_646 = vector.broadcast %add3A_645 : i32 to vector<16xi32>
          %add3A_647 = arith.addi %broadcast_in_dim3A_621, %add3A_646 : vector<16xi32>
          %select_n3A_648 = arith.select %lt3A_644, %add3A_647, %broadcast_in_dim3A_621 : vector<16xi1>, vector<16xi32>
          %broadcast_in_dim3A_649 = vector.shape_cast %select_n3A_648 : vector<16xi32> to vector<16x1xi32>
          %gather3A_650 = vector.shape_cast %broadcast_in_dim3A_649 : vector<16x1xi32> to vector<16xi32>
          %gather3A_651 = tpu.dynamic_gather %get3A_170[%gather3A_650] in [0] : vector<16xf32>, vector<16xi32> -> vector<16xf32>
          %lt3A_652 = arith.constant 0 : i32
          %lt3A_653 = vector.broadcast %lt3A_652 : i32 to vector<16xi32>
          %lt3A_654 = arith.cmpi slt, %broadcast_in_dim3A_621, %lt3A_653 : vector<16xi32>
          %add3A_655 = arith.constant 16 : i32
          %add3A_656 = vector.broadcast %add3A_655 : i32 to vector<16xi32>
          %add3A_657 = arith.addi %broadcast_in_dim3A_621, %add3A_656 : vector<16xi32>
          %select_n3A_658 = arith.select %lt3A_654, %add3A_657, %broadcast_in_dim3A_621 : vector<16xi1>, vector<16xi32>
          %broadcast_in_dim3A_659 = vector.shape_cast %select_n3A_658 : vector<16xi32> to vector<16x1xi32>
          %gather3A_660 = vector.shape_cast %broadcast_in_dim3A_659 : vector<16x1xi32> to vector<16xi32>
          %gather3A_661 = tpu.dynamic_gather %get3A_173[%gather3A_660] in [0] : vector<16xf32>, vector<16xi32> -> vector<16xf32>
          %mul3A_662 = arith.mulf %get3A_101, %gather3A_631 : vector<16xf32>
          %mul3A_663 = arith.mulf %get3A_111, %gather3A_641 : vector<16xf32>
          %add3A_664 = arith.addf %mul3A_662, %mul3A_663 : vector<16xf32>
          %mul3A_665 = arith.mulf %get3A_121, %gather3A_651 : vector<16xf32>
          %add3A_666 = arith.addf %mul3A_665, %gather3A_661 : vector<16xf32>
          %add3A_667 = arith.addf %add3A_664, %add3A_666 : vector<16xf32>
          %min3A_668 = arith.minimumf %min3A_612, %add3A_667 : vector<16xf32>
          %mul3A_669 = arith.mulf %get3A_106, %gather3A_631 : vector<16xf32>
          %mul3A_670 = arith.mulf %get3A_116, %gather3A_641 : vector<16xf32>
          %add3A_671 = arith.addf %mul3A_669, %mul3A_670 : vector<16xf32>
          %mul3A_672 = arith.mulf %get3A_126, %gather3A_651 : vector<16xf32>
          %add3A_673 = arith.addf %mul3A_672, %gather3A_661 : vector<16xf32>
          %add3A_674 = arith.addf %add3A_671, %add3A_673 : vector<16xf32>
          %min3A_675 = arith.minimumf %min3A_619, %add3A_674 : vector<16xf32>
          %broadcast_in_dim3A_676 = arith.constant 9 : i32
          %broadcast_in_dim3A_677 = vector.broadcast %broadcast_in_dim3A_676 : i32 to vector<16xi32>
          %lt3A_678 = arith.constant 0 : i32
          %lt3A_679 = vector.broadcast %lt3A_678 : i32 to vector<16xi32>
          %lt3A_680 = arith.cmpi slt, %broadcast_in_dim3A_677, %lt3A_679 : vector<16xi32>
          %add3A_681 = arith.constant 16 : i32
          %add3A_682 = vector.broadcast %add3A_681 : i32 to vector<16xi32>
          %add3A_683 = arith.addi %broadcast_in_dim3A_677, %add3A_682 : vector<16xi32>
          %select_n3A_684 = arith.select %lt3A_680, %add3A_683, %broadcast_in_dim3A_677 : vector<16xi1>, vector<16xi32>
          %broadcast_in_dim3A_685 = vector.shape_cast %select_n3A_684 : vector<16xi32> to vector<16x1xi32>
          %gather3A_686 = vector.shape_cast %broadcast_in_dim3A_685 : vector<16x1xi32> to vector<16xi32>
          %gather3A_687 = tpu.dynamic_gather %get3A_164[%gather3A_686] in [0] : vector<16xf32>, vector<16xi32> -> vector<16xf32>
          %lt3A_688 = arith.constant 0 : i32
          %lt3A_689 = vector.broadcast %lt3A_688 : i32 to vector<16xi32>
          %lt3A_690 = arith.cmpi slt, %broadcast_in_dim3A_677, %lt3A_689 : vector<16xi32>
          %add3A_691 = arith.constant 16 : i32
          %add3A_692 = vector.broadcast %add3A_691 : i32 to vector<16xi32>
          %add3A_693 = arith.addi %broadcast_in_dim3A_677, %add3A_692 : vector<16xi32>
          %select_n3A_694 = arith.select %lt3A_690, %add3A_693, %broadcast_in_dim3A_677 : vector<16xi1>, vector<16xi32>
          %broadcast_in_dim3A_695 = vector.shape_cast %select_n3A_694 : vector<16xi32> to vector<16x1xi32>
          %gather3A_696 = vector.shape_cast %broadcast_in_dim3A_695 : vector<16x1xi32> to vector<16xi32>
          %gather3A_697 = tpu.dynamic_gather %get3A_167[%gather3A_696] in [0] : vector<16xf32>, vector<16xi32> -> vector<16xf32>
          %lt3A_698 = arith.constant 0 : i32
          %lt3A_699 = vector.broadcast %lt3A_698 : i32 to vector<16xi32>
          %lt3A_700 = arith.cmpi slt, %broadcast_in_dim3A_677, %lt3A_699 : vector<16xi32>
          %add3A_701 = arith.constant 16 : i32
          %add3A_702 = vector.broadcast %add3A_701 : i32 to vector<16xi32>
          %add3A_703 = arith.addi %broadcast_in_dim3A_677, %add3A_702 : vector<16xi32>
          %select_n3A_704 = arith.select %lt3A_700, %add3A_703, %broadcast_in_dim3A_677 : vector<16xi1>, vector<16xi32>
          %broadcast_in_dim3A_705 = vector.shape_cast %select_n3A_704 : vector<16xi32> to vector<16x1xi32>
          %gather3A_706 = vector.shape_cast %broadcast_in_dim3A_705 : vector<16x1xi32> to vector<16xi32>
          %gather3A_707 = tpu.dynamic_gather %get3A_170[%gather3A_706] in [0] : vector<16xf32>, vector<16xi32> -> vector<16xf32>
          %lt3A_708 = arith.constant 0 : i32
          %lt3A_709 = vector.broadcast %lt3A_708 : i32 to vector<16xi32>
          %lt3A_710 = arith.cmpi slt, %broadcast_in_dim3A_677, %lt3A_709 : vector<16xi32>
          %add3A_711 = arith.constant 16 : i32
          %add3A_712 = vector.broadcast %add3A_711 : i32 to vector<16xi32>
          %add3A_713 = arith.addi %broadcast_in_dim3A_677, %add3A_712 : vector<16xi32>
          %select_n3A_714 = arith.select %lt3A_710, %add3A_713, %broadcast_in_dim3A_677 : vector<16xi1>, vector<16xi32>
          %broadcast_in_dim3A_715 = vector.shape_cast %select_n3A_714 : vector<16xi32> to vector<16x1xi32>
          %gather3A_716 = vector.shape_cast %broadcast_in_dim3A_715 : vector<16x1xi32> to vector<16xi32>
          %gather3A_717 = tpu.dynamic_gather %get3A_173[%gather3A_716] in [0] : vector<16xf32>, vector<16xi32> -> vector<16xf32>
          %mul3A_718 = arith.mulf %get3A_101, %gather3A_687 : vector<16xf32>
          %mul3A_719 = arith.mulf %get3A_111, %gather3A_697 : vector<16xf32>
          %add3A_720 = arith.addf %mul3A_718, %mul3A_719 : vector<16xf32>
          %mul3A_721 = arith.mulf %get3A_121, %gather3A_707 : vector<16xf32>
          %add3A_722 = arith.addf %mul3A_721, %gather3A_717 : vector<16xf32>
          %add3A_723 = arith.addf %add3A_720, %add3A_722 : vector<16xf32>
          %min3A_724 = arith.minimumf %min3A_668, %add3A_723 : vector<16xf32>
          %mul3A_725 = arith.mulf %get3A_106, %gather3A_687 : vector<16xf32>
          %mul3A_726 = arith.mulf %get3A_116, %gather3A_697 : vector<16xf32>
          %add3A_727 = arith.addf %mul3A_725, %mul3A_726 : vector<16xf32>
          %mul3A_728 = arith.mulf %get3A_126, %gather3A_707 : vector<16xf32>
          %add3A_729 = arith.addf %mul3A_728, %gather3A_717 : vector<16xf32>
          %add3A_730 = arith.addf %add3A_727, %add3A_729 : vector<16xf32>
          %min3A_731 = arith.minimumf %min3A_675, %add3A_730 : vector<16xf32>
          %broadcast_in_dim3A_732 = arith.constant 10 : i32
          %broadcast_in_dim3A_733 = vector.broadcast %broadcast_in_dim3A_732 : i32 to vector<16xi32>
          %lt3A_734 = arith.constant 0 : i32
          %lt3A_735 = vector.broadcast %lt3A_734 : i32 to vector<16xi32>
          %lt3A_736 = arith.cmpi slt, %broadcast_in_dim3A_733, %lt3A_735 : vector<16xi32>
          %add3A_737 = arith.constant 16 : i32
          %add3A_738 = vector.broadcast %add3A_737 : i32 to vector<16xi32>
          %add3A_739 = arith.addi %broadcast_in_dim3A_733, %add3A_738 : vector<16xi32>
          %select_n3A_740 = arith.select %lt3A_736, %add3A_739, %broadcast_in_dim3A_733 : vector<16xi1>, vector<16xi32>
          %broadcast_in_dim3A_741 = vector.shape_cast %select_n3A_740 : vector<16xi32> to vector<16x1xi32>
          %gather3A_742 = vector.shape_cast %broadcast_in_dim3A_741 : vector<16x1xi32> to vector<16xi32>
          %gather3A_743 = tpu.dynamic_gather %get3A_164[%gather3A_742] in [0] : vector<16xf32>, vector<16xi32> -> vector<16xf32>
          %lt3A_744 = arith.constant 0 : i32
          %lt3A_745 = vector.broadcast %lt3A_744 : i32 to vector<16xi32>
          %lt3A_746 = arith.cmpi slt, %broadcast_in_dim3A_733, %lt3A_745 : vector<16xi32>
          %add3A_747 = arith.constant 16 : i32
          %add3A_748 = vector.broadcast %add3A_747 : i32 to vector<16xi32>
          %add3A_749 = arith.addi %broadcast_in_dim3A_733, %add3A_748 : vector<16xi32>
          %select_n3A_750 = arith.select %lt3A_746, %add3A_749, %broadcast_in_dim3A_733 : vector<16xi1>, vector<16xi32>
          %broadcast_in_dim3A_751 = vector.shape_cast %select_n3A_750 : vector<16xi32> to vector<16x1xi32>
          %gather3A_752 = vector.shape_cast %broadcast_in_dim3A_751 : vector<16x1xi32> to vector<16xi32>
          %gather3A_753 = tpu.dynamic_gather %get3A_167[%gather3A_752] in [0] : vector<16xf32>, vector<16xi32> -> vector<16xf32>
          %lt3A_754 = arith.constant 0 : i32
          %lt3A_755 = vector.broadcast %lt3A_754 : i32 to vector<16xi32>
          %lt3A_756 = arith.cmpi slt, %broadcast_in_dim3A_733, %lt3A_755 : vector<16xi32>
          %add3A_757 = arith.constant 16 : i32
          %add3A_758 = vector.broadcast %add3A_757 : i32 to vector<16xi32>
          %add3A_759 = arith.addi %broadcast_in_dim3A_733, %add3A_758 : vector<16xi32>
          %select_n3A_760 = arith.select %lt3A_756, %add3A_759, %broadcast_in_dim3A_733 : vector<16xi1>, vector<16xi32>
          %broadcast_in_dim3A_761 = vector.shape_cast %select_n3A_760 : vector<16xi32> to vector<16x1xi32>
          %gather3A_762 = vector.shape_cast %broadcast_in_dim3A_761 : vector<16x1xi32> to vector<16xi32>
          %gather3A_763 = tpu.dynamic_gather %get3A_170[%gather3A_762] in [0] : vector<16xf32>, vector<16xi32> -> vector<16xf32>
          %lt3A_764 = arith.constant 0 : i32
          %lt3A_765 = vector.broadcast %lt3A_764 : i32 to vector<16xi32>
          %lt3A_766 = arith.cmpi slt, %broadcast_in_dim3A_733, %lt3A_765 : vector<16xi32>
          %add3A_767 = arith.constant 16 : i32
          %add3A_768 = vector.broadcast %add3A_767 : i32 to vector<16xi32>
          %add3A_769 = arith.addi %broadcast_in_dim3A_733, %add3A_768 : vector<16xi32>
          %select_n3A_770 = arith.select %lt3A_766, %add3A_769, %broadcast_in_dim3A_733 : vector<16xi1>, vector<16xi32>
          %broadcast_in_dim3A_771 = vector.shape_cast %select_n3A_770 : vector<16xi32> to vector<16x1xi32>
          %gather3A_772 = vector.shape_cast %broadcast_in_dim3A_771 : vector<16x1xi32> to vector<16xi32>
          %gather3A_773 = tpu.dynamic_gather %get3A_173[%gather3A_772] in [0] : vector<16xf32>, vector<16xi32> -> vector<16xf32>
          %mul3A_774 = arith.mulf %get3A_101, %gather3A_743 : vector<16xf32>
          %mul3A_775 = arith.mulf %get3A_111, %gather3A_753 : vector<16xf32>
          %add3A_776 = arith.addf %mul3A_774, %mul3A_775 : vector<16xf32>
          %mul3A_777 = arith.mulf %get3A_121, %gather3A_763 : vector<16xf32>
          %add3A_778 = arith.addf %mul3A_777, %gather3A_773 : vector<16xf32>
          %add3A_779 = arith.addf %add3A_776, %add3A_778 : vector<16xf32>
          %min3A_780 = arith.minimumf %min3A_724, %add3A_779 : vector<16xf32>
          %mul3A_781 = arith.mulf %get3A_106, %gather3A_743 : vector<16xf32>
          %mul3A_782 = arith.mulf %get3A_116, %gather3A_753 : vector<16xf32>
          %add3A_783 = arith.addf %mul3A_781, %mul3A_782 : vector<16xf32>
          %mul3A_784 = arith.mulf %get3A_126, %gather3A_763 : vector<16xf32>
          %add3A_785 = arith.addf %mul3A_784, %gather3A_773 : vector<16xf32>
          %add3A_786 = arith.addf %add3A_783, %add3A_785 : vector<16xf32>
          %min3A_787 = arith.minimumf %min3A_731, %add3A_786 : vector<16xf32>
          %broadcast_in_dim3A_788 = arith.constant 11 : i32
          %broadcast_in_dim3A_789 = vector.broadcast %broadcast_in_dim3A_788 : i32 to vector<16xi32>
          %lt3A_790 = arith.constant 0 : i32
          %lt3A_791 = vector.broadcast %lt3A_790 : i32 to vector<16xi32>
          %lt3A_792 = arith.cmpi slt, %broadcast_in_dim3A_789, %lt3A_791 : vector<16xi32>
          %add3A_793 = arith.constant 16 : i32
          %add3A_794 = vector.broadcast %add3A_793 : i32 to vector<16xi32>
          %add3A_795 = arith.addi %broadcast_in_dim3A_789, %add3A_794 : vector<16xi32>
          %select_n3A_796 = arith.select %lt3A_792, %add3A_795, %broadcast_in_dim3A_789 : vector<16xi1>, vector<16xi32>
          %broadcast_in_dim3A_797 = vector.shape_cast %select_n3A_796 : vector<16xi32> to vector<16x1xi32>
          %gather3A_798 = vector.shape_cast %broadcast_in_dim3A_797 : vector<16x1xi32> to vector<16xi32>
          %gather3A_799 = tpu.dynamic_gather %get3A_164[%gather3A_798] in [0] : vector<16xf32>, vector<16xi32> -> vector<16xf32>
          %lt3A_800 = arith.constant 0 : i32
          %lt3A_801 = vector.broadcast %lt3A_800 : i32 to vector<16xi32>
          %lt3A_802 = arith.cmpi slt, %broadcast_in_dim3A_789, %lt3A_801 : vector<16xi32>
          %add3A_803 = arith.constant 16 : i32
          %add3A_804 = vector.broadcast %add3A_803 : i32 to vector<16xi32>
          %add3A_805 = arith.addi %broadcast_in_dim3A_789, %add3A_804 : vector<16xi32>
          %select_n3A_806 = arith.select %lt3A_802, %add3A_805, %broadcast_in_dim3A_789 : vector<16xi1>, vector<16xi32>
          %broadcast_in_dim3A_807 = vector.shape_cast %select_n3A_806 : vector<16xi32> to vector<16x1xi32>
          %gather3A_808 = vector.shape_cast %broadcast_in_dim3A_807 : vector<16x1xi32> to vector<16xi32>
          %gather3A_809 = tpu.dynamic_gather %get3A_167[%gather3A_808] in [0] : vector<16xf32>, vector<16xi32> -> vector<16xf32>
          %lt3A_810 = arith.constant 0 : i32
          %lt3A_811 = vector.broadcast %lt3A_810 : i32 to vector<16xi32>
          %lt3A_812 = arith.cmpi slt, %broadcast_in_dim3A_789, %lt3A_811 : vector<16xi32>
          %add3A_813 = arith.constant 16 : i32
          %add3A_814 = vector.broadcast %add3A_813 : i32 to vector<16xi32>
          %add3A_815 = arith.addi %broadcast_in_dim3A_789, %add3A_814 : vector<16xi32>
          %select_n3A_816 = arith.select %lt3A_812, %add3A_815, %broadcast_in_dim3A_789 : vector<16xi1>, vector<16xi32>
          %broadcast_in_dim3A_817 = vector.shape_cast %select_n3A_816 : vector<16xi32> to vector<16x1xi32>
          %gather3A_818 = vector.shape_cast %broadcast_in_dim3A_817 : vector<16x1xi32> to vector<16xi32>
          %gather3A_819 = tpu.dynamic_gather %get3A_170[%gather3A_818] in [0] : vector<16xf32>, vector<16xi32> -> vector<16xf32>
          %lt3A_820 = arith.constant 0 : i32
          %lt3A_821 = vector.broadcast %lt3A_820 : i32 to vector<16xi32>
          %lt3A_822 = arith.cmpi slt, %broadcast_in_dim3A_789, %lt3A_821 : vector<16xi32>
          %add3A_823 = arith.constant 16 : i32
          %add3A_824 = vector.broadcast %add3A_823 : i32 to vector<16xi32>
          %add3A_825 = arith.addi %broadcast_in_dim3A_789, %add3A_824 : vector<16xi32>
          %select_n3A_826 = arith.select %lt3A_822, %add3A_825, %broadcast_in_dim3A_789 : vector<16xi1>, vector<16xi32>
          %broadcast_in_dim3A_827 = vector.shape_cast %select_n3A_826 : vector<16xi32> to vector<16x1xi32>
          %gather3A_828 = vector.shape_cast %broadcast_in_dim3A_827 : vector<16x1xi32> to vector<16xi32>
          %gather3A_829 = tpu.dynamic_gather %get3A_173[%gather3A_828] in [0] : vector<16xf32>, vector<16xi32> -> vector<16xf32>
          %mul3A_830 = arith.mulf %get3A_101, %gather3A_799 : vector<16xf32>
          %mul3A_831 = arith.mulf %get3A_111, %gather3A_809 : vector<16xf32>
          %add3A_832 = arith.addf %mul3A_830, %mul3A_831 : vector<16xf32>
          %mul3A_833 = arith.mulf %get3A_121, %gather3A_819 : vector<16xf32>
          %add3A_834 = arith.addf %mul3A_833, %gather3A_829 : vector<16xf32>
          %add3A_835 = arith.addf %add3A_832, %add3A_834 : vector<16xf32>
          %min3A_836 = arith.minimumf %min3A_780, %add3A_835 : vector<16xf32>
          %mul3A_837 = arith.mulf %get3A_106, %gather3A_799 : vector<16xf32>
          %mul3A_838 = arith.mulf %get3A_116, %gather3A_809 : vector<16xf32>
          %add3A_839 = arith.addf %mul3A_837, %mul3A_838 : vector<16xf32>
          %mul3A_840 = arith.mulf %get3A_126, %gather3A_819 : vector<16xf32>
          %add3A_841 = arith.addf %mul3A_840, %gather3A_829 : vector<16xf32>
          %add3A_842 = arith.addf %add3A_839, %add3A_841 : vector<16xf32>
          %min3A_843 = arith.minimumf %min3A_787, %add3A_842 : vector<16xf32>
          %broadcast_in_dim3A_844 = arith.constant 12 : i32
          %broadcast_in_dim3A_845 = vector.broadcast %broadcast_in_dim3A_844 : i32 to vector<16xi32>
          %lt3A_846 = arith.constant 0 : i32
          %lt3A_847 = vector.broadcast %lt3A_846 : i32 to vector<16xi32>
          %lt3A_848 = arith.cmpi slt, %broadcast_in_dim3A_845, %lt3A_847 : vector<16xi32>
          %add3A_849 = arith.constant 16 : i32
          %add3A_850 = vector.broadcast %add3A_849 : i32 to vector<16xi32>
          %add3A_851 = arith.addi %broadcast_in_dim3A_845, %add3A_850 : vector<16xi32>
          %select_n3A_852 = arith.select %lt3A_848, %add3A_851, %broadcast_in_dim3A_845 : vector<16xi1>, vector<16xi32>
          %broadcast_in_dim3A_853 = vector.shape_cast %select_n3A_852 : vector<16xi32> to vector<16x1xi32>
          %gather3A_854 = vector.shape_cast %broadcast_in_dim3A_853 : vector<16x1xi32> to vector<16xi32>
          %gather3A_855 = tpu.dynamic_gather %get3A_164[%gather3A_854] in [0] : vector<16xf32>, vector<16xi32> -> vector<16xf32>
          %lt3A_856 = arith.constant 0 : i32
          %lt3A_857 = vector.broadcast %lt3A_856 : i32 to vector<16xi32>
          %lt3A_858 = arith.cmpi slt, %broadcast_in_dim3A_845, %lt3A_857 : vector<16xi32>
          %add3A_859 = arith.constant 16 : i32
          %add3A_860 = vector.broadcast %add3A_859 : i32 to vector<16xi32>
          %add3A_861 = arith.addi %broadcast_in_dim3A_845, %add3A_860 : vector<16xi32>
          %select_n3A_862 = arith.select %lt3A_858, %add3A_861, %broadcast_in_dim3A_845 : vector<16xi1>, vector<16xi32>
          %broadcast_in_dim3A_863 = vector.shape_cast %select_n3A_862 : vector<16xi32> to vector<16x1xi32>
          %gather3A_864 = vector.shape_cast %broadcast_in_dim3A_863 : vector<16x1xi32> to vector<16xi32>
          %gather3A_865 = tpu.dynamic_gather %get3A_167[%gather3A_864] in [0] : vector<16xf32>, vector<16xi32> -> vector<16xf32>
          %lt3A_866 = arith.constant 0 : i32
          %lt3A_867 = vector.broadcast %lt3A_866 : i32 to vector<16xi32>
          %lt3A_868 = arith.cmpi slt, %broadcast_in_dim3A_845, %lt3A_867 : vector<16xi32>
          %add3A_869 = arith.constant 16 : i32
          %add3A_870 = vector.broadcast %add3A_869 : i32 to vector<16xi32>
          %add3A_871 = arith.addi %broadcast_in_dim3A_845, %add3A_870 : vector<16xi32>
          %select_n3A_872 = arith.select %lt3A_868, %add3A_871, %broadcast_in_dim3A_845 : vector<16xi1>, vector<16xi32>
          %broadcast_in_dim3A_873 = vector.shape_cast %select_n3A_872 : vector<16xi32> to vector<16x1xi32>
          %gather3A_874 = vector.shape_cast %broadcast_in_dim3A_873 : vector<16x1xi32> to vector<16xi32>
          %gather3A_875 = tpu.dynamic_gather %get3A_170[%gather3A_874] in [0] : vector<16xf32>, vector<16xi32> -> vector<16xf32>
          %lt3A_876 = arith.constant 0 : i32
          %lt3A_877 = vector.broadcast %lt3A_876 : i32 to vector<16xi32>
          %lt3A_878 = arith.cmpi slt, %broadcast_in_dim3A_845, %lt3A_877 : vector<16xi32>
          %add3A_879 = arith.constant 16 : i32
          %add3A_880 = vector.broadcast %add3A_879 : i32 to vector<16xi32>
          %add3A_881 = arith.addi %broadcast_in_dim3A_845, %add3A_880 : vector<16xi32>
          %select_n3A_882 = arith.select %lt3A_878, %add3A_881, %broadcast_in_dim3A_845 : vector<16xi1>, vector<16xi32>
          %broadcast_in_dim3A_883 = vector.shape_cast %select_n3A_882 : vector<16xi32> to vector<16x1xi32>
          %gather3A_884 = vector.shape_cast %broadcast_in_dim3A_883 : vector<16x1xi32> to vector<16xi32>
          %gather3A_885 = tpu.dynamic_gather %get3A_173[%gather3A_884] in [0] : vector<16xf32>, vector<16xi32> -> vector<16xf32>
          %mul3A_886 = arith.mulf %get3A_101, %gather3A_855 : vector<16xf32>
          %mul3A_887 = arith.mulf %get3A_111, %gather3A_865 : vector<16xf32>
          %add3A_888 = arith.addf %mul3A_886, %mul3A_887 : vector<16xf32>
          %mul3A_889 = arith.mulf %get3A_121, %gather3A_875 : vector<16xf32>
          %add3A_890 = arith.addf %mul3A_889, %gather3A_885 : vector<16xf32>
          %add3A_891 = arith.addf %add3A_888, %add3A_890 : vector<16xf32>
          %min3A_892 = arith.minimumf %min3A_836, %add3A_891 : vector<16xf32>
          %mul3A_893 = arith.mulf %get3A_106, %gather3A_855 : vector<16xf32>
          %mul3A_894 = arith.mulf %get3A_116, %gather3A_865 : vector<16xf32>
          %add3A_895 = arith.addf %mul3A_893, %mul3A_894 : vector<16xf32>
          %mul3A_896 = arith.mulf %get3A_126, %gather3A_875 : vector<16xf32>
          %add3A_897 = arith.addf %mul3A_896, %gather3A_885 : vector<16xf32>
          %add3A_898 = arith.addf %add3A_895, %add3A_897 : vector<16xf32>
          %min3A_899 = arith.minimumf %min3A_843, %add3A_898 : vector<16xf32>
          %broadcast_in_dim3A_900 = arith.constant 13 : i32
          %broadcast_in_dim3A_901 = vector.broadcast %broadcast_in_dim3A_900 : i32 to vector<16xi32>
          %lt3A_902 = arith.constant 0 : i32
          %lt3A_903 = vector.broadcast %lt3A_902 : i32 to vector<16xi32>
          %lt3A_904 = arith.cmpi slt, %broadcast_in_dim3A_901, %lt3A_903 : vector<16xi32>
          %add3A_905 = arith.constant 16 : i32
          %add3A_906 = vector.broadcast %add3A_905 : i32 to vector<16xi32>
          %add3A_907 = arith.addi %broadcast_in_dim3A_901, %add3A_906 : vector<16xi32>
          %select_n3A_908 = arith.select %lt3A_904, %add3A_907, %broadcast_in_dim3A_901 : vector<16xi1>, vector<16xi32>
          %broadcast_in_dim3A_909 = vector.shape_cast %select_n3A_908 : vector<16xi32> to vector<16x1xi32>
          %gather3A_910 = vector.shape_cast %broadcast_in_dim3A_909 : vector<16x1xi32> to vector<16xi32>
          %gather3A_911 = tpu.dynamic_gather %get3A_164[%gather3A_910] in [0] : vector<16xf32>, vector<16xi32> -> vector<16xf32>
          %lt3A_912 = arith.constant 0 : i32
          %lt3A_913 = vector.broadcast %lt3A_912 : i32 to vector<16xi32>
          %lt3A_914 = arith.cmpi slt, %broadcast_in_dim3A_901, %lt3A_913 : vector<16xi32>
          %add3A_915 = arith.constant 16 : i32
          %add3A_916 = vector.broadcast %add3A_915 : i32 to vector<16xi32>
          %add3A_917 = arith.addi %broadcast_in_dim3A_901, %add3A_916 : vector<16xi32>
          %select_n3A_918 = arith.select %lt3A_914, %add3A_917, %broadcast_in_dim3A_901 : vector<16xi1>, vector<16xi32>
          %broadcast_in_dim3A_919 = vector.shape_cast %select_n3A_918 : vector<16xi32> to vector<16x1xi32>
          %gather3A_920 = vector.shape_cast %broadcast_in_dim3A_919 : vector<16x1xi32> to vector<16xi32>
          %gather3A_921 = tpu.dynamic_gather %get3A_167[%gather3A_920] in [0] : vector<16xf32>, vector<16xi32> -> vector<16xf32>
          %lt3A_922 = arith.constant 0 : i32
          %lt3A_923 = vector.broadcast %lt3A_922 : i32 to vector<16xi32>
          %lt3A_924 = arith.cmpi slt, %broadcast_in_dim3A_901, %lt3A_923 : vector<16xi32>
          %add3A_925 = arith.constant 16 : i32
          %add3A_926 = vector.broadcast %add3A_925 : i32 to vector<16xi32>
          %add3A_927 = arith.addi %broadcast_in_dim3A_901, %add3A_926 : vector<16xi32>
          %select_n3A_928 = arith.select %lt3A_924, %add3A_927, %broadcast_in_dim3A_901 : vector<16xi1>, vector<16xi32>
          %broadcast_in_dim3A_929 = vector.shape_cast %select_n3A_928 : vector<16xi32> to vector<16x1xi32>
          %gather3A_930 = vector.shape_cast %broadcast_in_dim3A_929 : vector<16x1xi32> to vector<16xi32>
          %gather3A_931 = tpu.dynamic_gather %get3A_170[%gather3A_930] in [0] : vector<16xf32>, vector<16xi32> -> vector<16xf32>
          %lt3A_932 = arith.constant 0 : i32
          %lt3A_933 = vector.broadcast %lt3A_932 : i32 to vector<16xi32>
          %lt3A_934 = arith.cmpi slt, %broadcast_in_dim3A_901, %lt3A_933 : vector<16xi32>
          %add3A_935 = arith.constant 16 : i32
          %add3A_936 = vector.broadcast %add3A_935 : i32 to vector<16xi32>
          %add3A_937 = arith.addi %broadcast_in_dim3A_901, %add3A_936 : vector<16xi32>
          %select_n3A_938 = arith.select %lt3A_934, %add3A_937, %broadcast_in_dim3A_901 : vector<16xi1>, vector<16xi32>
          %broadcast_in_dim3A_939 = vector.shape_cast %select_n3A_938 : vector<16xi32> to vector<16x1xi32>
          %gather3A_940 = vector.shape_cast %broadcast_in_dim3A_939 : vector<16x1xi32> to vector<16xi32>
          %gather3A_941 = tpu.dynamic_gather %get3A_173[%gather3A_940] in [0] : vector<16xf32>, vector<16xi32> -> vector<16xf32>
          %mul3A_942 = arith.mulf %get3A_101, %gather3A_911 : vector<16xf32>
          %mul3A_943 = arith.mulf %get3A_111, %gather3A_921 : vector<16xf32>
          %add3A_944 = arith.addf %mul3A_942, %mul3A_943 : vector<16xf32>
          %mul3A_945 = arith.mulf %get3A_121, %gather3A_931 : vector<16xf32>
          %add3A_946 = arith.addf %mul3A_945, %gather3A_941 : vector<16xf32>
          %add3A_947 = arith.addf %add3A_944, %add3A_946 : vector<16xf32>
          %min3A_948 = arith.minimumf %min3A_892, %add3A_947 : vector<16xf32>
          %mul3A_949 = arith.mulf %get3A_106, %gather3A_911 : vector<16xf32>
          %mul3A_950 = arith.mulf %get3A_116, %gather3A_921 : vector<16xf32>
          %add3A_951 = arith.addf %mul3A_949, %mul3A_950 : vector<16xf32>
          %mul3A_952 = arith.mulf %get3A_126, %gather3A_931 : vector<16xf32>
          %add3A_953 = arith.addf %mul3A_952, %gather3A_941 : vector<16xf32>
          %add3A_954 = arith.addf %add3A_951, %add3A_953 : vector<16xf32>
          %min3A_955 = arith.minimumf %min3A_899, %add3A_954 : vector<16xf32>
          %broadcast_in_dim3A_956 = arith.constant 14 : i32
          %broadcast_in_dim3A_957 = vector.broadcast %broadcast_in_dim3A_956 : i32 to vector<16xi32>
          %lt3A_958 = arith.constant 0 : i32
          %lt3A_959 = vector.broadcast %lt3A_958 : i32 to vector<16xi32>
          %lt3A_960 = arith.cmpi slt, %broadcast_in_dim3A_957, %lt3A_959 : vector<16xi32>
          %add3A_961 = arith.constant 16 : i32
          %add3A_962 = vector.broadcast %add3A_961 : i32 to vector<16xi32>
          %add3A_963 = arith.addi %broadcast_in_dim3A_957, %add3A_962 : vector<16xi32>
          %select_n3A_964 = arith.select %lt3A_960, %add3A_963, %broadcast_in_dim3A_957 : vector<16xi1>, vector<16xi32>
          %broadcast_in_dim3A_965 = vector.shape_cast %select_n3A_964 : vector<16xi32> to vector<16x1xi32>
          %gather3A_966 = vector.shape_cast %broadcast_in_dim3A_965 : vector<16x1xi32> to vector<16xi32>
          %gather3A_967 = tpu.dynamic_gather %get3A_164[%gather3A_966] in [0] : vector<16xf32>, vector<16xi32> -> vector<16xf32>
          %lt3A_968 = arith.constant 0 : i32
          %lt3A_969 = vector.broadcast %lt3A_968 : i32 to vector<16xi32>
          %lt3A_970 = arith.cmpi slt, %broadcast_in_dim3A_957, %lt3A_969 : vector<16xi32>
          %add3A_971 = arith.constant 16 : i32
          %add3A_972 = vector.broadcast %add3A_971 : i32 to vector<16xi32>
          %add3A_973 = arith.addi %broadcast_in_dim3A_957, %add3A_972 : vector<16xi32>
          %select_n3A_974 = arith.select %lt3A_970, %add3A_973, %broadcast_in_dim3A_957 : vector<16xi1>, vector<16xi32>
          %broadcast_in_dim3A_975 = vector.shape_cast %select_n3A_974 : vector<16xi32> to vector<16x1xi32>
          %gather3A_976 = vector.shape_cast %broadcast_in_dim3A_975 : vector<16x1xi32> to vector<16xi32>
          %gather3A_977 = tpu.dynamic_gather %get3A_167[%gather3A_976] in [0] : vector<16xf32>, vector<16xi32> -> vector<16xf32>
          %lt3A_978 = arith.constant 0 : i32
          %lt3A_979 = vector.broadcast %lt3A_978 : i32 to vector<16xi32>
          %lt3A_980 = arith.cmpi slt, %broadcast_in_dim3A_957, %lt3A_979 : vector<16xi32>
          %add3A_981 = arith.constant 16 : i32
          %add3A_982 = vector.broadcast %add3A_981 : i32 to vector<16xi32>
          %add3A_983 = arith.addi %broadcast_in_dim3A_957, %add3A_982 : vector<16xi32>
          %select_n3A_984 = arith.select %lt3A_980, %add3A_983, %broadcast_in_dim3A_957 : vector<16xi1>, vector<16xi32>
          %broadcast_in_dim3A_985 = vector.shape_cast %select_n3A_984 : vector<16xi32> to vector<16x1xi32>
          %gather3A_986 = vector.shape_cast %broadcast_in_dim3A_985 : vector<16x1xi32> to vector<16xi32>
          %gather3A_987 = tpu.dynamic_gather %get3A_170[%gather3A_986] in [0] : vector<16xf32>, vector<16xi32> -> vector<16xf32>
          %lt3A_988 = arith.constant 0 : i32
          %lt3A_989 = vector.broadcast %lt3A_988 : i32 to vector<16xi32>
          %lt3A_990 = arith.cmpi slt, %broadcast_in_dim3A_957, %lt3A_989 : vector<16xi32>
          %add3A_991 = arith.constant 16 : i32
          %add3A_992 = vector.broadcast %add3A_991 : i32 to vector<16xi32>
          %add3A_993 = arith.addi %broadcast_in_dim3A_957, %add3A_992 : vector<16xi32>
          %select_n3A_994 = arith.select %lt3A_990, %add3A_993, %broadcast_in_dim3A_957 : vector<16xi1>, vector<16xi32>
          %broadcast_in_dim3A_995 = vector.shape_cast %select_n3A_994 : vector<16xi32> to vector<16x1xi32>
          %gather3A_996 = vector.shape_cast %broadcast_in_dim3A_995 : vector<16x1xi32> to vector<16xi32>
          %gather3A_997 = tpu.dynamic_gather %get3A_173[%gather3A_996] in [0] : vector<16xf32>, vector<16xi32> -> vector<16xf32>
          %mul3A_998 = arith.mulf %get3A_101, %gather3A_967 : vector<16xf32>
          %mul3A_999 = arith.mulf %get3A_111, %gather3A_977 : vector<16xf32>
          %add3A_1000 = arith.addf %mul3A_998, %mul3A_999 : vector<16xf32>
          %mul3A_1001 = arith.mulf %get3A_121, %gather3A_987 : vector<16xf32>
          %add3A_1002 = arith.addf %mul3A_1001, %gather3A_997 : vector<16xf32>
          %add3A_1003 = arith.addf %add3A_1000, %add3A_1002 : vector<16xf32>
          %min3A_1004 = arith.minimumf %min3A_948, %add3A_1003 : vector<16xf32>
          %mul3A_1005 = arith.mulf %get3A_106, %gather3A_967 : vector<16xf32>
          %mul3A_1006 = arith.mulf %get3A_116, %gather3A_977 : vector<16xf32>
          %add3A_1007 = arith.addf %mul3A_1005, %mul3A_1006 : vector<16xf32>
          %mul3A_1008 = arith.mulf %get3A_126, %gather3A_987 : vector<16xf32>
          %add3A_1009 = arith.addf %mul3A_1008, %gather3A_997 : vector<16xf32>
          %add3A_1010 = arith.addf %add3A_1007, %add3A_1009 : vector<16xf32>
          %min3A_1011 = arith.minimumf %min3A_955, %add3A_1010 : vector<16xf32>
          %broadcast_in_dim3A_1012 = arith.constant 15 : i32
          %broadcast_in_dim3A_1013 = vector.broadcast %broadcast_in_dim3A_1012 : i32 to vector<16xi32>
          %lt3A_1014 = arith.constant 0 : i32
          %lt3A_1015 = vector.broadcast %lt3A_1014 : i32 to vector<16xi32>
          %lt3A_1016 = arith.cmpi slt, %broadcast_in_dim3A_1013, %lt3A_1015 : vector<16xi32>
          %add3A_1017 = arith.constant 16 : i32
          %add3A_1018 = vector.broadcast %add3A_1017 : i32 to vector<16xi32>
          %add3A_1019 = arith.addi %broadcast_in_dim3A_1013, %add3A_1018 : vector<16xi32>
          %select_n3A_1020 = arith.select %lt3A_1016, %add3A_1019, %broadcast_in_dim3A_1013 : vector<16xi1>, vector<16xi32>
          %broadcast_in_dim3A_1021 = vector.shape_cast %select_n3A_1020 : vector<16xi32> to vector<16x1xi32>
          %gather3A_1022 = vector.shape_cast %broadcast_in_dim3A_1021 : vector<16x1xi32> to vector<16xi32>
          %gather3A_1023 = tpu.dynamic_gather %get3A_164[%gather3A_1022] in [0] : vector<16xf32>, vector<16xi32> -> vector<16xf32>
          %lt3A_1024 = arith.constant 0 : i32
          %lt3A_1025 = vector.broadcast %lt3A_1024 : i32 to vector<16xi32>
          %lt3A_1026 = arith.cmpi slt, %broadcast_in_dim3A_1013, %lt3A_1025 : vector<16xi32>
          %add3A_1027 = arith.constant 16 : i32
          %add3A_1028 = vector.broadcast %add3A_1027 : i32 to vector<16xi32>
          %add3A_1029 = arith.addi %broadcast_in_dim3A_1013, %add3A_1028 : vector<16xi32>
          %select_n3A_1030 = arith.select %lt3A_1026, %add3A_1029, %broadcast_in_dim3A_1013 : vector<16xi1>, vector<16xi32>
          %broadcast_in_dim3A_1031 = vector.shape_cast %select_n3A_1030 : vector<16xi32> to vector<16x1xi32>
          %gather3A_1032 = vector.shape_cast %broadcast_in_dim3A_1031 : vector<16x1xi32> to vector<16xi32>
          %gather3A_1033 = tpu.dynamic_gather %get3A_167[%gather3A_1032] in [0] : vector<16xf32>, vector<16xi32> -> vector<16xf32>
          %lt3A_1034 = arith.constant 0 : i32
          %lt3A_1035 = vector.broadcast %lt3A_1034 : i32 to vector<16xi32>
          %lt3A_1036 = arith.cmpi slt, %broadcast_in_dim3A_1013, %lt3A_1035 : vector<16xi32>
          %add3A_1037 = arith.constant 16 : i32
          %add3A_1038 = vector.broadcast %add3A_1037 : i32 to vector<16xi32>
          %add3A_1039 = arith.addi %broadcast_in_dim3A_1013, %add3A_1038 : vector<16xi32>
          %select_n3A_1040 = arith.select %lt3A_1036, %add3A_1039, %broadcast_in_dim3A_1013 : vector<16xi1>, vector<16xi32>
          %broadcast_in_dim3A_1041 = vector.shape_cast %select_n3A_1040 : vector<16xi32> to vector<16x1xi32>
          %gather3A_1042 = vector.shape_cast %broadcast_in_dim3A_1041 : vector<16x1xi32> to vector<16xi32>
          %gather3A_1043 = tpu.dynamic_gather %get3A_170[%gather3A_1042] in [0] : vector<16xf32>, vector<16xi32> -> vector<16xf32>
          %lt3A_1044 = arith.constant 0 : i32
          %lt3A_1045 = vector.broadcast %lt3A_1044 : i32 to vector<16xi32>
          %lt3A_1046 = arith.cmpi slt, %broadcast_in_dim3A_1013, %lt3A_1045 : vector<16xi32>
          %add3A_1047 = arith.constant 16 : i32
          %add3A_1048 = vector.broadcast %add3A_1047 : i32 to vector<16xi32>
          %add3A_1049 = arith.addi %broadcast_in_dim3A_1013, %add3A_1048 : vector<16xi32>
          %select_n3A_1050 = arith.select %lt3A_1046, %add3A_1049, %broadcast_in_dim3A_1013 : vector<16xi1>, vector<16xi32>
          %broadcast_in_dim3A_1051 = vector.shape_cast %select_n3A_1050 : vector<16xi32> to vector<16x1xi32>
          %gather3A_1052 = vector.shape_cast %broadcast_in_dim3A_1051 : vector<16x1xi32> to vector<16xi32>
          %gather3A_1053 = tpu.dynamic_gather %get3A_173[%gather3A_1052] in [0] : vector<16xf32>, vector<16xi32> -> vector<16xf32>
          %mul3A_1054 = arith.mulf %get3A_101, %gather3A_1023 : vector<16xf32>
          %mul3A_1055 = arith.mulf %get3A_111, %gather3A_1033 : vector<16xf32>
          %add3A_1056 = arith.addf %mul3A_1054, %mul3A_1055 : vector<16xf32>
          %mul3A_1057 = arith.mulf %get3A_121, %gather3A_1043 : vector<16xf32>
          %add3A_1058 = arith.addf %mul3A_1057, %gather3A_1053 : vector<16xf32>
          %add3A_1059 = arith.addf %add3A_1056, %add3A_1058 : vector<16xf32>
          %min3A_1060 = arith.minimumf %min3A_1004, %add3A_1059 : vector<16xf32>
          %mul3A_1061 = arith.mulf %get3A_106, %gather3A_1023 : vector<16xf32>
          %mul3A_1062 = arith.mulf %get3A_116, %gather3A_1033 : vector<16xf32>
          %add3A_1063 = arith.addf %mul3A_1061, %mul3A_1062 : vector<16xf32>
          %mul3A_1064 = arith.mulf %get3A_126, %gather3A_1043 : vector<16xf32>
          %add3A_1065 = arith.addf %mul3A_1064, %gather3A_1053 : vector<16xf32>
          %add3A_1066 = arith.addf %add3A_1063, %add3A_1065 : vector<16xf32>
          %min3A_1067 = arith.minimumf %min3A_1011, %add3A_1066 : vector<16xf32>
          scf.yield %min3A_1060, %min3A_1067 : vector<16xf32>, vector<16xf32>
        }
        %scan3A_143 = arith.constant 256 : i32
        %add3A_144 = arith.addf %scan3A_142#0, %add3A_131 : vector<16xf32>
        %add3A_145 = arith.constant 0 : i32
        %add3A_146 = arith.addi %mul3A_97, %add3A_145 : i32
        %swap3A = arith.index_cast %add3A_146 : i32 to index
        %swap3A_147 = tpu.vector_load %arg12[%swap3A] {strides = array<i32>} : memref<1024xf32, #tpu.memory_space<vmem>>, vector<16xf32>,
        %swap3A_148 = vector.shape_cast %swap3A_147 : vector<16xf32> to vector<16xf32>
        %swap3A_149 = vector.shape_cast %add3A_144 : vector<16xf32> to vector<16xf32>
        tpu.vector_store %arg12[%swap3A], %swap3A_149 {strides = array<i32>} : memref<1024xf32, #tpu.memory_space<vmem>>, vector<16xf32>,
        %add3A_150 = arith.addf %scan3A_142#1, %add3A_136 : vector<16xf32>
        %add3A_151 = arith.constant 16 : i32
        %add3A_152 = arith.addi %mul3A_97, %add3A_151 : i32
        %swap3A_153 = arith.index_cast %add3A_152 : i32 to index
        %swap3A_154 = tpu.vector_load %arg12[%swap3A_153] {strides = array<i32>} : memref<1024xf32, #tpu.memory_space<vmem>>, vector<16xf32>,
        %swap3A_155 = vector.shape_cast %swap3A_154 : vector<16xf32> to vector<16xf32>
        %swap3A_156 = vector.shape_cast %add3A_150 : vector<16xf32> to vector<16xf32>
        tpu.vector_store %arg12[%swap3A_153], %swap3A_156 {strides = array<i32>} : memref<1024xf32, #tpu.memory_space<vmem>>, vector<16xf32>,
      }
      %scan3A_94 = arith.constant 2 : i32
      "tpu.region"() ({
        %run_scoped3A = tpu.sem_alloc : memref<!tpu.dma_semaphore, #tpu.memory_space<semaphore_mem>>
        %dma_start3A = arith.constant 0 : i32
        %dma_start3A_95 = tpu.memref_slice %arg12[%dma_start3A] : memref<1024xf32, #tpu.memory_space<vmem>> -> memref<64xf32, #tpu.memory_space<vmem>>
        %dma_start3A_96 = tpu.memref_slice %arg4[%add3A_71] : memref<17408xf32, #tpu.memory_space<hbm>> -> memref<64xf32, #tpu.memory_space<hbm>>
        %dma_start3A_97 = tpu.memref_slice %arg4[%add3A_71] : memref<17408xf32, #tpu.memory_space<hbm>> -> memref<64xf32, #tpu.memory_space<hbm>>
        %dma_start3A_98 = arith.constant 0 : i32
        %dma_start3A_99 = tpu.memref_slice %arg12[%dma_start3A_98] : memref<1024xf32, #tpu.memory_space<vmem>> -> memref<64xf32, #tpu.memory_space<vmem>>
        tpu.enqueue_dma source(%dma_start3A_99 : memref<64xf32, #tpu.memory_space<vmem>>) target(%dma_start3A_97 : memref<64xf32, #tpu.memory_space<hbm>>) target_semaphore(%run_scoped3A : memref<!tpu.dma_semaphore, #tpu.memory_space<semaphore_mem>>)
        %dma_wait3A = arith.constant 0 : i32
        %dma_wait3A_100 = tpu.memref_slice %arg12[%dma_wait3A] : memref<1024xf32, #tpu.memory_space<vmem>> -> memref<64xf32, #tpu.memory_space<vmem>>
        %dma_wait3A_101 = tpu.memref_slice %arg4[%add3A_71] : memref<17408xf32, #tpu.memory_space<hbm>> -> memref<64xf32, #tpu.memory_space<hbm>>
        %dma_wait3A_102 = tpu.memref_slice %arg4[%add3A_71] : memref<17408xf32, #tpu.memory_space<hbm>> -> memref<64xf32, #tpu.memory_space<hbm>>
        %dma_wait3A_103 = arith.constant 0 : i32
        %dma_wait3A_104 = tpu.memref_slice %arg12[%dma_wait3A_103] : memref<1024xf32, #tpu.memory_space<vmem>> -> memref<64xf32, #tpu.memory_space<vmem>>
        tpu.wait_dma2 semaphore(%run_scoped3A : memref<!tpu.dma_semaphore, #tpu.memory_space<semaphore_mem>>) src(%dma_wait3A_104 : memref<64xf32, #tpu.memory_space<vmem>>) dst(%dma_wait3A_102 : memref<64xf32, #tpu.memory_space<hbm>>)
        tpu.yield
      }) : () -> ()
    } else {
    }
    %ge3A = arith.constant 4 : i32
    %ge3A_50 = arith.cmpi sge, %select_n3A, %ge3A : i32
    %convert_element_type3A_51 = arith.extui %ge3A_50 : i1 to i32
    %cond3A_52 = arith.constant 0 : i32
    %cond3A_53 = arith.cmpi ne, %convert_element_type3A_51, %cond3A_52 : i32
    scf.if %cond3A_53 {
      %mul3A_54 = arith.constant 3 : i32
      %mul3A_55 = arith.muli %select_n3A_46, %mul3A_54 : i32
      %mul3A_56 = arith.constant 4096 : i32
      %mul3A_57 = arith.muli %mul3A_55, %mul3A_56 : i32
      %mul3A_58 = arith.constant 1024 : i32
      %mul3A_59 = arith.muli %select_n3A_30, %mul3A_58 : i32
      %add3A_60 = arith.addi %mul3A_57, %mul3A_59 : i32
      %mul3A_61 = arith.constant 3 : i32
      %mul3A_62 = arith.muli %select_n3A_46, %mul3A_61 : i32
      %mul3A_63 = arith.constant 4096 : i32
      %mul3A_64 = arith.muli %mul3A_62, %mul3A_63 : i32
      %add3A_65 = arith.constant 3840 : i32
      %add3A_66 = arith.addi %mul3A_64, %add3A_65 : i32
      %mul3A_67 = arith.constant 4096 : i32
      %mul3A_68 = arith.muli %select_n3A_46, %mul3A_67 : i32
      %add3A_69 = arith.constant 1024 : i32
      %add3A_70 = arith.addi %add3A_69, %mul3A_68 : i32
      %mul3A_71 = arith.constant 1024 : i32
      %mul3A_72 = arith.muli %select_n3A_30, %mul3A_71 : i32
      %add3A_73 = arith.addi %add3A_70, %mul3A_72 : i32
      %add3A_74 = arith.constant 0 : i32
      %add3A_75 = arith.addi %add3A_66, %add3A_74 : i32
      "tpu.region"() ({
        %run_scoped3A = tpu.sem_alloc : memref<!tpu.dma_semaphore, #tpu.memory_space<semaphore_mem>>
        %dma_start3A = arith.constant 0 : i32
        %dma_start3A_97 = tpu.memref_slice %arg5[%dma_start3A] : memref<4096xf32, #tpu.memory_space<vmem>> -> memref<256xf32, #tpu.memory_space<vmem>>
        %dma_start3A_98 = tpu.memref_slice %arg2[%add3A_75] : memref<49152xf32, #tpu.memory_space<hbm>> -> memref<256xf32, #tpu.memory_space<hbm>>
        %dma_start3A_99 = arith.constant 0 : i32
        %dma_start3A_100 = tpu.memref_slice %arg5[%dma_start3A_99] : memref<4096xf32, #tpu.memory_space<vmem>> -> memref<256xf32, #tpu.memory_space<vmem>>
        %dma_start3A_101 = tpu.memref_slice %arg2[%add3A_75] : memref<49152xf32, #tpu.memory_space<hbm>> -> memref<256xf32, #tpu.memory_space<hbm>>
        tpu.enqueue_dma source(%dma_start3A_101 : memref<256xf32, #tpu.memory_space<hbm>>) target(%dma_start3A_100 : memref<256xf32, #tpu.memory_space<vmem>>) target_semaphore(%run_scoped3A : memref<!tpu.dma_semaphore, #tpu.memory_space<semaphore_mem>>)
        %dma_wait3A = arith.constant 0 : i32
        %dma_wait3A_102 = tpu.memref_slice %arg5[%dma_wait3A] : memref<4096xf32, #tpu.memory_space<vmem>> -> memref<256xf32, #tpu.memory_space<vmem>>
        %dma_wait3A_103 = tpu.memref_slice %arg2[%add3A_75] : memref<49152xf32, #tpu.memory_space<hbm>> -> memref<256xf32, #tpu.memory_space<hbm>>
        %dma_wait3A_104 = arith.constant 0 : i32
        %dma_wait3A_105 = tpu.memref_slice %arg5[%dma_wait3A_104] : memref<4096xf32, #tpu.memory_space<vmem>> -> memref<256xf32, #tpu.memory_space<vmem>>
        %dma_wait3A_106 = tpu.memref_slice %arg2[%add3A_75] : memref<49152xf32, #tpu.memory_space<hbm>> -> memref<256xf32, #tpu.memory_space<hbm>>
        tpu.wait_dma2 semaphore(%run_scoped3A : memref<!tpu.dma_semaphore, #tpu.memory_space<semaphore_mem>>) src(%dma_wait3A_106 : memref<256xf32, #tpu.memory_space<hbm>>) dst(%dma_wait3A_105 : memref<256xf32, #tpu.memory_space<vmem>>)
        tpu.yield
      }) : () -> ()
      %add3A_76 = arith.constant 0 : i32
      %add3A_77 = arith.addi %add3A_60, %add3A_76 : i32
      "tpu.region"() ({
        %run_scoped3A = tpu.sem_alloc : memref<!tpu.dma_semaphore, #tpu.memory_space<semaphore_mem>>
        %dma_start3A = arith.constant 0 : i32
        %dma_start3A_97 = tpu.memref_slice %arg9[%dma_start3A] : memref<1024xf32, #tpu.memory_space<vmem>> -> memref<1024xf32, #tpu.memory_space<vmem>>
        %dma_start3A_98 = tpu.memref_slice %arg3[%add3A_77] : memref<49152xf32, #tpu.memory_space<hbm>> -> memref<1024xf32, #tpu.memory_space<hbm>>
        %dma_start3A_99 = arith.constant 0 : i32
        %dma_start3A_100 = tpu.memref_slice %arg9[%dma_start3A_99] : memref<1024xf32, #tpu.memory_space<vmem>> -> memref<1024xf32, #tpu.memory_space<vmem>>
        %dma_start3A_101 = tpu.memref_slice %arg3[%add3A_77] : memref<49152xf32, #tpu.memory_space<hbm>> -> memref<1024xf32, #tpu.memory_space<hbm>>
        tpu.enqueue_dma source(%dma_start3A_101 : memref<1024xf32, #tpu.memory_space<hbm>>) target(%dma_start3A_100 : memref<1024xf32, #tpu.memory_space<vmem>>) target_semaphore(%run_scoped3A : memref<!tpu.dma_semaphore, #tpu.memory_space<semaphore_mem>>)
        %dma_wait3A = arith.constant 0 : i32
        %dma_wait3A_102 = tpu.memref_slice %arg9[%dma_wait3A] : memref<1024xf32, #tpu.memory_space<vmem>> -> memref<1024xf32, #tpu.memory_space<vmem>>
        %dma_wait3A_103 = tpu.memref_slice %arg3[%add3A_77] : memref<49152xf32, #tpu.memory_space<hbm>> -> memref<1024xf32, #tpu.memory_space<hbm>>
        %dma_wait3A_104 = arith.constant 0 : i32
        %dma_wait3A_105 = tpu.memref_slice %arg9[%dma_wait3A_104] : memref<1024xf32, #tpu.memory_space<vmem>> -> memref<1024xf32, #tpu.memory_space<vmem>>
        %dma_wait3A_106 = tpu.memref_slice %arg3[%add3A_77] : memref<49152xf32, #tpu.memory_space<hbm>> -> memref<1024xf32, #tpu.memory_space<hbm>>
        tpu.wait_dma2 semaphore(%run_scoped3A : memref<!tpu.dma_semaphore, #tpu.memory_space<semaphore_mem>>) src(%dma_wait3A_106 : memref<1024xf32, #tpu.memory_space<hbm>>) dst(%dma_wait3A_105 : memref<1024xf32, #tpu.memory_space<vmem>>)
        tpu.yield
      }) : () -> ()
      %add3A_78 = arith.constant 4096 : i32
      %add3A_79 = arith.addi %add3A_66, %add3A_78 : i32
      "tpu.region"() ({
        %run_scoped3A = tpu.sem_alloc : memref<!tpu.dma_semaphore, #tpu.memory_space<semaphore_mem>>
        %dma_start3A = arith.constant 0 : i32
        %dma_start3A_97 = tpu.memref_slice %arg6[%dma_start3A] : memref<4096xf32, #tpu.memory_space<vmem>> -> memref<256xf32, #tpu.memory_space<vmem>>
        %dma_start3A_98 = tpu.memref_slice %arg2[%add3A_79] : memref<49152xf32, #tpu.memory_space<hbm>> -> memref<256xf32, #tpu.memory_space<hbm>>
        %dma_start3A_99 = arith.constant 0 : i32
        %dma_start3A_100 = tpu.memref_slice %arg6[%dma_start3A_99] : memref<4096xf32, #tpu.memory_space<vmem>> -> memref<256xf32, #tpu.memory_space<vmem>>
        %dma_start3A_101 = tpu.memref_slice %arg2[%add3A_79] : memref<49152xf32, #tpu.memory_space<hbm>> -> memref<256xf32, #tpu.memory_space<hbm>>
        tpu.enqueue_dma source(%dma_start3A_101 : memref<256xf32, #tpu.memory_space<hbm>>) target(%dma_start3A_100 : memref<256xf32, #tpu.memory_space<vmem>>) target_semaphore(%run_scoped3A : memref<!tpu.dma_semaphore, #tpu.memory_space<semaphore_mem>>)
        %dma_wait3A = arith.constant 0 : i32
        %dma_wait3A_102 = tpu.memref_slice %arg6[%dma_wait3A] : memref<4096xf32, #tpu.memory_space<vmem>> -> memref<256xf32, #tpu.memory_space<vmem>>
        %dma_wait3A_103 = tpu.memref_slice %arg2[%add3A_79] : memref<49152xf32, #tpu.memory_space<hbm>> -> memref<256xf32, #tpu.memory_space<hbm>>
        %dma_wait3A_104 = arith.constant 0 : i32
        %dma_wait3A_105 = tpu.memref_slice %arg6[%dma_wait3A_104] : memref<4096xf32, #tpu.memory_space<vmem>> -> memref<256xf32, #tpu.memory_space<vmem>>
        %dma_wait3A_106 = tpu.memref_slice %arg2[%add3A_79] : memref<49152xf32, #tpu.memory_space<hbm>> -> memref<256xf32, #tpu.memory_space<hbm>>
        tpu.wait_dma2 semaphore(%run_scoped3A : memref<!tpu.dma_semaphore, #tpu.memory_space<semaphore_mem>>) src(%dma_wait3A_106 : memref<256xf32, #tpu.memory_space<hbm>>) dst(%dma_wait3A_105 : memref<256xf32, #tpu.memory_space<vmem>>)
        tpu.yield
      }) : () -> ()
      %add3A_80 = arith.constant 4096 : i32
      %add3A_81 = arith.addi %add3A_60, %add3A_80 : i32
      "tpu.region"() ({
        %run_scoped3A = tpu.sem_alloc : memref<!tpu.dma_semaphore, #tpu.memory_space<semaphore_mem>>
        %dma_start3A = arith.constant 0 : i32
        %dma_start3A_97 = tpu.memref_slice %arg10[%dma_start3A] : memref<1024xf32, #tpu.memory_space<vmem>> -> memref<1024xf32, #tpu.memory_space<vmem>>
        %dma_start3A_98 = tpu.memref_slice %arg3[%add3A_81] : memref<49152xf32, #tpu.memory_space<hbm>> -> memref<1024xf32, #tpu.memory_space<hbm>>
        %dma_start3A_99 = arith.constant 0 : i32
        %dma_start3A_100 = tpu.memref_slice %arg10[%dma_start3A_99] : memref<1024xf32, #tpu.memory_space<vmem>> -> memref<1024xf32, #tpu.memory_space<vmem>>
        %dma_start3A_101 = tpu.memref_slice %arg3[%add3A_81] : memref<49152xf32, #tpu.memory_space<hbm>> -> memref<1024xf32, #tpu.memory_space<hbm>>
        tpu.enqueue_dma source(%dma_start3A_101 : memref<1024xf32, #tpu.memory_space<hbm>>) target(%dma_start3A_100 : memref<1024xf32, #tpu.memory_space<vmem>>) target_semaphore(%run_scoped3A : memref<!tpu.dma_semaphore, #tpu.memory_space<semaphore_mem>>)
        %dma_wait3A = arith.constant 0 : i32
        %dma_wait3A_102 = tpu.memref_slice %arg10[%dma_wait3A] : memref<1024xf32, #tpu.memory_space<vmem>> -> memref<1024xf32, #tpu.memory_space<vmem>>
        %dma_wait3A_103 = tpu.memref_slice %arg3[%add3A_81] : memref<49152xf32, #tpu.memory_space<hbm>> -> memref<1024xf32, #tpu.memory_space<hbm>>
        %dma_wait3A_104 = arith.constant 0 : i32
        %dma_wait3A_105 = tpu.memref_slice %arg10[%dma_wait3A_104] : memref<1024xf32, #tpu.memory_space<vmem>> -> memref<1024xf32, #tpu.memory_space<vmem>>
        %dma_wait3A_106 = tpu.memref_slice %arg3[%add3A_81] : memref<49152xf32, #tpu.memory_space<hbm>> -> memref<1024xf32, #tpu.memory_space<hbm>>
        tpu.wait_dma2 semaphore(%run_scoped3A : memref<!tpu.dma_semaphore, #tpu.memory_space<semaphore_mem>>) src(%dma_wait3A_106 : memref<1024xf32, #tpu.memory_space<hbm>>) dst(%dma_wait3A_105 : memref<1024xf32, #tpu.memory_space<vmem>>)
        tpu.yield
      }) : () -> ()
      %add3A_82 = arith.constant 8192 : i32
      %add3A_83 = arith.addi %add3A_66, %add3A_82 : i32
      "tpu.region"() ({
        %run_scoped3A = tpu.sem_alloc : memref<!tpu.dma_semaphore, #tpu.memory_space<semaphore_mem>>
        %dma_start3A = arith.constant 0 : i32
        %dma_start3A_97 = tpu.memref_slice %arg7[%dma_start3A] : memref<4096xf32, #tpu.memory_space<vmem>> -> memref<256xf32, #tpu.memory_space<vmem>>
        %dma_start3A_98 = tpu.memref_slice %arg2[%add3A_83] : memref<49152xf32, #tpu.memory_space<hbm>> -> memref<256xf32, #tpu.memory_space<hbm>>
        %dma_start3A_99 = arith.constant 0 : i32
        %dma_start3A_100 = tpu.memref_slice %arg7[%dma_start3A_99] : memref<4096xf32, #tpu.memory_space<vmem>> -> memref<256xf32, #tpu.memory_space<vmem>>
        %dma_start3A_101 = tpu.memref_slice %arg2[%add3A_83] : memref<49152xf32, #tpu.memory_space<hbm>> -> memref<256xf32, #tpu.memory_space<hbm>>
        tpu.enqueue_dma source(%dma_start3A_101 : memref<256xf32, #tpu.memory_space<hbm>>) target(%dma_start3A_100 : memref<256xf32, #tpu.memory_space<vmem>>) target_semaphore(%run_scoped3A : memref<!tpu.dma_semaphore, #tpu.memory_space<semaphore_mem>>)
        %dma_wait3A = arith.constant 0 : i32
        %dma_wait3A_102 = tpu.memref_slice %arg7[%dma_wait3A] : memref<4096xf32, #tpu.memory_space<vmem>> -> memref<256xf32, #tpu.memory_space<vmem>>
        %dma_wait3A_103 = tpu.memref_slice %arg2[%add3A_83] : memref<49152xf32, #tpu.memory_space<hbm>> -> memref<256xf32, #tpu.memory_space<hbm>>
        %dma_wait3A_104 = arith.constant 0 : i32
        %dma_wait3A_105 = tpu.memref_slice %arg7[%dma_wait3A_104] : memref<4096xf32, #tpu.memory_space<vmem>> -> memref<256xf32, #tpu.memory_space<vmem>>
        %dma_wait3A_106 = tpu.memref_slice %arg2[%add3A_83] : memref<49152xf32, #tpu.memory_space<hbm>> -> memref<256xf32, #tpu.memory_space<hbm>>
        tpu.wait_dma2 semaphore(%run_scoped3A : memref<!tpu.dma_semaphore, #tpu.memory_space<semaphore_mem>>) src(%dma_wait3A_106 : memref<256xf32, #tpu.memory_space<hbm>>) dst(%dma_wait3A_105 : memref<256xf32, #tpu.memory_space<vmem>>)
        tpu.yield
      }) : () -> ()
      %add3A_84 = arith.constant 8192 : i32
      %add3A_85 = arith.addi %add3A_60, %add3A_84 : i32
      "tpu.region"() ({
        %run_scoped3A = tpu.sem_alloc : memref<!tpu.dma_semaphore, #tpu.memory_space<semaphore_mem>>
        %dma_start3A = arith.constant 0 : i32
        %dma_start3A_97 = tpu.memref_slice %arg11[%dma_start3A] : memref<1024xf32, #tpu.memory_space<vmem>> -> memref<1024xf32, #tpu.memory_space<vmem>>
        %dma_start3A_98 = tpu.memref_slice %arg3[%add3A_85] : memref<49152xf32, #tpu.memory_space<hbm>> -> memref<1024xf32, #tpu.memory_space<hbm>>
        %dma_start3A_99 = arith.constant 0 : i32
        %dma_start3A_100 = tpu.memref_slice %arg11[%dma_start3A_99] : memref<1024xf32, #tpu.memory_space<vmem>> -> memref<1024xf32, #tpu.memory_space<vmem>>
        %dma_start3A_101 = tpu.memref_slice %arg3[%add3A_85] : memref<49152xf32, #tpu.memory_space<hbm>> -> memref<1024xf32, #tpu.memory_space<hbm>>
        tpu.enqueue_dma source(%dma_start3A_101 : memref<1024xf32, #tpu.memory_space<hbm>>) target(%dma_start3A_100 : memref<1024xf32, #tpu.memory_space<vmem>>) target_semaphore(%run_scoped3A : memref<!tpu.dma_semaphore, #tpu.memory_space<semaphore_mem>>)
        %dma_wait3A = arith.constant 0 : i32
        %dma_wait3A_102 = tpu.memref_slice %arg11[%dma_wait3A] : memref<1024xf32, #tpu.memory_space<vmem>> -> memref<1024xf32, #tpu.memory_space<vmem>>
        %dma_wait3A_103 = tpu.memref_slice %arg3[%add3A_85] : memref<49152xf32, #tpu.memory_space<hbm>> -> memref<1024xf32, #tpu.memory_space<hbm>>
        %dma_wait3A_104 = arith.constant 0 : i32
        %dma_wait3A_105 = tpu.memref_slice %arg11[%dma_wait3A_104] : memref<1024xf32, #tpu.memory_space<vmem>> -> memref<1024xf32, #tpu.memory_space<vmem>>
        %dma_wait3A_106 = tpu.memref_slice %arg3[%add3A_85] : memref<49152xf32, #tpu.memory_space<hbm>> -> memref<1024xf32, #tpu.memory_space<hbm>>
        tpu.wait_dma2 semaphore(%run_scoped3A : memref<!tpu.dma_semaphore, #tpu.memory_space<semaphore_mem>>) src(%dma_wait3A_106 : memref<1024xf32, #tpu.memory_space<hbm>>) dst(%dma_wait3A_105 : memref<1024xf32, #tpu.memory_space<vmem>>)
        tpu.yield
      }) : () -> ()
      %scan3A = arith.constant 0 : i32
      %scan3A_86 = arith.constant 0 : i32
      %scan3A_87 = arith.constant 16 : i32
      %scan3A_88 = arith.addi %scan3A_86, %scan3A_87 : i32
      %scan3A_89 = arith.constant 1 : i32
      scf.for %scan3A_97 = %scan3A_86 to %scan3A_88 step %scan3A_89  : i32 {
        %mul3A_98 = arith.constant 16 : i32
        %mul3A_99 = arith.muli %scan3A_97, %mul3A_98 : i32
        %get3A = arith.index_cast %mul3A_99 : i32 to index
        %get3A_100 = tpu.vector_load %arg5[%get3A] {strides = array<i32>} : memref<4096xf32, #tpu.memory_space<vmem>>, vector<16xf32>,
        %get3A_101 = vector.shape_cast %get3A_100 : vector<16xf32> to vector<16xf32>
        %get3A_102 = arith.index_cast %mul3A_99 : i32 to index
        %get3A_103 = tpu.vector_load %arg6[%get3A_102] {strides = array<i32>} : memref<4096xf32, #tpu.memory_space<vmem>>, vector<16xf32>,
        %get3A_104 = vector.shape_cast %get3A_103 : vector<16xf32> to vector<16xf32>
        %get3A_105 = arith.index_cast %mul3A_99 : i32 to index
        %get3A_106 = tpu.vector_load %arg7[%get3A_105] {strides = array<i32>} : memref<4096xf32, #tpu.memory_space<vmem>>, vector<16xf32>,
        %get3A_107 = vector.shape_cast %get3A_106 : vector<16xf32> to vector<16xf32>
        %mul3A_108 = arith.mulf %get3A_101, %get3A_101 : vector<16xf32>
        %mul3A_109 = arith.mulf %get3A_104, %get3A_104 : vector<16xf32>
        %add3A_110 = arith.addf %mul3A_108, %mul3A_109 : vector<16xf32>
        %mul3A_111 = arith.mulf %get3A_107, %get3A_107 : vector<16xf32>
        %add3A_112 = arith.addf %add3A_110, %mul3A_111 : vector<16xf32>
        %swap3A = arith.index_cast %mul3A_99 : i32 to index
        %swap3A_113 = tpu.vector_load %arg8[%swap3A] {strides = array<i32>} : memref<4096xf32, #tpu.memory_space<vmem>>, vector<16xf32>,
        %swap3A_114 = vector.shape_cast %swap3A_113 : vector<16xf32> to vector<16xf32>
        %swap3A_115 = vector.shape_cast %add3A_112 : vector<16xf32> to vector<16xf32>
        tpu.vector_store %arg8[%swap3A], %swap3A_115 {strides = array<i32>} : memref<4096xf32, #tpu.memory_space<vmem>>, vector<16xf32>,
        %mul3A_116 = arith.constant -2.000000e+00 : f32
        %mul3A_117 = vector.broadcast %mul3A_116 : f32 to vector<16xf32>
        %mul3A_118 = arith.mulf %get3A_101, %mul3A_117 : vector<16xf32>
        %swap3A_119 = arith.index_cast %mul3A_99 : i32 to index
        %swap3A_120 = tpu.vector_load %arg5[%swap3A_119] {strides = array<i32>} : memref<4096xf32, #tpu.memory_space<vmem>>, vector<16xf32>,
        %swap3A_121 = vector.shape_cast %swap3A_120 : vector<16xf32> to vector<16xf32>
        %swap3A_122 = vector.shape_cast %mul3A_118 : vector<16xf32> to vector<16xf32>
        tpu.vector_store %arg5[%swap3A_119], %swap3A_122 {strides = array<i32>} : memref<4096xf32, #tpu.memory_space<vmem>>, vector<16xf32>,
        %mul3A_123 = arith.constant -2.000000e+00 : f32
        %mul3A_124 = vector.broadcast %mul3A_123 : f32 to vector<16xf32>
        %mul3A_125 = arith.mulf %get3A_104, %mul3A_124 : vector<16xf32>
        %swap3A_126 = arith.index_cast %mul3A_99 : i32 to index
        %swap3A_127 = tpu.vector_load %arg6[%swap3A_126] {strides = array<i32>} : memref<4096xf32, #tpu.memory_space<vmem>>, vector<16xf32>,
        %swap3A_128 = vector.shape_cast %swap3A_127 : vector<16xf32> to vector<16xf32>
        %swap3A_129 = vector.shape_cast %mul3A_125 : vector<16xf32> to vector<16xf32>
        tpu.vector_store %arg6[%swap3A_126], %swap3A_129 {strides = array<i32>} : memref<4096xf32, #tpu.memory_space<vmem>>, vector<16xf32>,
        %mul3A_130 = arith.constant -2.000000e+00 : f32
        %mul3A_131 = vector.broadcast %mul3A_130 : f32 to vector<16xf32>
        %mul3A_132 = arith.mulf %get3A_107, %mul3A_131 : vector<16xf32>
        %swap3A_133 = arith.index_cast %mul3A_99 : i32 to index
        %swap3A_134 = tpu.vector_load %arg7[%swap3A_133] {strides = array<i32>} : memref<4096xf32, #tpu.memory_space<vmem>>, vector<16xf32>,
        %swap3A_135 = vector.shape_cast %swap3A_134 : vector<16xf32> to vector<16xf32>
        %swap3A_136 = vector.shape_cast %mul3A_132 : vector<16xf32> to vector<16xf32>
        tpu.vector_store %arg7[%swap3A_133], %swap3A_136 {strides = array<i32>} : memref<4096xf32, #tpu.memory_space<vmem>>, vector<16xf32>,
      }
      %scan3A_90 = arith.constant 16 : i32
      %scan3A_91 = arith.constant 0 : i32
      %scan3A_92 = arith.constant 0 : i32
      %scan3A_93 = arith.constant 32 : i32
      %scan3A_94 = arith.addi %scan3A_92, %scan3A_93 : i32
      %scan3A_95 = arith.constant 1 : i32
      scf.for %scan3A_97 = %scan3A_92 to %scan3A_94 step %scan3A_95  : i32 {
        %mul3A_98 = arith.constant 32 : i32
        %mul3A_99 = arith.muli %scan3A_97, %mul3A_98 : i32
        %add3A_100 = arith.constant 0 : i32
        %add3A_101 = arith.addi %mul3A_99, %add3A_100 : i32
        %get3A = arith.index_cast %add3A_101 : i32 to index
        %get3A_102 = tpu.vector_load %arg9[%get3A] {strides = array<i32>} : memref<1024xf32, #tpu.memory_space<vmem>>, vector<16xf32>,
        %get3A_103 = vector.shape_cast %get3A_102 : vector<16xf32> to vector<16xf32>
        %add3A_104 = arith.constant 16 : i32
        %add3A_105 = arith.addi %mul3A_99, %add3A_104 : i32
        %get3A_106 = arith.index_cast %add3A_105 : i32 to index
        %get3A_107 = tpu.vector_load %arg9[%get3A_106] {strides = array<i32>} : memref<1024xf32, #tpu.memory_space<vmem>>, vector<16xf32>,
        %get3A_108 = vector.shape_cast %get3A_107 : vector<16xf32> to vector<16xf32>
        %add3A_109 = arith.constant 0 : i32
        %add3A_110 = arith.addi %mul3A_99, %add3A_109 : i32
        %get3A_111 = arith.index_cast %add3A_110 : i32 to index
        %get3A_112 = tpu.vector_load %arg10[%get3A_111] {strides = array<i32>} : memref<1024xf32, #tpu.memory_space<vmem>>, vector<16xf32>,
        %get3A_113 = vector.shape_cast %get3A_112 : vector<16xf32> to vector<16xf32>
        %add3A_114 = arith.constant 16 : i32
        %add3A_115 = arith.addi %mul3A_99, %add3A_114 : i32
        %get3A_116 = arith.index_cast %add3A_115 : i32 to index
        %get3A_117 = tpu.vector_load %arg10[%get3A_116] {strides = array<i32>} : memref<1024xf32, #tpu.memory_space<vmem>>, vector<16xf32>,
        %get3A_118 = vector.shape_cast %get3A_117 : vector<16xf32> to vector<16xf32>
        %add3A_119 = arith.constant 0 : i32
        %add3A_120 = arith.addi %mul3A_99, %add3A_119 : i32
        %get3A_121 = arith.index_cast %add3A_120 : i32 to index
        %get3A_122 = tpu.vector_load %arg11[%get3A_121] {strides = array<i32>} : memref<1024xf32, #tpu.memory_space<vmem>>, vector<16xf32>,
        %get3A_123 = vector.shape_cast %get3A_122 : vector<16xf32> to vector<16xf32>
        %add3A_124 = arith.constant 16 : i32
        %add3A_125 = arith.addi %mul3A_99, %add3A_124 : i32
        %get3A_126 = arith.index_cast %add3A_125 : i32 to index
        %get3A_127 = tpu.vector_load %arg11[%get3A_126] {strides = array<i32>} : memref<1024xf32, #tpu.memory_space<vmem>>, vector<16xf32>,
        %get3A_128 = vector.shape_cast %get3A_127 : vector<16xf32> to vector<16xf32>
        %mul3A_129 = arith.mulf %get3A_103, %get3A_103 : vector<16xf32>
        %mul3A_130 = arith.mulf %get3A_113, %get3A_113 : vector<16xf32>
        %add3A_131 = arith.addf %mul3A_129, %mul3A_130 : vector<16xf32>
        %mul3A_132 = arith.mulf %get3A_123, %get3A_123 : vector<16xf32>
        %add3A_133 = arith.addf %add3A_131, %mul3A_132 : vector<16xf32>
        %mul3A_134 = arith.mulf %get3A_108, %get3A_108 : vector<16xf32>
        %mul3A_135 = arith.mulf %get3A_118, %get3A_118 : vector<16xf32>
        %add3A_136 = arith.addf %mul3A_134, %mul3A_135 : vector<16xf32>
        %mul3A_137 = arith.mulf %get3A_128, %get3A_128 : vector<16xf32>
        %add3A_138 = arith.addf %add3A_136, %mul3A_137 : vector<16xf32>
        %broadcast_in_dim3A = arith.constant 0x7F800000 : f32
        %broadcast_in_dim3A_139 = vector.broadcast %broadcast_in_dim3A : f32 to vector<16xf32>
        %scan3A_140 = arith.constant 0 : i32
        %scan3A_141 = arith.constant 16 : i32
        %scan3A_142 = arith.addi %scan3A_140, %scan3A_141 : i32
        %scan3A_143 = arith.constant 1 : i32
        %scan3A_144:2 = scf.for %scan3A_159 = %scan3A_140 to %scan3A_142 step %scan3A_143 iter_args(%scan3A_160 = %broadcast_in_dim3A_139, %scan3A_161 = %broadcast_in_dim3A_139) -> (vector<16xf32>, vector<16xf32>)  : i32 {
          %mul3A_162 = arith.constant 16 : i32
          %mul3A_163 = arith.muli %scan3A_159, %mul3A_162 : i32
          %get3A_164 = arith.index_cast %mul3A_163 : i32 to index
          %get3A_165 = tpu.vector_load %arg5[%get3A_164] {strides = array<i32>} : memref<4096xf32, #tpu.memory_space<vmem>>, vector<16xf32>,
          %get3A_166 = vector.shape_cast %get3A_165 : vector<16xf32> to vector<16xf32>
          %get3A_167 = arith.index_cast %mul3A_163 : i32 to index
          %get3A_168 = tpu.vector_load %arg6[%get3A_167] {strides = array<i32>} : memref<4096xf32, #tpu.memory_space<vmem>>, vector<16xf32>,
          %get3A_169 = vector.shape_cast %get3A_168 : vector<16xf32> to vector<16xf32>
          %get3A_170 = arith.index_cast %mul3A_163 : i32 to index
          %get3A_171 = tpu.vector_load %arg7[%get3A_170] {strides = array<i32>} : memref<4096xf32, #tpu.memory_space<vmem>>, vector<16xf32>,
          %get3A_172 = vector.shape_cast %get3A_171 : vector<16xf32> to vector<16xf32>
          %get3A_173 = arith.index_cast %mul3A_163 : i32 to index
          %get3A_174 = tpu.vector_load %arg8[%get3A_173] {strides = array<i32>} : memref<4096xf32, #tpu.memory_space<vmem>>, vector<16xf32>,
          %get3A_175 = vector.shape_cast %get3A_174 : vector<16xf32> to vector<16xf32>
          %broadcast_in_dim3A_176 = arith.constant 0 : i32
          %broadcast_in_dim3A_177 = vector.broadcast %broadcast_in_dim3A_176 : i32 to vector<16xi32>
          %lt3A_178 = arith.constant 0 : i32
          %lt3A_179 = vector.broadcast %lt3A_178 : i32 to vector<16xi32>
          %lt3A_180 = arith.cmpi slt, %broadcast_in_dim3A_177, %lt3A_179 : vector<16xi32>
          %add3A_181 = arith.constant 16 : i32
          %add3A_182 = vector.broadcast %add3A_181 : i32 to vector<16xi32>
          %add3A_183 = arith.addi %broadcast_in_dim3A_177, %add3A_182 : vector<16xi32>
          %select_n3A_184 = arith.select %lt3A_180, %add3A_183, %broadcast_in_dim3A_177 : vector<16xi1>, vector<16xi32>
          %broadcast_in_dim3A_185 = vector.shape_cast %select_n3A_184 : vector<16xi32> to vector<16x1xi32>
          %gather3A = vector.shape_cast %broadcast_in_dim3A_185 : vector<16x1xi32> to vector<16xi32>
          %gather3A_186 = tpu.dynamic_gather %get3A_166[%gather3A] in [0] : vector<16xf32>, vector<16xi32> -> vector<16xf32>
          %lt3A_187 = arith.constant 0 : i32
          %lt3A_188 = vector.broadcast %lt3A_187 : i32 to vector<16xi32>
          %lt3A_189 = arith.cmpi slt, %broadcast_in_dim3A_177, %lt3A_188 : vector<16xi32>
          %add3A_190 = arith.constant 16 : i32
          %add3A_191 = vector.broadcast %add3A_190 : i32 to vector<16xi32>
          %add3A_192 = arith.addi %broadcast_in_dim3A_177, %add3A_191 : vector<16xi32>
          %select_n3A_193 = arith.select %lt3A_189, %add3A_192, %broadcast_in_dim3A_177 : vector<16xi1>, vector<16xi32>
          %broadcast_in_dim3A_194 = vector.shape_cast %select_n3A_193 : vector<16xi32> to vector<16x1xi32>
          %gather3A_195 = vector.shape_cast %broadcast_in_dim3A_194 : vector<16x1xi32> to vector<16xi32>
          %gather3A_196 = tpu.dynamic_gather %get3A_169[%gather3A_195] in [0] : vector<16xf32>, vector<16xi32> -> vector<16xf32>
          %lt3A_197 = arith.constant 0 : i32
          %lt3A_198 = vector.broadcast %lt3A_197 : i32 to vector<16xi32>
          %lt3A_199 = arith.cmpi slt, %broadcast_in_dim3A_177, %lt3A_198 : vector<16xi32>
          %add3A_200 = arith.constant 16 : i32
          %add3A_201 = vector.broadcast %add3A_200 : i32 to vector<16xi32>
          %add3A_202 = arith.addi %broadcast_in_dim3A_177, %add3A_201 : vector<16xi32>
          %select_n3A_203 = arith.select %lt3A_199, %add3A_202, %broadcast_in_dim3A_177 : vector<16xi1>, vector<16xi32>
          %broadcast_in_dim3A_204 = vector.shape_cast %select_n3A_203 : vector<16xi32> to vector<16x1xi32>
          %gather3A_205 = vector.shape_cast %broadcast_in_dim3A_204 : vector<16x1xi32> to vector<16xi32>
          %gather3A_206 = tpu.dynamic_gather %get3A_172[%gather3A_205] in [0] : vector<16xf32>, vector<16xi32> -> vector<16xf32>
          %lt3A_207 = arith.constant 0 : i32
          %lt3A_208 = vector.broadcast %lt3A_207 : i32 to vector<16xi32>
          %lt3A_209 = arith.cmpi slt, %broadcast_in_dim3A_177, %lt3A_208 : vector<16xi32>
          %add3A_210 = arith.constant 16 : i32
          %add3A_211 = vector.broadcast %add3A_210 : i32 to vector<16xi32>
          %add3A_212 = arith.addi %broadcast_in_dim3A_177, %add3A_211 : vector<16xi32>
          %select_n3A_213 = arith.select %lt3A_209, %add3A_212, %broadcast_in_dim3A_177 : vector<16xi1>, vector<16xi32>
          %broadcast_in_dim3A_214 = vector.shape_cast %select_n3A_213 : vector<16xi32> to vector<16x1xi32>
          %gather3A_215 = vector.shape_cast %broadcast_in_dim3A_214 : vector<16x1xi32> to vector<16xi32>
          %gather3A_216 = tpu.dynamic_gather %get3A_175[%gather3A_215] in [0] : vector<16xf32>, vector<16xi32> -> vector<16xf32>
          %mul3A_217 = arith.mulf %get3A_103, %gather3A_186 : vector<16xf32>
          %mul3A_218 = arith.mulf %get3A_113, %gather3A_196 : vector<16xf32>
          %add3A_219 = arith.addf %mul3A_217, %mul3A_218 : vector<16xf32>
          %mul3A_220 = arith.mulf %get3A_123, %gather3A_206 : vector<16xf32>
          %add3A_221 = arith.addf %mul3A_220, %gather3A_216 : vector<16xf32>
          %add3A_222 = arith.addf %add3A_219, %add3A_221 : vector<16xf32>
          %min3A = arith.minimumf %scan3A_160, %add3A_222 : vector<16xf32>
          %mul3A_223 = arith.mulf %get3A_108, %gather3A_186 : vector<16xf32>
          %mul3A_224 = arith.mulf %get3A_118, %gather3A_196 : vector<16xf32>
          %add3A_225 = arith.addf %mul3A_223, %mul3A_224 : vector<16xf32>
          %mul3A_226 = arith.mulf %get3A_128, %gather3A_206 : vector<16xf32>
          %add3A_227 = arith.addf %mul3A_226, %gather3A_216 : vector<16xf32>
          %add3A_228 = arith.addf %add3A_225, %add3A_227 : vector<16xf32>
          %min3A_229 = arith.minimumf %scan3A_161, %add3A_228 : vector<16xf32>
          %broadcast_in_dim3A_230 = arith.constant 1 : i32
          %broadcast_in_dim3A_231 = vector.broadcast %broadcast_in_dim3A_230 : i32 to vector<16xi32>
          %lt3A_232 = arith.constant 0 : i32
          %lt3A_233 = vector.broadcast %lt3A_232 : i32 to vector<16xi32>
          %lt3A_234 = arith.cmpi slt, %broadcast_in_dim3A_231, %lt3A_233 : vector<16xi32>
          %add3A_235 = arith.constant 16 : i32
          %add3A_236 = vector.broadcast %add3A_235 : i32 to vector<16xi32>
          %add3A_237 = arith.addi %broadcast_in_dim3A_231, %add3A_236 : vector<16xi32>
          %select_n3A_238 = arith.select %lt3A_234, %add3A_237, %broadcast_in_dim3A_231 : vector<16xi1>, vector<16xi32>
          %broadcast_in_dim3A_239 = vector.shape_cast %select_n3A_238 : vector<16xi32> to vector<16x1xi32>
          %gather3A_240 = vector.shape_cast %broadcast_in_dim3A_239 : vector<16x1xi32> to vector<16xi32>
          %gather3A_241 = tpu.dynamic_gather %get3A_166[%gather3A_240] in [0] : vector<16xf32>, vector<16xi32> -> vector<16xf32>
          %lt3A_242 = arith.constant 0 : i32
          %lt3A_243 = vector.broadcast %lt3A_242 : i32 to vector<16xi32>
          %lt3A_244 = arith.cmpi slt, %broadcast_in_dim3A_231, %lt3A_243 : vector<16xi32>
          %add3A_245 = arith.constant 16 : i32
          %add3A_246 = vector.broadcast %add3A_245 : i32 to vector<16xi32>
          %add3A_247 = arith.addi %broadcast_in_dim3A_231, %add3A_246 : vector<16xi32>
          %select_n3A_248 = arith.select %lt3A_244, %add3A_247, %broadcast_in_dim3A_231 : vector<16xi1>, vector<16xi32>
          %broadcast_in_dim3A_249 = vector.shape_cast %select_n3A_248 : vector<16xi32> to vector<16x1xi32>
          %gather3A_250 = vector.shape_cast %broadcast_in_dim3A_249 : vector<16x1xi32> to vector<16xi32>
          %gather3A_251 = tpu.dynamic_gather %get3A_169[%gather3A_250] in [0] : vector<16xf32>, vector<16xi32> -> vector<16xf32>
          %lt3A_252 = arith.constant 0 : i32
          %lt3A_253 = vector.broadcast %lt3A_252 : i32 to vector<16xi32>
          %lt3A_254 = arith.cmpi slt, %broadcast_in_dim3A_231, %lt3A_253 : vector<16xi32>
          %add3A_255 = arith.constant 16 : i32
          %add3A_256 = vector.broadcast %add3A_255 : i32 to vector<16xi32>
          %add3A_257 = arith.addi %broadcast_in_dim3A_231, %add3A_256 : vector<16xi32>
          %select_n3A_258 = arith.select %lt3A_254, %add3A_257, %broadcast_in_dim3A_231 : vector<16xi1>, vector<16xi32>
          %broadcast_in_dim3A_259 = vector.shape_cast %select_n3A_258 : vector<16xi32> to vector<16x1xi32>
          %gather3A_260 = vector.shape_cast %broadcast_in_dim3A_259 : vector<16x1xi32> to vector<16xi32>
          %gather3A_261 = tpu.dynamic_gather %get3A_172[%gather3A_260] in [0] : vector<16xf32>, vector<16xi32> -> vector<16xf32>
          %lt3A_262 = arith.constant 0 : i32
          %lt3A_263 = vector.broadcast %lt3A_262 : i32 to vector<16xi32>
          %lt3A_264 = arith.cmpi slt, %broadcast_in_dim3A_231, %lt3A_263 : vector<16xi32>
          %add3A_265 = arith.constant 16 : i32
          %add3A_266 = vector.broadcast %add3A_265 : i32 to vector<16xi32>
          %add3A_267 = arith.addi %broadcast_in_dim3A_231, %add3A_266 : vector<16xi32>
          %select_n3A_268 = arith.select %lt3A_264, %add3A_267, %broadcast_in_dim3A_231 : vector<16xi1>, vector<16xi32>
          %broadcast_in_dim3A_269 = vector.shape_cast %select_n3A_268 : vector<16xi32> to vector<16x1xi32>
          %gather3A_270 = vector.shape_cast %broadcast_in_dim3A_269 : vector<16x1xi32> to vector<16xi32>
          %gather3A_271 = tpu.dynamic_gather %get3A_175[%gather3A_270] in [0] : vector<16xf32>, vector<16xi32> -> vector<16xf32>
          %mul3A_272 = arith.mulf %get3A_103, %gather3A_241 : vector<16xf32>
          %mul3A_273 = arith.mulf %get3A_113, %gather3A_251 : vector<16xf32>
          %add3A_274 = arith.addf %mul3A_272, %mul3A_273 : vector<16xf32>
          %mul3A_275 = arith.mulf %get3A_123, %gather3A_261 : vector<16xf32>
          %add3A_276 = arith.addf %mul3A_275, %gather3A_271 : vector<16xf32>
          %add3A_277 = arith.addf %add3A_274, %add3A_276 : vector<16xf32>
          %min3A_278 = arith.minimumf %min3A, %add3A_277 : vector<16xf32>
          %mul3A_279 = arith.mulf %get3A_108, %gather3A_241 : vector<16xf32>
          %mul3A_280 = arith.mulf %get3A_118, %gather3A_251 : vector<16xf32>
          %add3A_281 = arith.addf %mul3A_279, %mul3A_280 : vector<16xf32>
          %mul3A_282 = arith.mulf %get3A_128, %gather3A_261 : vector<16xf32>
          %add3A_283 = arith.addf %mul3A_282, %gather3A_271 : vector<16xf32>
          %add3A_284 = arith.addf %add3A_281, %add3A_283 : vector<16xf32>
          %min3A_285 = arith.minimumf %min3A_229, %add3A_284 : vector<16xf32>
          %broadcast_in_dim3A_286 = arith.constant 2 : i32
          %broadcast_in_dim3A_287 = vector.broadcast %broadcast_in_dim3A_286 : i32 to vector<16xi32>
          %lt3A_288 = arith.constant 0 : i32
          %lt3A_289 = vector.broadcast %lt3A_288 : i32 to vector<16xi32>
          %lt3A_290 = arith.cmpi slt, %broadcast_in_dim3A_287, %lt3A_289 : vector<16xi32>
          %add3A_291 = arith.constant 16 : i32
          %add3A_292 = vector.broadcast %add3A_291 : i32 to vector<16xi32>
          %add3A_293 = arith.addi %broadcast_in_dim3A_287, %add3A_292 : vector<16xi32>
          %select_n3A_294 = arith.select %lt3A_290, %add3A_293, %broadcast_in_dim3A_287 : vector<16xi1>, vector<16xi32>
          %broadcast_in_dim3A_295 = vector.shape_cast %select_n3A_294 : vector<16xi32> to vector<16x1xi32>
          %gather3A_296 = vector.shape_cast %broadcast_in_dim3A_295 : vector<16x1xi32> to vector<16xi32>
          %gather3A_297 = tpu.dynamic_gather %get3A_166[%gather3A_296] in [0] : vector<16xf32>, vector<16xi32> -> vector<16xf32>
          %lt3A_298 = arith.constant 0 : i32
          %lt3A_299 = vector.broadcast %lt3A_298 : i32 to vector<16xi32>
          %lt3A_300 = arith.cmpi slt, %broadcast_in_dim3A_287, %lt3A_299 : vector<16xi32>
          %add3A_301 = arith.constant 16 : i32
          %add3A_302 = vector.broadcast %add3A_301 : i32 to vector<16xi32>
          %add3A_303 = arith.addi %broadcast_in_dim3A_287, %add3A_302 : vector<16xi32>
          %select_n3A_304 = arith.select %lt3A_300, %add3A_303, %broadcast_in_dim3A_287 : vector<16xi1>, vector<16xi32>
          %broadcast_in_dim3A_305 = vector.shape_cast %select_n3A_304 : vector<16xi32> to vector<16x1xi32>
          %gather3A_306 = vector.shape_cast %broadcast_in_dim3A_305 : vector<16x1xi32> to vector<16xi32>
          %gather3A_307 = tpu.dynamic_gather %get3A_169[%gather3A_306] in [0] : vector<16xf32>, vector<16xi32> -> vector<16xf32>
          %lt3A_308 = arith.constant 0 : i32
          %lt3A_309 = vector.broadcast %lt3A_308 : i32 to vector<16xi32>
          %lt3A_310 = arith.cmpi slt, %broadcast_in_dim3A_287, %lt3A_309 : vector<16xi32>
          %add3A_311 = arith.constant 16 : i32
          %add3A_312 = vector.broadcast %add3A_311 : i32 to vector<16xi32>
          %add3A_313 = arith.addi %broadcast_in_dim3A_287, %add3A_312 : vector<16xi32>
          %select_n3A_314 = arith.select %lt3A_310, %add3A_313, %broadcast_in_dim3A_287 : vector<16xi1>, vector<16xi32>
          %broadcast_in_dim3A_315 = vector.shape_cast %select_n3A_314 : vector<16xi32> to vector<16x1xi32>
          %gather3A_316 = vector.shape_cast %broadcast_in_dim3A_315 : vector<16x1xi32> to vector<16xi32>
          %gather3A_317 = tpu.dynamic_gather %get3A_172[%gather3A_316] in [0] : vector<16xf32>, vector<16xi32> -> vector<16xf32>
          %lt3A_318 = arith.constant 0 : i32
          %lt3A_319 = vector.broadcast %lt3A_318 : i32 to vector<16xi32>
          %lt3A_320 = arith.cmpi slt, %broadcast_in_dim3A_287, %lt3A_319 : vector<16xi32>
          %add3A_321 = arith.constant 16 : i32
          %add3A_322 = vector.broadcast %add3A_321 : i32 to vector<16xi32>
          %add3A_323 = arith.addi %broadcast_in_dim3A_287, %add3A_322 : vector<16xi32>
          %select_n3A_324 = arith.select %lt3A_320, %add3A_323, %broadcast_in_dim3A_287 : vector<16xi1>, vector<16xi32>
          %broadcast_in_dim3A_325 = vector.shape_cast %select_n3A_324 : vector<16xi32> to vector<16x1xi32>
          %gather3A_326 = vector.shape_cast %broadcast_in_dim3A_325 : vector<16x1xi32> to vector<16xi32>
          %gather3A_327 = tpu.dynamic_gather %get3A_175[%gather3A_326] in [0] : vector<16xf32>, vector<16xi32> -> vector<16xf32>
          %mul3A_328 = arith.mulf %get3A_103, %gather3A_297 : vector<16xf32>
          %mul3A_329 = arith.mulf %get3A_113, %gather3A_307 : vector<16xf32>
          %add3A_330 = arith.addf %mul3A_328, %mul3A_329 : vector<16xf32>
          %mul3A_331 = arith.mulf %get3A_123, %gather3A_317 : vector<16xf32>
          %add3A_332 = arith.addf %mul3A_331, %gather3A_327 : vector<16xf32>
          %add3A_333 = arith.addf %add3A_330, %add3A_332 : vector<16xf32>
          %min3A_334 = arith.minimumf %min3A_278, %add3A_333 : vector<16xf32>
          %mul3A_335 = arith.mulf %get3A_108, %gather3A_297 : vector<16xf32>
          %mul3A_336 = arith.mulf %get3A_118, %gather3A_307 : vector<16xf32>
          %add3A_337 = arith.addf %mul3A_335, %mul3A_336 : vector<16xf32>
          %mul3A_338 = arith.mulf %get3A_128, %gather3A_317 : vector<16xf32>
          %add3A_339 = arith.addf %mul3A_338, %gather3A_327 : vector<16xf32>
          %add3A_340 = arith.addf %add3A_337, %add3A_339 : vector<16xf32>
          %min3A_341 = arith.minimumf %min3A_285, %add3A_340 : vector<16xf32>
          %broadcast_in_dim3A_342 = arith.constant 3 : i32
          %broadcast_in_dim3A_343 = vector.broadcast %broadcast_in_dim3A_342 : i32 to vector<16xi32>
          %lt3A_344 = arith.constant 0 : i32
          %lt3A_345 = vector.broadcast %lt3A_344 : i32 to vector<16xi32>
          %lt3A_346 = arith.cmpi slt, %broadcast_in_dim3A_343, %lt3A_345 : vector<16xi32>
          %add3A_347 = arith.constant 16 : i32
          %add3A_348 = vector.broadcast %add3A_347 : i32 to vector<16xi32>
          %add3A_349 = arith.addi %broadcast_in_dim3A_343, %add3A_348 : vector<16xi32>
          %select_n3A_350 = arith.select %lt3A_346, %add3A_349, %broadcast_in_dim3A_343 : vector<16xi1>, vector<16xi32>
          %broadcast_in_dim3A_351 = vector.shape_cast %select_n3A_350 : vector<16xi32> to vector<16x1xi32>
          %gather3A_352 = vector.shape_cast %broadcast_in_dim3A_351 : vector<16x1xi32> to vector<16xi32>
          %gather3A_353 = tpu.dynamic_gather %get3A_166[%gather3A_352] in [0] : vector<16xf32>, vector<16xi32> -> vector<16xf32>
          %lt3A_354 = arith.constant 0 : i32
          %lt3A_355 = vector.broadcast %lt3A_354 : i32 to vector<16xi32>
          %lt3A_356 = arith.cmpi slt, %broadcast_in_dim3A_343, %lt3A_355 : vector<16xi32>
          %add3A_357 = arith.constant 16 : i32
          %add3A_358 = vector.broadcast %add3A_357 : i32 to vector<16xi32>
          %add3A_359 = arith.addi %broadcast_in_dim3A_343, %add3A_358 : vector<16xi32>
          %select_n3A_360 = arith.select %lt3A_356, %add3A_359, %broadcast_in_dim3A_343 : vector<16xi1>, vector<16xi32>
          %broadcast_in_dim3A_361 = vector.shape_cast %select_n3A_360 : vector<16xi32> to vector<16x1xi32>
          %gather3A_362 = vector.shape_cast %broadcast_in_dim3A_361 : vector<16x1xi32> to vector<16xi32>
          %gather3A_363 = tpu.dynamic_gather %get3A_169[%gather3A_362] in [0] : vector<16xf32>, vector<16xi32> -> vector<16xf32>
          %lt3A_364 = arith.constant 0 : i32
          %lt3A_365 = vector.broadcast %lt3A_364 : i32 to vector<16xi32>
          %lt3A_366 = arith.cmpi slt, %broadcast_in_dim3A_343, %lt3A_365 : vector<16xi32>
          %add3A_367 = arith.constant 16 : i32
          %add3A_368 = vector.broadcast %add3A_367 : i32 to vector<16xi32>
          %add3A_369 = arith.addi %broadcast_in_dim3A_343, %add3A_368 : vector<16xi32>
          %select_n3A_370 = arith.select %lt3A_366, %add3A_369, %broadcast_in_dim3A_343 : vector<16xi1>, vector<16xi32>
          %broadcast_in_dim3A_371 = vector.shape_cast %select_n3A_370 : vector<16xi32> to vector<16x1xi32>
          %gather3A_372 = vector.shape_cast %broadcast_in_dim3A_371 : vector<16x1xi32> to vector<16xi32>
          %gather3A_373 = tpu.dynamic_gather %get3A_172[%gather3A_372] in [0] : vector<16xf32>, vector<16xi32> -> vector<16xf32>
          %lt3A_374 = arith.constant 0 : i32
          %lt3A_375 = vector.broadcast %lt3A_374 : i32 to vector<16xi32>
          %lt3A_376 = arith.cmpi slt, %broadcast_in_dim3A_343, %lt3A_375 : vector<16xi32>
          %add3A_377 = arith.constant 16 : i32
          %add3A_378 = vector.broadcast %add3A_377 : i32 to vector<16xi32>
          %add3A_379 = arith.addi %broadcast_in_dim3A_343, %add3A_378 : vector<16xi32>
          %select_n3A_380 = arith.select %lt3A_376, %add3A_379, %broadcast_in_dim3A_343 : vector<16xi1>, vector<16xi32>
          %broadcast_in_dim3A_381 = vector.shape_cast %select_n3A_380 : vector<16xi32> to vector<16x1xi32>
          %gather3A_382 = vector.shape_cast %broadcast_in_dim3A_381 : vector<16x1xi32> to vector<16xi32>
          %gather3A_383 = tpu.dynamic_gather %get3A_175[%gather3A_382] in [0] : vector<16xf32>, vector<16xi32> -> vector<16xf32>
          %mul3A_384 = arith.mulf %get3A_103, %gather3A_353 : vector<16xf32>
          %mul3A_385 = arith.mulf %get3A_113, %gather3A_363 : vector<16xf32>
          %add3A_386 = arith.addf %mul3A_384, %mul3A_385 : vector<16xf32>
          %mul3A_387 = arith.mulf %get3A_123, %gather3A_373 : vector<16xf32>
          %add3A_388 = arith.addf %mul3A_387, %gather3A_383 : vector<16xf32>
          %add3A_389 = arith.addf %add3A_386, %add3A_388 : vector<16xf32>
          %min3A_390 = arith.minimumf %min3A_334, %add3A_389 : vector<16xf32>
          %mul3A_391 = arith.mulf %get3A_108, %gather3A_353 : vector<16xf32>
          %mul3A_392 = arith.mulf %get3A_118, %gather3A_363 : vector<16xf32>
          %add3A_393 = arith.addf %mul3A_391, %mul3A_392 : vector<16xf32>
          %mul3A_394 = arith.mulf %get3A_128, %gather3A_373 : vector<16xf32>
          %add3A_395 = arith.addf %mul3A_394, %gather3A_383 : vector<16xf32>
          %add3A_396 = arith.addf %add3A_393, %add3A_395 : vector<16xf32>
          %min3A_397 = arith.minimumf %min3A_341, %add3A_396 : vector<16xf32>
          %broadcast_in_dim3A_398 = arith.constant 4 : i32
          %broadcast_in_dim3A_399 = vector.broadcast %broadcast_in_dim3A_398 : i32 to vector<16xi32>
          %lt3A_400 = arith.constant 0 : i32
          %lt3A_401 = vector.broadcast %lt3A_400 : i32 to vector<16xi32>
          %lt3A_402 = arith.cmpi slt, %broadcast_in_dim3A_399, %lt3A_401 : vector<16xi32>
          %add3A_403 = arith.constant 16 : i32
          %add3A_404 = vector.broadcast %add3A_403 : i32 to vector<16xi32>
          %add3A_405 = arith.addi %broadcast_in_dim3A_399, %add3A_404 : vector<16xi32>
          %select_n3A_406 = arith.select %lt3A_402, %add3A_405, %broadcast_in_dim3A_399 : vector<16xi1>, vector<16xi32>
          %broadcast_in_dim3A_407 = vector.shape_cast %select_n3A_406 : vector<16xi32> to vector<16x1xi32>
          %gather3A_408 = vector.shape_cast %broadcast_in_dim3A_407 : vector<16x1xi32> to vector<16xi32>
          %gather3A_409 = tpu.dynamic_gather %get3A_166[%gather3A_408] in [0] : vector<16xf32>, vector<16xi32> -> vector<16xf32>
          %lt3A_410 = arith.constant 0 : i32
          %lt3A_411 = vector.broadcast %lt3A_410 : i32 to vector<16xi32>
          %lt3A_412 = arith.cmpi slt, %broadcast_in_dim3A_399, %lt3A_411 : vector<16xi32>
          %add3A_413 = arith.constant 16 : i32
          %add3A_414 = vector.broadcast %add3A_413 : i32 to vector<16xi32>
          %add3A_415 = arith.addi %broadcast_in_dim3A_399, %add3A_414 : vector<16xi32>
          %select_n3A_416 = arith.select %lt3A_412, %add3A_415, %broadcast_in_dim3A_399 : vector<16xi1>, vector<16xi32>
          %broadcast_in_dim3A_417 = vector.shape_cast %select_n3A_416 : vector<16xi32> to vector<16x1xi32>
          %gather3A_418 = vector.shape_cast %broadcast_in_dim3A_417 : vector<16x1xi32> to vector<16xi32>
          %gather3A_419 = tpu.dynamic_gather %get3A_169[%gather3A_418] in [0] : vector<16xf32>, vector<16xi32> -> vector<16xf32>
          %lt3A_420 = arith.constant 0 : i32
          %lt3A_421 = vector.broadcast %lt3A_420 : i32 to vector<16xi32>
          %lt3A_422 = arith.cmpi slt, %broadcast_in_dim3A_399, %lt3A_421 : vector<16xi32>
          %add3A_423 = arith.constant 16 : i32
          %add3A_424 = vector.broadcast %add3A_423 : i32 to vector<16xi32>
          %add3A_425 = arith.addi %broadcast_in_dim3A_399, %add3A_424 : vector<16xi32>
          %select_n3A_426 = arith.select %lt3A_422, %add3A_425, %broadcast_in_dim3A_399 : vector<16xi1>, vector<16xi32>
          %broadcast_in_dim3A_427 = vector.shape_cast %select_n3A_426 : vector<16xi32> to vector<16x1xi32>
          %gather3A_428 = vector.shape_cast %broadcast_in_dim3A_427 : vector<16x1xi32> to vector<16xi32>
          %gather3A_429 = tpu.dynamic_gather %get3A_172[%gather3A_428] in [0] : vector<16xf32>, vector<16xi32> -> vector<16xf32>
          %lt3A_430 = arith.constant 0 : i32
          %lt3A_431 = vector.broadcast %lt3A_430 : i32 to vector<16xi32>
          %lt3A_432 = arith.cmpi slt, %broadcast_in_dim3A_399, %lt3A_431 : vector<16xi32>
          %add3A_433 = arith.constant 16 : i32
          %add3A_434 = vector.broadcast %add3A_433 : i32 to vector<16xi32>
          %add3A_435 = arith.addi %broadcast_in_dim3A_399, %add3A_434 : vector<16xi32>
          %select_n3A_436 = arith.select %lt3A_432, %add3A_435, %broadcast_in_dim3A_399 : vector<16xi1>, vector<16xi32>
          %broadcast_in_dim3A_437 = vector.shape_cast %select_n3A_436 : vector<16xi32> to vector<16x1xi32>
          %gather3A_438 = vector.shape_cast %broadcast_in_dim3A_437 : vector<16x1xi32> to vector<16xi32>
          %gather3A_439 = tpu.dynamic_gather %get3A_175[%gather3A_438] in [0] : vector<16xf32>, vector<16xi32> -> vector<16xf32>
          %mul3A_440 = arith.mulf %get3A_103, %gather3A_409 : vector<16xf32>
          %mul3A_441 = arith.mulf %get3A_113, %gather3A_419 : vector<16xf32>
          %add3A_442 = arith.addf %mul3A_440, %mul3A_441 : vector<16xf32>
          %mul3A_443 = arith.mulf %get3A_123, %gather3A_429 : vector<16xf32>
          %add3A_444 = arith.addf %mul3A_443, %gather3A_439 : vector<16xf32>
          %add3A_445 = arith.addf %add3A_442, %add3A_444 : vector<16xf32>
          %min3A_446 = arith.minimumf %min3A_390, %add3A_445 : vector<16xf32>
          %mul3A_447 = arith.mulf %get3A_108, %gather3A_409 : vector<16xf32>
          %mul3A_448 = arith.mulf %get3A_118, %gather3A_419 : vector<16xf32>
          %add3A_449 = arith.addf %mul3A_447, %mul3A_448 : vector<16xf32>
          %mul3A_450 = arith.mulf %get3A_128, %gather3A_429 : vector<16xf32>
          %add3A_451 = arith.addf %mul3A_450, %gather3A_439 : vector<16xf32>
          %add3A_452 = arith.addf %add3A_449, %add3A_451 : vector<16xf32>
          %min3A_453 = arith.minimumf %min3A_397, %add3A_452 : vector<16xf32>
          %broadcast_in_dim3A_454 = arith.constant 5 : i32
          %broadcast_in_dim3A_455 = vector.broadcast %broadcast_in_dim3A_454 : i32 to vector<16xi32>
          %lt3A_456 = arith.constant 0 : i32
          %lt3A_457 = vector.broadcast %lt3A_456 : i32 to vector<16xi32>
          %lt3A_458 = arith.cmpi slt, %broadcast_in_dim3A_455, %lt3A_457 : vector<16xi32>
          %add3A_459 = arith.constant 16 : i32
          %add3A_460 = vector.broadcast %add3A_459 : i32 to vector<16xi32>
          %add3A_461 = arith.addi %broadcast_in_dim3A_455, %add3A_460 : vector<16xi32>
          %select_n3A_462 = arith.select %lt3A_458, %add3A_461, %broadcast_in_dim3A_455 : vector<16xi1>, vector<16xi32>
          %broadcast_in_dim3A_463 = vector.shape_cast %select_n3A_462 : vector<16xi32> to vector<16x1xi32>
          %gather3A_464 = vector.shape_cast %broadcast_in_dim3A_463 : vector<16x1xi32> to vector<16xi32>
          %gather3A_465 = tpu.dynamic_gather %get3A_166[%gather3A_464] in [0] : vector<16xf32>, vector<16xi32> -> vector<16xf32>
          %lt3A_466 = arith.constant 0 : i32
          %lt3A_467 = vector.broadcast %lt3A_466 : i32 to vector<16xi32>
          %lt3A_468 = arith.cmpi slt, %broadcast_in_dim3A_455, %lt3A_467 : vector<16xi32>
          %add3A_469 = arith.constant 16 : i32
          %add3A_470 = vector.broadcast %add3A_469 : i32 to vector<16xi32>
          %add3A_471 = arith.addi %broadcast_in_dim3A_455, %add3A_470 : vector<16xi32>
          %select_n3A_472 = arith.select %lt3A_468, %add3A_471, %broadcast_in_dim3A_455 : vector<16xi1>, vector<16xi32>
          %broadcast_in_dim3A_473 = vector.shape_cast %select_n3A_472 : vector<16xi32> to vector<16x1xi32>
          %gather3A_474 = vector.shape_cast %broadcast_in_dim3A_473 : vector<16x1xi32> to vector<16xi32>
          %gather3A_475 = tpu.dynamic_gather %get3A_169[%gather3A_474] in [0] : vector<16xf32>, vector<16xi32> -> vector<16xf32>
          %lt3A_476 = arith.constant 0 : i32
          %lt3A_477 = vector.broadcast %lt3A_476 : i32 to vector<16xi32>
          %lt3A_478 = arith.cmpi slt, %broadcast_in_dim3A_455, %lt3A_477 : vector<16xi32>
          %add3A_479 = arith.constant 16 : i32
          %add3A_480 = vector.broadcast %add3A_479 : i32 to vector<16xi32>
          %add3A_481 = arith.addi %broadcast_in_dim3A_455, %add3A_480 : vector<16xi32>
          %select_n3A_482 = arith.select %lt3A_478, %add3A_481, %broadcast_in_dim3A_455 : vector<16xi1>, vector<16xi32>
          %broadcast_in_dim3A_483 = vector.shape_cast %select_n3A_482 : vector<16xi32> to vector<16x1xi32>
          %gather3A_484 = vector.shape_cast %broadcast_in_dim3A_483 : vector<16x1xi32> to vector<16xi32>
          %gather3A_485 = tpu.dynamic_gather %get3A_172[%gather3A_484] in [0] : vector<16xf32>, vector<16xi32> -> vector<16xf32>
          %lt3A_486 = arith.constant 0 : i32
          %lt3A_487 = vector.broadcast %lt3A_486 : i32 to vector<16xi32>
          %lt3A_488 = arith.cmpi slt, %broadcast_in_dim3A_455, %lt3A_487 : vector<16xi32>
          %add3A_489 = arith.constant 16 : i32
          %add3A_490 = vector.broadcast %add3A_489 : i32 to vector<16xi32>
          %add3A_491 = arith.addi %broadcast_in_dim3A_455, %add3A_490 : vector<16xi32>
          %select_n3A_492 = arith.select %lt3A_488, %add3A_491, %broadcast_in_dim3A_455 : vector<16xi1>, vector<16xi32>
          %broadcast_in_dim3A_493 = vector.shape_cast %select_n3A_492 : vector<16xi32> to vector<16x1xi32>
          %gather3A_494 = vector.shape_cast %broadcast_in_dim3A_493 : vector<16x1xi32> to vector<16xi32>
          %gather3A_495 = tpu.dynamic_gather %get3A_175[%gather3A_494] in [0] : vector<16xf32>, vector<16xi32> -> vector<16xf32>
          %mul3A_496 = arith.mulf %get3A_103, %gather3A_465 : vector<16xf32>
          %mul3A_497 = arith.mulf %get3A_113, %gather3A_475 : vector<16xf32>
          %add3A_498 = arith.addf %mul3A_496, %mul3A_497 : vector<16xf32>
          %mul3A_499 = arith.mulf %get3A_123, %gather3A_485 : vector<16xf32>
          %add3A_500 = arith.addf %mul3A_499, %gather3A_495 : vector<16xf32>
          %add3A_501 = arith.addf %add3A_498, %add3A_500 : vector<16xf32>
          %min3A_502 = arith.minimumf %min3A_446, %add3A_501 : vector<16xf32>
          %mul3A_503 = arith.mulf %get3A_108, %gather3A_465 : vector<16xf32>
          %mul3A_504 = arith.mulf %get3A_118, %gather3A_475 : vector<16xf32>
          %add3A_505 = arith.addf %mul3A_503, %mul3A_504 : vector<16xf32>
          %mul3A_506 = arith.mulf %get3A_128, %gather3A_485 : vector<16xf32>
          %add3A_507 = arith.addf %mul3A_506, %gather3A_495 : vector<16xf32>
          %add3A_508 = arith.addf %add3A_505, %add3A_507 : vector<16xf32>
          %min3A_509 = arith.minimumf %min3A_453, %add3A_508 : vector<16xf32>
          %broadcast_in_dim3A_510 = arith.constant 6 : i32
          %broadcast_in_dim3A_511 = vector.broadcast %broadcast_in_dim3A_510 : i32 to vector<16xi32>
          %lt3A_512 = arith.constant 0 : i32
          %lt3A_513 = vector.broadcast %lt3A_512 : i32 to vector<16xi32>
          %lt3A_514 = arith.cmpi slt, %broadcast_in_dim3A_511, %lt3A_513 : vector<16xi32>
          %add3A_515 = arith.constant 16 : i32
          %add3A_516 = vector.broadcast %add3A_515 : i32 to vector<16xi32>
          %add3A_517 = arith.addi %broadcast_in_dim3A_511, %add3A_516 : vector<16xi32>
          %select_n3A_518 = arith.select %lt3A_514, %add3A_517, %broadcast_in_dim3A_511 : vector<16xi1>, vector<16xi32>
          %broadcast_in_dim3A_519 = vector.shape_cast %select_n3A_518 : vector<16xi32> to vector<16x1xi32>
          %gather3A_520 = vector.shape_cast %broadcast_in_dim3A_519 : vector<16x1xi32> to vector<16xi32>
          %gather3A_521 = tpu.dynamic_gather %get3A_166[%gather3A_520] in [0] : vector<16xf32>, vector<16xi32> -> vector<16xf32>
          %lt3A_522 = arith.constant 0 : i32
          %lt3A_523 = vector.broadcast %lt3A_522 : i32 to vector<16xi32>
          %lt3A_524 = arith.cmpi slt, %broadcast_in_dim3A_511, %lt3A_523 : vector<16xi32>
          %add3A_525 = arith.constant 16 : i32
          %add3A_526 = vector.broadcast %add3A_525 : i32 to vector<16xi32>
          %add3A_527 = arith.addi %broadcast_in_dim3A_511, %add3A_526 : vector<16xi32>
          %select_n3A_528 = arith.select %lt3A_524, %add3A_527, %broadcast_in_dim3A_511 : vector<16xi1>, vector<16xi32>
          %broadcast_in_dim3A_529 = vector.shape_cast %select_n3A_528 : vector<16xi32> to vector<16x1xi32>
          %gather3A_530 = vector.shape_cast %broadcast_in_dim3A_529 : vector<16x1xi32> to vector<16xi32>
          %gather3A_531 = tpu.dynamic_gather %get3A_169[%gather3A_530] in [0] : vector<16xf32>, vector<16xi32> -> vector<16xf32>
          %lt3A_532 = arith.constant 0 : i32
          %lt3A_533 = vector.broadcast %lt3A_532 : i32 to vector<16xi32>
          %lt3A_534 = arith.cmpi slt, %broadcast_in_dim3A_511, %lt3A_533 : vector<16xi32>
          %add3A_535 = arith.constant 16 : i32
          %add3A_536 = vector.broadcast %add3A_535 : i32 to vector<16xi32>
          %add3A_537 = arith.addi %broadcast_in_dim3A_511, %add3A_536 : vector<16xi32>
          %select_n3A_538 = arith.select %lt3A_534, %add3A_537, %broadcast_in_dim3A_511 : vector<16xi1>, vector<16xi32>
          %broadcast_in_dim3A_539 = vector.shape_cast %select_n3A_538 : vector<16xi32> to vector<16x1xi32>
          %gather3A_540 = vector.shape_cast %broadcast_in_dim3A_539 : vector<16x1xi32> to vector<16xi32>
          %gather3A_541 = tpu.dynamic_gather %get3A_172[%gather3A_540] in [0] : vector<16xf32>, vector<16xi32> -> vector<16xf32>
          %lt3A_542 = arith.constant 0 : i32
          %lt3A_543 = vector.broadcast %lt3A_542 : i32 to vector<16xi32>
          %lt3A_544 = arith.cmpi slt, %broadcast_in_dim3A_511, %lt3A_543 : vector<16xi32>
          %add3A_545 = arith.constant 16 : i32
          %add3A_546 = vector.broadcast %add3A_545 : i32 to vector<16xi32>
          %add3A_547 = arith.addi %broadcast_in_dim3A_511, %add3A_546 : vector<16xi32>
          %select_n3A_548 = arith.select %lt3A_544, %add3A_547, %broadcast_in_dim3A_511 : vector<16xi1>, vector<16xi32>
          %broadcast_in_dim3A_549 = vector.shape_cast %select_n3A_548 : vector<16xi32> to vector<16x1xi32>
          %gather3A_550 = vector.shape_cast %broadcast_in_dim3A_549 : vector<16x1xi32> to vector<16xi32>
          %gather3A_551 = tpu.dynamic_gather %get3A_175[%gather3A_550] in [0] : vector<16xf32>, vector<16xi32> -> vector<16xf32>
          %mul3A_552 = arith.mulf %get3A_103, %gather3A_521 : vector<16xf32>
          %mul3A_553 = arith.mulf %get3A_113, %gather3A_531 : vector<16xf32>
          %add3A_554 = arith.addf %mul3A_552, %mul3A_553 : vector<16xf32>
          %mul3A_555 = arith.mulf %get3A_123, %gather3A_541 : vector<16xf32>
          %add3A_556 = arith.addf %mul3A_555, %gather3A_551 : vector<16xf32>
          %add3A_557 = arith.addf %add3A_554, %add3A_556 : vector<16xf32>
          %min3A_558 = arith.minimumf %min3A_502, %add3A_557 : vector<16xf32>
          %mul3A_559 = arith.mulf %get3A_108, %gather3A_521 : vector<16xf32>
          %mul3A_560 = arith.mulf %get3A_118, %gather3A_531 : vector<16xf32>
          %add3A_561 = arith.addf %mul3A_559, %mul3A_560 : vector<16xf32>
          %mul3A_562 = arith.mulf %get3A_128, %gather3A_541 : vector<16xf32>
          %add3A_563 = arith.addf %mul3A_562, %gather3A_551 : vector<16xf32>
          %add3A_564 = arith.addf %add3A_561, %add3A_563 : vector<16xf32>
          %min3A_565 = arith.minimumf %min3A_509, %add3A_564 : vector<16xf32>
          %broadcast_in_dim3A_566 = arith.constant 7 : i32
          %broadcast_in_dim3A_567 = vector.broadcast %broadcast_in_dim3A_566 : i32 to vector<16xi32>
          %lt3A_568 = arith.constant 0 : i32
          %lt3A_569 = vector.broadcast %lt3A_568 : i32 to vector<16xi32>
          %lt3A_570 = arith.cmpi slt, %broadcast_in_dim3A_567, %lt3A_569 : vector<16xi32>
          %add3A_571 = arith.constant 16 : i32
          %add3A_572 = vector.broadcast %add3A_571 : i32 to vector<16xi32>
          %add3A_573 = arith.addi %broadcast_in_dim3A_567, %add3A_572 : vector<16xi32>
          %select_n3A_574 = arith.select %lt3A_570, %add3A_573, %broadcast_in_dim3A_567 : vector<16xi1>, vector<16xi32>
          %broadcast_in_dim3A_575 = vector.shape_cast %select_n3A_574 : vector<16xi32> to vector<16x1xi32>
          %gather3A_576 = vector.shape_cast %broadcast_in_dim3A_575 : vector<16x1xi32> to vector<16xi32>
          %gather3A_577 = tpu.dynamic_gather %get3A_166[%gather3A_576] in [0] : vector<16xf32>, vector<16xi32> -> vector<16xf32>
          %lt3A_578 = arith.constant 0 : i32
          %lt3A_579 = vector.broadcast %lt3A_578 : i32 to vector<16xi32>
          %lt3A_580 = arith.cmpi slt, %broadcast_in_dim3A_567, %lt3A_579 : vector<16xi32>
          %add3A_581 = arith.constant 16 : i32
          %add3A_582 = vector.broadcast %add3A_581 : i32 to vector<16xi32>
          %add3A_583 = arith.addi %broadcast_in_dim3A_567, %add3A_582 : vector<16xi32>
          %select_n3A_584 = arith.select %lt3A_580, %add3A_583, %broadcast_in_dim3A_567 : vector<16xi1>, vector<16xi32>
          %broadcast_in_dim3A_585 = vector.shape_cast %select_n3A_584 : vector<16xi32> to vector<16x1xi32>
          %gather3A_586 = vector.shape_cast %broadcast_in_dim3A_585 : vector<16x1xi32> to vector<16xi32>
          %gather3A_587 = tpu.dynamic_gather %get3A_169[%gather3A_586] in [0] : vector<16xf32>, vector<16xi32> -> vector<16xf32>
          %lt3A_588 = arith.constant 0 : i32
          %lt3A_589 = vector.broadcast %lt3A_588 : i32 to vector<16xi32>
          %lt3A_590 = arith.cmpi slt, %broadcast_in_dim3A_567, %lt3A_589 : vector<16xi32>
          %add3A_591 = arith.constant 16 : i32
          %add3A_592 = vector.broadcast %add3A_591 : i32 to vector<16xi32>
          %add3A_593 = arith.addi %broadcast_in_dim3A_567, %add3A_592 : vector<16xi32>
          %select_n3A_594 = arith.select %lt3A_590, %add3A_593, %broadcast_in_dim3A_567 : vector<16xi1>, vector<16xi32>
          %broadcast_in_dim3A_595 = vector.shape_cast %select_n3A_594 : vector<16xi32> to vector<16x1xi32>
          %gather3A_596 = vector.shape_cast %broadcast_in_dim3A_595 : vector<16x1xi32> to vector<16xi32>
          %gather3A_597 = tpu.dynamic_gather %get3A_172[%gather3A_596] in [0] : vector<16xf32>, vector<16xi32> -> vector<16xf32>
          %lt3A_598 = arith.constant 0 : i32
          %lt3A_599 = vector.broadcast %lt3A_598 : i32 to vector<16xi32>
          %lt3A_600 = arith.cmpi slt, %broadcast_in_dim3A_567, %lt3A_599 : vector<16xi32>
          %add3A_601 = arith.constant 16 : i32
          %add3A_602 = vector.broadcast %add3A_601 : i32 to vector<16xi32>
          %add3A_603 = arith.addi %broadcast_in_dim3A_567, %add3A_602 : vector<16xi32>
          %select_n3A_604 = arith.select %lt3A_600, %add3A_603, %broadcast_in_dim3A_567 : vector<16xi1>, vector<16xi32>
          %broadcast_in_dim3A_605 = vector.shape_cast %select_n3A_604 : vector<16xi32> to vector<16x1xi32>
          %gather3A_606 = vector.shape_cast %broadcast_in_dim3A_605 : vector<16x1xi32> to vector<16xi32>
          %gather3A_607 = tpu.dynamic_gather %get3A_175[%gather3A_606] in [0] : vector<16xf32>, vector<16xi32> -> vector<16xf32>
          %mul3A_608 = arith.mulf %get3A_103, %gather3A_577 : vector<16xf32>
          %mul3A_609 = arith.mulf %get3A_113, %gather3A_587 : vector<16xf32>
          %add3A_610 = arith.addf %mul3A_608, %mul3A_609 : vector<16xf32>
          %mul3A_611 = arith.mulf %get3A_123, %gather3A_597 : vector<16xf32>
          %add3A_612 = arith.addf %mul3A_611, %gather3A_607 : vector<16xf32>
          %add3A_613 = arith.addf %add3A_610, %add3A_612 : vector<16xf32>
          %min3A_614 = arith.minimumf %min3A_558, %add3A_613 : vector<16xf32>
          %mul3A_615 = arith.mulf %get3A_108, %gather3A_577 : vector<16xf32>
          %mul3A_616 = arith.mulf %get3A_118, %gather3A_587 : vector<16xf32>
          %add3A_617 = arith.addf %mul3A_615, %mul3A_616 : vector<16xf32>
          %mul3A_618 = arith.mulf %get3A_128, %gather3A_597 : vector<16xf32>
          %add3A_619 = arith.addf %mul3A_618, %gather3A_607 : vector<16xf32>
          %add3A_620 = arith.addf %add3A_617, %add3A_619 : vector<16xf32>
          %min3A_621 = arith.minimumf %min3A_565, %add3A_620 : vector<16xf32>
          %broadcast_in_dim3A_622 = arith.constant 8 : i32
          %broadcast_in_dim3A_623 = vector.broadcast %broadcast_in_dim3A_622 : i32 to vector<16xi32>
          %lt3A_624 = arith.constant 0 : i32
          %lt3A_625 = vector.broadcast %lt3A_624 : i32 to vector<16xi32>
          %lt3A_626 = arith.cmpi slt, %broadcast_in_dim3A_623, %lt3A_625 : vector<16xi32>
          %add3A_627 = arith.constant 16 : i32
          %add3A_628 = vector.broadcast %add3A_627 : i32 to vector<16xi32>
          %add3A_629 = arith.addi %broadcast_in_dim3A_623, %add3A_628 : vector<16xi32>
          %select_n3A_630 = arith.select %lt3A_626, %add3A_629, %broadcast_in_dim3A_623 : vector<16xi1>, vector<16xi32>
          %broadcast_in_dim3A_631 = vector.shape_cast %select_n3A_630 : vector<16xi32> to vector<16x1xi32>
          %gather3A_632 = vector.shape_cast %broadcast_in_dim3A_631 : vector<16x1xi32> to vector<16xi32>
          %gather3A_633 = tpu.dynamic_gather %get3A_166[%gather3A_632] in [0] : vector<16xf32>, vector<16xi32> -> vector<16xf32>
          %lt3A_634 = arith.constant 0 : i32
          %lt3A_635 = vector.broadcast %lt3A_634 : i32 to vector<16xi32>
          %lt3A_636 = arith.cmpi slt, %broadcast_in_dim3A_623, %lt3A_635 : vector<16xi32>
          %add3A_637 = arith.constant 16 : i32
          %add3A_638 = vector.broadcast %add3A_637 : i32 to vector<16xi32>
          %add3A_639 = arith.addi %broadcast_in_dim3A_623, %add3A_638 : vector<16xi32>
          %select_n3A_640 = arith.select %lt3A_636, %add3A_639, %broadcast_in_dim3A_623 : vector<16xi1>, vector<16xi32>
          %broadcast_in_dim3A_641 = vector.shape_cast %select_n3A_640 : vector<16xi32> to vector<16x1xi32>
          %gather3A_642 = vector.shape_cast %broadcast_in_dim3A_641 : vector<16x1xi32> to vector<16xi32>
          %gather3A_643 = tpu.dynamic_gather %get3A_169[%gather3A_642] in [0] : vector<16xf32>, vector<16xi32> -> vector<16xf32>
          %lt3A_644 = arith.constant 0 : i32
          %lt3A_645 = vector.broadcast %lt3A_644 : i32 to vector<16xi32>
          %lt3A_646 = arith.cmpi slt, %broadcast_in_dim3A_623, %lt3A_645 : vector<16xi32>
          %add3A_647 = arith.constant 16 : i32
          %add3A_648 = vector.broadcast %add3A_647 : i32 to vector<16xi32>
          %add3A_649 = arith.addi %broadcast_in_dim3A_623, %add3A_648 : vector<16xi32>
          %select_n3A_650 = arith.select %lt3A_646, %add3A_649, %broadcast_in_dim3A_623 : vector<16xi1>, vector<16xi32>
          %broadcast_in_dim3A_651 = vector.shape_cast %select_n3A_650 : vector<16xi32> to vector<16x1xi32>
          %gather3A_652 = vector.shape_cast %broadcast_in_dim3A_651 : vector<16x1xi32> to vector<16xi32>
          %gather3A_653 = tpu.dynamic_gather %get3A_172[%gather3A_652] in [0] : vector<16xf32>, vector<16xi32> -> vector<16xf32>
          %lt3A_654 = arith.constant 0 : i32
          %lt3A_655 = vector.broadcast %lt3A_654 : i32 to vector<16xi32>
          %lt3A_656 = arith.cmpi slt, %broadcast_in_dim3A_623, %lt3A_655 : vector<16xi32>
          %add3A_657 = arith.constant 16 : i32
          %add3A_658 = vector.broadcast %add3A_657 : i32 to vector<16xi32>
          %add3A_659 = arith.addi %broadcast_in_dim3A_623, %add3A_658 : vector<16xi32>
          %select_n3A_660 = arith.select %lt3A_656, %add3A_659, %broadcast_in_dim3A_623 : vector<16xi1>, vector<16xi32>
          %broadcast_in_dim3A_661 = vector.shape_cast %select_n3A_660 : vector<16xi32> to vector<16x1xi32>
          %gather3A_662 = vector.shape_cast %broadcast_in_dim3A_661 : vector<16x1xi32> to vector<16xi32>
          %gather3A_663 = tpu.dynamic_gather %get3A_175[%gather3A_662] in [0] : vector<16xf32>, vector<16xi32> -> vector<16xf32>
          %mul3A_664 = arith.mulf %get3A_103, %gather3A_633 : vector<16xf32>
          %mul3A_665 = arith.mulf %get3A_113, %gather3A_643 : vector<16xf32>
          %add3A_666 = arith.addf %mul3A_664, %mul3A_665 : vector<16xf32>
          %mul3A_667 = arith.mulf %get3A_123, %gather3A_653 : vector<16xf32>
          %add3A_668 = arith.addf %mul3A_667, %gather3A_663 : vector<16xf32>
          %add3A_669 = arith.addf %add3A_666, %add3A_668 : vector<16xf32>
          %min3A_670 = arith.minimumf %min3A_614, %add3A_669 : vector<16xf32>
          %mul3A_671 = arith.mulf %get3A_108, %gather3A_633 : vector<16xf32>
          %mul3A_672 = arith.mulf %get3A_118, %gather3A_643 : vector<16xf32>
          %add3A_673 = arith.addf %mul3A_671, %mul3A_672 : vector<16xf32>
          %mul3A_674 = arith.mulf %get3A_128, %gather3A_653 : vector<16xf32>
          %add3A_675 = arith.addf %mul3A_674, %gather3A_663 : vector<16xf32>
          %add3A_676 = arith.addf %add3A_673, %add3A_675 : vector<16xf32>
          %min3A_677 = arith.minimumf %min3A_621, %add3A_676 : vector<16xf32>
          %broadcast_in_dim3A_678 = arith.constant 9 : i32
          %broadcast_in_dim3A_679 = vector.broadcast %broadcast_in_dim3A_678 : i32 to vector<16xi32>
          %lt3A_680 = arith.constant 0 : i32
          %lt3A_681 = vector.broadcast %lt3A_680 : i32 to vector<16xi32>
          %lt3A_682 = arith.cmpi slt, %broadcast_in_dim3A_679, %lt3A_681 : vector<16xi32>
          %add3A_683 = arith.constant 16 : i32
          %add3A_684 = vector.broadcast %add3A_683 : i32 to vector<16xi32>
          %add3A_685 = arith.addi %broadcast_in_dim3A_679, %add3A_684 : vector<16xi32>
          %select_n3A_686 = arith.select %lt3A_682, %add3A_685, %broadcast_in_dim3A_679 : vector<16xi1>, vector<16xi32>
          %broadcast_in_dim3A_687 = vector.shape_cast %select_n3A_686 : vector<16xi32> to vector<16x1xi32>
          %gather3A_688 = vector.shape_cast %broadcast_in_dim3A_687 : vector<16x1xi32> to vector<16xi32>
          %gather3A_689 = tpu.dynamic_gather %get3A_166[%gather3A_688] in [0] : vector<16xf32>, vector<16xi32> -> vector<16xf32>
          %lt3A_690 = arith.constant 0 : i32
          %lt3A_691 = vector.broadcast %lt3A_690 : i32 to vector<16xi32>
          %lt3A_692 = arith.cmpi slt, %broadcast_in_dim3A_679, %lt3A_691 : vector<16xi32>
          %add3A_693 = arith.constant 16 : i32
          %add3A_694 = vector.broadcast %add3A_693 : i32 to vector<16xi32>
          %add3A_695 = arith.addi %broadcast_in_dim3A_679, %add3A_694 : vector<16xi32>
          %select_n3A_696 = arith.select %lt3A_692, %add3A_695, %broadcast_in_dim3A_679 : vector<16xi1>, vector<16xi32>
          %broadcast_in_dim3A_697 = vector.shape_cast %select_n3A_696 : vector<16xi32> to vector<16x1xi32>
          %gather3A_698 = vector.shape_cast %broadcast_in_dim3A_697 : vector<16x1xi32> to vector<16xi32>
          %gather3A_699 = tpu.dynamic_gather %get3A_169[%gather3A_698] in [0] : vector<16xf32>, vector<16xi32> -> vector<16xf32>
          %lt3A_700 = arith.constant 0 : i32
          %lt3A_701 = vector.broadcast %lt3A_700 : i32 to vector<16xi32>
          %lt3A_702 = arith.cmpi slt, %broadcast_in_dim3A_679, %lt3A_701 : vector<16xi32>
          %add3A_703 = arith.constant 16 : i32
          %add3A_704 = vector.broadcast %add3A_703 : i32 to vector<16xi32>
          %add3A_705 = arith.addi %broadcast_in_dim3A_679, %add3A_704 : vector<16xi32>
          %select_n3A_706 = arith.select %lt3A_702, %add3A_705, %broadcast_in_dim3A_679 : vector<16xi1>, vector<16xi32>
          %broadcast_in_dim3A_707 = vector.shape_cast %select_n3A_706 : vector<16xi32> to vector<16x1xi32>
          %gather3A_708 = vector.shape_cast %broadcast_in_dim3A_707 : vector<16x1xi32> to vector<16xi32>
          %gather3A_709 = tpu.dynamic_gather %get3A_172[%gather3A_708] in [0] : vector<16xf32>, vector<16xi32> -> vector<16xf32>
          %lt3A_710 = arith.constant 0 : i32
          %lt3A_711 = vector.broadcast %lt3A_710 : i32 to vector<16xi32>
          %lt3A_712 = arith.cmpi slt, %broadcast_in_dim3A_679, %lt3A_711 : vector<16xi32>
          %add3A_713 = arith.constant 16 : i32
          %add3A_714 = vector.broadcast %add3A_713 : i32 to vector<16xi32>
          %add3A_715 = arith.addi %broadcast_in_dim3A_679, %add3A_714 : vector<16xi32>
          %select_n3A_716 = arith.select %lt3A_712, %add3A_715, %broadcast_in_dim3A_679 : vector<16xi1>, vector<16xi32>
          %broadcast_in_dim3A_717 = vector.shape_cast %select_n3A_716 : vector<16xi32> to vector<16x1xi32>
          %gather3A_718 = vector.shape_cast %broadcast_in_dim3A_717 : vector<16x1xi32> to vector<16xi32>
          %gather3A_719 = tpu.dynamic_gather %get3A_175[%gather3A_718] in [0] : vector<16xf32>, vector<16xi32> -> vector<16xf32>
          %mul3A_720 = arith.mulf %get3A_103, %gather3A_689 : vector<16xf32>
          %mul3A_721 = arith.mulf %get3A_113, %gather3A_699 : vector<16xf32>
          %add3A_722 = arith.addf %mul3A_720, %mul3A_721 : vector<16xf32>
          %mul3A_723 = arith.mulf %get3A_123, %gather3A_709 : vector<16xf32>
          %add3A_724 = arith.addf %mul3A_723, %gather3A_719 : vector<16xf32>
          %add3A_725 = arith.addf %add3A_722, %add3A_724 : vector<16xf32>
          %min3A_726 = arith.minimumf %min3A_670, %add3A_725 : vector<16xf32>
          %mul3A_727 = arith.mulf %get3A_108, %gather3A_689 : vector<16xf32>
          %mul3A_728 = arith.mulf %get3A_118, %gather3A_699 : vector<16xf32>
          %add3A_729 = arith.addf %mul3A_727, %mul3A_728 : vector<16xf32>
          %mul3A_730 = arith.mulf %get3A_128, %gather3A_709 : vector<16xf32>
          %add3A_731 = arith.addf %mul3A_730, %gather3A_719 : vector<16xf32>
          %add3A_732 = arith.addf %add3A_729, %add3A_731 : vector<16xf32>
          %min3A_733 = arith.minimumf %min3A_677, %add3A_732 : vector<16xf32>
          %broadcast_in_dim3A_734 = arith.constant 10 : i32
          %broadcast_in_dim3A_735 = vector.broadcast %broadcast_in_dim3A_734 : i32 to vector<16xi32>
          %lt3A_736 = arith.constant 0 : i32
          %lt3A_737 = vector.broadcast %lt3A_736 : i32 to vector<16xi32>
          %lt3A_738 = arith.cmpi slt, %broadcast_in_dim3A_735, %lt3A_737 : vector<16xi32>
          %add3A_739 = arith.constant 16 : i32
          %add3A_740 = vector.broadcast %add3A_739 : i32 to vector<16xi32>
          %add3A_741 = arith.addi %broadcast_in_dim3A_735, %add3A_740 : vector<16xi32>
          %select_n3A_742 = arith.select %lt3A_738, %add3A_741, %broadcast_in_dim3A_735 : vector<16xi1>, vector<16xi32>
          %broadcast_in_dim3A_743 = vector.shape_cast %select_n3A_742 : vector<16xi32> to vector<16x1xi32>
          %gather3A_744 = vector.shape_cast %broadcast_in_dim3A_743 : vector<16x1xi32> to vector<16xi32>
          %gather3A_745 = tpu.dynamic_gather %get3A_166[%gather3A_744] in [0] : vector<16xf32>, vector<16xi32> -> vector<16xf32>
          %lt3A_746 = arith.constant 0 : i32
          %lt3A_747 = vector.broadcast %lt3A_746 : i32 to vector<16xi32>
          %lt3A_748 = arith.cmpi slt, %broadcast_in_dim3A_735, %lt3A_747 : vector<16xi32>
          %add3A_749 = arith.constant 16 : i32
          %add3A_750 = vector.broadcast %add3A_749 : i32 to vector<16xi32>
          %add3A_751 = arith.addi %broadcast_in_dim3A_735, %add3A_750 : vector<16xi32>
          %select_n3A_752 = arith.select %lt3A_748, %add3A_751, %broadcast_in_dim3A_735 : vector<16xi1>, vector<16xi32>
          %broadcast_in_dim3A_753 = vector.shape_cast %select_n3A_752 : vector<16xi32> to vector<16x1xi32>
          %gather3A_754 = vector.shape_cast %broadcast_in_dim3A_753 : vector<16x1xi32> to vector<16xi32>
          %gather3A_755 = tpu.dynamic_gather %get3A_169[%gather3A_754] in [0] : vector<16xf32>, vector<16xi32> -> vector<16xf32>
          %lt3A_756 = arith.constant 0 : i32
          %lt3A_757 = vector.broadcast %lt3A_756 : i32 to vector<16xi32>
          %lt3A_758 = arith.cmpi slt, %broadcast_in_dim3A_735, %lt3A_757 : vector<16xi32>
          %add3A_759 = arith.constant 16 : i32
          %add3A_760 = vector.broadcast %add3A_759 : i32 to vector<16xi32>
          %add3A_761 = arith.addi %broadcast_in_dim3A_735, %add3A_760 : vector<16xi32>
          %select_n3A_762 = arith.select %lt3A_758, %add3A_761, %broadcast_in_dim3A_735 : vector<16xi1>, vector<16xi32>
          %broadcast_in_dim3A_763 = vector.shape_cast %select_n3A_762 : vector<16xi32> to vector<16x1xi32>
          %gather3A_764 = vector.shape_cast %broadcast_in_dim3A_763 : vector<16x1xi32> to vector<16xi32>
          %gather3A_765 = tpu.dynamic_gather %get3A_172[%gather3A_764] in [0] : vector<16xf32>, vector<16xi32> -> vector<16xf32>
          %lt3A_766 = arith.constant 0 : i32
          %lt3A_767 = vector.broadcast %lt3A_766 : i32 to vector<16xi32>
          %lt3A_768 = arith.cmpi slt, %broadcast_in_dim3A_735, %lt3A_767 : vector<16xi32>
          %add3A_769 = arith.constant 16 : i32
          %add3A_770 = vector.broadcast %add3A_769 : i32 to vector<16xi32>
          %add3A_771 = arith.addi %broadcast_in_dim3A_735, %add3A_770 : vector<16xi32>
          %select_n3A_772 = arith.select %lt3A_768, %add3A_771, %broadcast_in_dim3A_735 : vector<16xi1>, vector<16xi32>
          %broadcast_in_dim3A_773 = vector.shape_cast %select_n3A_772 : vector<16xi32> to vector<16x1xi32>
          %gather3A_774 = vector.shape_cast %broadcast_in_dim3A_773 : vector<16x1xi32> to vector<16xi32>
          %gather3A_775 = tpu.dynamic_gather %get3A_175[%gather3A_774] in [0] : vector<16xf32>, vector<16xi32> -> vector<16xf32>
          %mul3A_776 = arith.mulf %get3A_103, %gather3A_745 : vector<16xf32>
          %mul3A_777 = arith.mulf %get3A_113, %gather3A_755 : vector<16xf32>
          %add3A_778 = arith.addf %mul3A_776, %mul3A_777 : vector<16xf32>
          %mul3A_779 = arith.mulf %get3A_123, %gather3A_765 : vector<16xf32>
          %add3A_780 = arith.addf %mul3A_779, %gather3A_775 : vector<16xf32>
          %add3A_781 = arith.addf %add3A_778, %add3A_780 : vector<16xf32>
          %min3A_782 = arith.minimumf %min3A_726, %add3A_781 : vector<16xf32>
          %mul3A_783 = arith.mulf %get3A_108, %gather3A_745 : vector<16xf32>
          %mul3A_784 = arith.mulf %get3A_118, %gather3A_755 : vector<16xf32>
          %add3A_785 = arith.addf %mul3A_783, %mul3A_784 : vector<16xf32>
          %mul3A_786 = arith.mulf %get3A_128, %gather3A_765 : vector<16xf32>
          %add3A_787 = arith.addf %mul3A_786, %gather3A_775 : vector<16xf32>
          %add3A_788 = arith.addf %add3A_785, %add3A_787 : vector<16xf32>
          %min3A_789 = arith.minimumf %min3A_733, %add3A_788 : vector<16xf32>
          %broadcast_in_dim3A_790 = arith.constant 11 : i32
          %broadcast_in_dim3A_791 = vector.broadcast %broadcast_in_dim3A_790 : i32 to vector<16xi32>
          %lt3A_792 = arith.constant 0 : i32
          %lt3A_793 = vector.broadcast %lt3A_792 : i32 to vector<16xi32>
          %lt3A_794 = arith.cmpi slt, %broadcast_in_dim3A_791, %lt3A_793 : vector<16xi32>
          %add3A_795 = arith.constant 16 : i32
          %add3A_796 = vector.broadcast %add3A_795 : i32 to vector<16xi32>
          %add3A_797 = arith.addi %broadcast_in_dim3A_791, %add3A_796 : vector<16xi32>
          %select_n3A_798 = arith.select %lt3A_794, %add3A_797, %broadcast_in_dim3A_791 : vector<16xi1>, vector<16xi32>
          %broadcast_in_dim3A_799 = vector.shape_cast %select_n3A_798 : vector<16xi32> to vector<16x1xi32>
          %gather3A_800 = vector.shape_cast %broadcast_in_dim3A_799 : vector<16x1xi32> to vector<16xi32>
          %gather3A_801 = tpu.dynamic_gather %get3A_166[%gather3A_800] in [0] : vector<16xf32>, vector<16xi32> -> vector<16xf32>
          %lt3A_802 = arith.constant 0 : i32
          %lt3A_803 = vector.broadcast %lt3A_802 : i32 to vector<16xi32>
          %lt3A_804 = arith.cmpi slt, %broadcast_in_dim3A_791, %lt3A_803 : vector<16xi32>
          %add3A_805 = arith.constant 16 : i32
          %add3A_806 = vector.broadcast %add3A_805 : i32 to vector<16xi32>
          %add3A_807 = arith.addi %broadcast_in_dim3A_791, %add3A_806 : vector<16xi32>
          %select_n3A_808 = arith.select %lt3A_804, %add3A_807, %broadcast_in_dim3A_791 : vector<16xi1>, vector<16xi32>
          %broadcast_in_dim3A_809 = vector.shape_cast %select_n3A_808 : vector<16xi32> to vector<16x1xi32>
          %gather3A_810 = vector.shape_cast %broadcast_in_dim3A_809 : vector<16x1xi32> to vector<16xi32>
          %gather3A_811 = tpu.dynamic_gather %get3A_169[%gather3A_810] in [0] : vector<16xf32>, vector<16xi32> -> vector<16xf32>
          %lt3A_812 = arith.constant 0 : i32
          %lt3A_813 = vector.broadcast %lt3A_812 : i32 to vector<16xi32>
          %lt3A_814 = arith.cmpi slt, %broadcast_in_dim3A_791, %lt3A_813 : vector<16xi32>
          %add3A_815 = arith.constant 16 : i32
          %add3A_816 = vector.broadcast %add3A_815 : i32 to vector<16xi32>
          %add3A_817 = arith.addi %broadcast_in_dim3A_791, %add3A_816 : vector<16xi32>
          %select_n3A_818 = arith.select %lt3A_814, %add3A_817, %broadcast_in_dim3A_791 : vector<16xi1>, vector<16xi32>
          %broadcast_in_dim3A_819 = vector.shape_cast %select_n3A_818 : vector<16xi32> to vector<16x1xi32>
          %gather3A_820 = vector.shape_cast %broadcast_in_dim3A_819 : vector<16x1xi32> to vector<16xi32>
          %gather3A_821 = tpu.dynamic_gather %get3A_172[%gather3A_820] in [0] : vector<16xf32>, vector<16xi32> -> vector<16xf32>
          %lt3A_822 = arith.constant 0 : i32
          %lt3A_823 = vector.broadcast %lt3A_822 : i32 to vector<16xi32>
          %lt3A_824 = arith.cmpi slt, %broadcast_in_dim3A_791, %lt3A_823 : vector<16xi32>
          %add3A_825 = arith.constant 16 : i32
          %add3A_826 = vector.broadcast %add3A_825 : i32 to vector<16xi32>
          %add3A_827 = arith.addi %broadcast_in_dim3A_791, %add3A_826 : vector<16xi32>
          %select_n3A_828 = arith.select %lt3A_824, %add3A_827, %broadcast_in_dim3A_791 : vector<16xi1>, vector<16xi32>
          %broadcast_in_dim3A_829 = vector.shape_cast %select_n3A_828 : vector<16xi32> to vector<16x1xi32>
          %gather3A_830 = vector.shape_cast %broadcast_in_dim3A_829 : vector<16x1xi32> to vector<16xi32>
          %gather3A_831 = tpu.dynamic_gather %get3A_175[%gather3A_830] in [0] : vector<16xf32>, vector<16xi32> -> vector<16xf32>
          %mul3A_832 = arith.mulf %get3A_103, %gather3A_801 : vector<16xf32>
          %mul3A_833 = arith.mulf %get3A_113, %gather3A_811 : vector<16xf32>
          %add3A_834 = arith.addf %mul3A_832, %mul3A_833 : vector<16xf32>
          %mul3A_835 = arith.mulf %get3A_123, %gather3A_821 : vector<16xf32>
          %add3A_836 = arith.addf %mul3A_835, %gather3A_831 : vector<16xf32>
          %add3A_837 = arith.addf %add3A_834, %add3A_836 : vector<16xf32>
          %min3A_838 = arith.minimumf %min3A_782, %add3A_837 : vector<16xf32>
          %mul3A_839 = arith.mulf %get3A_108, %gather3A_801 : vector<16xf32>
          %mul3A_840 = arith.mulf %get3A_118, %gather3A_811 : vector<16xf32>
          %add3A_841 = arith.addf %mul3A_839, %mul3A_840 : vector<16xf32>
          %mul3A_842 = arith.mulf %get3A_128, %gather3A_821 : vector<16xf32>
          %add3A_843 = arith.addf %mul3A_842, %gather3A_831 : vector<16xf32>
          %add3A_844 = arith.addf %add3A_841, %add3A_843 : vector<16xf32>
          %min3A_845 = arith.minimumf %min3A_789, %add3A_844 : vector<16xf32>
          %broadcast_in_dim3A_846 = arith.constant 12 : i32
          %broadcast_in_dim3A_847 = vector.broadcast %broadcast_in_dim3A_846 : i32 to vector<16xi32>
          %lt3A_848 = arith.constant 0 : i32
          %lt3A_849 = vector.broadcast %lt3A_848 : i32 to vector<16xi32>
          %lt3A_850 = arith.cmpi slt, %broadcast_in_dim3A_847, %lt3A_849 : vector<16xi32>
          %add3A_851 = arith.constant 16 : i32
          %add3A_852 = vector.broadcast %add3A_851 : i32 to vector<16xi32>
          %add3A_853 = arith.addi %broadcast_in_dim3A_847, %add3A_852 : vector<16xi32>
          %select_n3A_854 = arith.select %lt3A_850, %add3A_853, %broadcast_in_dim3A_847 : vector<16xi1>, vector<16xi32>
          %broadcast_in_dim3A_855 = vector.shape_cast %select_n3A_854 : vector<16xi32> to vector<16x1xi32>
          %gather3A_856 = vector.shape_cast %broadcast_in_dim3A_855 : vector<16x1xi32> to vector<16xi32>
          %gather3A_857 = tpu.dynamic_gather %get3A_166[%gather3A_856] in [0] : vector<16xf32>, vector<16xi32> -> vector<16xf32>
          %lt3A_858 = arith.constant 0 : i32
          %lt3A_859 = vector.broadcast %lt3A_858 : i32 to vector<16xi32>
          %lt3A_860 = arith.cmpi slt, %broadcast_in_dim3A_847, %lt3A_859 : vector<16xi32>
          %add3A_861 = arith.constant 16 : i32
          %add3A_862 = vector.broadcast %add3A_861 : i32 to vector<16xi32>
          %add3A_863 = arith.addi %broadcast_in_dim3A_847, %add3A_862 : vector<16xi32>
          %select_n3A_864 = arith.select %lt3A_860, %add3A_863, %broadcast_in_dim3A_847 : vector<16xi1>, vector<16xi32>
          %broadcast_in_dim3A_865 = vector.shape_cast %select_n3A_864 : vector<16xi32> to vector<16x1xi32>
          %gather3A_866 = vector.shape_cast %broadcast_in_dim3A_865 : vector<16x1xi32> to vector<16xi32>
          %gather3A_867 = tpu.dynamic_gather %get3A_169[%gather3A_866] in [0] : vector<16xf32>, vector<16xi32> -> vector<16xf32>
          %lt3A_868 = arith.constant 0 : i32
          %lt3A_869 = vector.broadcast %lt3A_868 : i32 to vector<16xi32>
          %lt3A_870 = arith.cmpi slt, %broadcast_in_dim3A_847, %lt3A_869 : vector<16xi32>
          %add3A_871 = arith.constant 16 : i32
          %add3A_872 = vector.broadcast %add3A_871 : i32 to vector<16xi32>
          %add3A_873 = arith.addi %broadcast_in_dim3A_847, %add3A_872 : vector<16xi32>
          %select_n3A_874 = arith.select %lt3A_870, %add3A_873, %broadcast_in_dim3A_847 : vector<16xi1>, vector<16xi32>
          %broadcast_in_dim3A_875 = vector.shape_cast %select_n3A_874 : vector<16xi32> to vector<16x1xi32>
          %gather3A_876 = vector.shape_cast %broadcast_in_dim3A_875 : vector<16x1xi32> to vector<16xi32>
          %gather3A_877 = tpu.dynamic_gather %get3A_172[%gather3A_876] in [0] : vector<16xf32>, vector<16xi32> -> vector<16xf32>
          %lt3A_878 = arith.constant 0 : i32
          %lt3A_879 = vector.broadcast %lt3A_878 : i32 to vector<16xi32>
          %lt3A_880 = arith.cmpi slt, %broadcast_in_dim3A_847, %lt3A_879 : vector<16xi32>
          %add3A_881 = arith.constant 16 : i32
          %add3A_882 = vector.broadcast %add3A_881 : i32 to vector<16xi32>
          %add3A_883 = arith.addi %broadcast_in_dim3A_847, %add3A_882 : vector<16xi32>
          %select_n3A_884 = arith.select %lt3A_880, %add3A_883, %broadcast_in_dim3A_847 : vector<16xi1>, vector<16xi32>
          %broadcast_in_dim3A_885 = vector.shape_cast %select_n3A_884 : vector<16xi32> to vector<16x1xi32>
          %gather3A_886 = vector.shape_cast %broadcast_in_dim3A_885 : vector<16x1xi32> to vector<16xi32>
          %gather3A_887 = tpu.dynamic_gather %get3A_175[%gather3A_886] in [0] : vector<16xf32>, vector<16xi32> -> vector<16xf32>
          %mul3A_888 = arith.mulf %get3A_103, %gather3A_857 : vector<16xf32>
          %mul3A_889 = arith.mulf %get3A_113, %gather3A_867 : vector<16xf32>
          %add3A_890 = arith.addf %mul3A_888, %mul3A_889 : vector<16xf32>
          %mul3A_891 = arith.mulf %get3A_123, %gather3A_877 : vector<16xf32>
          %add3A_892 = arith.addf %mul3A_891, %gather3A_887 : vector<16xf32>
          %add3A_893 = arith.addf %add3A_890, %add3A_892 : vector<16xf32>
          %min3A_894 = arith.minimumf %min3A_838, %add3A_893 : vector<16xf32>
          %mul3A_895 = arith.mulf %get3A_108, %gather3A_857 : vector<16xf32>
          %mul3A_896 = arith.mulf %get3A_118, %gather3A_867 : vector<16xf32>
          %add3A_897 = arith.addf %mul3A_895, %mul3A_896 : vector<16xf32>
          %mul3A_898 = arith.mulf %get3A_128, %gather3A_877 : vector<16xf32>
          %add3A_899 = arith.addf %mul3A_898, %gather3A_887 : vector<16xf32>
          %add3A_900 = arith.addf %add3A_897, %add3A_899 : vector<16xf32>
          %min3A_901 = arith.minimumf %min3A_845, %add3A_900 : vector<16xf32>
          %broadcast_in_dim3A_902 = arith.constant 13 : i32
          %broadcast_in_dim3A_903 = vector.broadcast %broadcast_in_dim3A_902 : i32 to vector<16xi32>
          %lt3A_904 = arith.constant 0 : i32
          %lt3A_905 = vector.broadcast %lt3A_904 : i32 to vector<16xi32>
          %lt3A_906 = arith.cmpi slt, %broadcast_in_dim3A_903, %lt3A_905 : vector<16xi32>
          %add3A_907 = arith.constant 16 : i32
          %add3A_908 = vector.broadcast %add3A_907 : i32 to vector<16xi32>
          %add3A_909 = arith.addi %broadcast_in_dim3A_903, %add3A_908 : vector<16xi32>
          %select_n3A_910 = arith.select %lt3A_906, %add3A_909, %broadcast_in_dim3A_903 : vector<16xi1>, vector<16xi32>
          %broadcast_in_dim3A_911 = vector.shape_cast %select_n3A_910 : vector<16xi32> to vector<16x1xi32>
          %gather3A_912 = vector.shape_cast %broadcast_in_dim3A_911 : vector<16x1xi32> to vector<16xi32>
          %gather3A_913 = tpu.dynamic_gather %get3A_166[%gather3A_912] in [0] : vector<16xf32>, vector<16xi32> -> vector<16xf32>
          %lt3A_914 = arith.constant 0 : i32
          %lt3A_915 = vector.broadcast %lt3A_914 : i32 to vector<16xi32>
          %lt3A_916 = arith.cmpi slt, %broadcast_in_dim3A_903, %lt3A_915 : vector<16xi32>
          %add3A_917 = arith.constant 16 : i32
          %add3A_918 = vector.broadcast %add3A_917 : i32 to vector<16xi32>
          %add3A_919 = arith.addi %broadcast_in_dim3A_903, %add3A_918 : vector<16xi32>
          %select_n3A_920 = arith.select %lt3A_916, %add3A_919, %broadcast_in_dim3A_903 : vector<16xi1>, vector<16xi32>
          %broadcast_in_dim3A_921 = vector.shape_cast %select_n3A_920 : vector<16xi32> to vector<16x1xi32>
          %gather3A_922 = vector.shape_cast %broadcast_in_dim3A_921 : vector<16x1xi32> to vector<16xi32>
          %gather3A_923 = tpu.dynamic_gather %get3A_169[%gather3A_922] in [0] : vector<16xf32>, vector<16xi32> -> vector<16xf32>
          %lt3A_924 = arith.constant 0 : i32
          %lt3A_925 = vector.broadcast %lt3A_924 : i32 to vector<16xi32>
          %lt3A_926 = arith.cmpi slt, %broadcast_in_dim3A_903, %lt3A_925 : vector<16xi32>
          %add3A_927 = arith.constant 16 : i32
          %add3A_928 = vector.broadcast %add3A_927 : i32 to vector<16xi32>
          %add3A_929 = arith.addi %broadcast_in_dim3A_903, %add3A_928 : vector<16xi32>
          %select_n3A_930 = arith.select %lt3A_926, %add3A_929, %broadcast_in_dim3A_903 : vector<16xi1>, vector<16xi32>
          %broadcast_in_dim3A_931 = vector.shape_cast %select_n3A_930 : vector<16xi32> to vector<16x1xi32>
          %gather3A_932 = vector.shape_cast %broadcast_in_dim3A_931 : vector<16x1xi32> to vector<16xi32>
          %gather3A_933 = tpu.dynamic_gather %get3A_172[%gather3A_932] in [0] : vector<16xf32>, vector<16xi32> -> vector<16xf32>
          %lt3A_934 = arith.constant 0 : i32
          %lt3A_935 = vector.broadcast %lt3A_934 : i32 to vector<16xi32>
          %lt3A_936 = arith.cmpi slt, %broadcast_in_dim3A_903, %lt3A_935 : vector<16xi32>
          %add3A_937 = arith.constant 16 : i32
          %add3A_938 = vector.broadcast %add3A_937 : i32 to vector<16xi32>
          %add3A_939 = arith.addi %broadcast_in_dim3A_903, %add3A_938 : vector<16xi32>
          %select_n3A_940 = arith.select %lt3A_936, %add3A_939, %broadcast_in_dim3A_903 : vector<16xi1>, vector<16xi32>
          %broadcast_in_dim3A_941 = vector.shape_cast %select_n3A_940 : vector<16xi32> to vector<16x1xi32>
          %gather3A_942 = vector.shape_cast %broadcast_in_dim3A_941 : vector<16x1xi32> to vector<16xi32>
          %gather3A_943 = tpu.dynamic_gather %get3A_175[%gather3A_942] in [0] : vector<16xf32>, vector<16xi32> -> vector<16xf32>
          %mul3A_944 = arith.mulf %get3A_103, %gather3A_913 : vector<16xf32>
          %mul3A_945 = arith.mulf %get3A_113, %gather3A_923 : vector<16xf32>
          %add3A_946 = arith.addf %mul3A_944, %mul3A_945 : vector<16xf32>
          %mul3A_947 = arith.mulf %get3A_123, %gather3A_933 : vector<16xf32>
          %add3A_948 = arith.addf %mul3A_947, %gather3A_943 : vector<16xf32>
          %add3A_949 = arith.addf %add3A_946, %add3A_948 : vector<16xf32>
          %min3A_950 = arith.minimumf %min3A_894, %add3A_949 : vector<16xf32>
          %mul3A_951 = arith.mulf %get3A_108, %gather3A_913 : vector<16xf32>
          %mul3A_952 = arith.mulf %get3A_118, %gather3A_923 : vector<16xf32>
          %add3A_953 = arith.addf %mul3A_951, %mul3A_952 : vector<16xf32>
          %mul3A_954 = arith.mulf %get3A_128, %gather3A_933 : vector<16xf32>
          %add3A_955 = arith.addf %mul3A_954, %gather3A_943 : vector<16xf32>
          %add3A_956 = arith.addf %add3A_953, %add3A_955 : vector<16xf32>
          %min3A_957 = arith.minimumf %min3A_901, %add3A_956 : vector<16xf32>
          %broadcast_in_dim3A_958 = arith.constant 14 : i32
          %broadcast_in_dim3A_959 = vector.broadcast %broadcast_in_dim3A_958 : i32 to vector<16xi32>
          %lt3A_960 = arith.constant 0 : i32
          %lt3A_961 = vector.broadcast %lt3A_960 : i32 to vector<16xi32>
          %lt3A_962 = arith.cmpi slt, %broadcast_in_dim3A_959, %lt3A_961 : vector<16xi32>
          %add3A_963 = arith.constant 16 : i32
          %add3A_964 = vector.broadcast %add3A_963 : i32 to vector<16xi32>
          %add3A_965 = arith.addi %broadcast_in_dim3A_959, %add3A_964 : vector<16xi32>
          %select_n3A_966 = arith.select %lt3A_962, %add3A_965, %broadcast_in_dim3A_959 : vector<16xi1>, vector<16xi32>
          %broadcast_in_dim3A_967 = vector.shape_cast %select_n3A_966 : vector<16xi32> to vector<16x1xi32>
          %gather3A_968 = vector.shape_cast %broadcast_in_dim3A_967 : vector<16x1xi32> to vector<16xi32>
          %gather3A_969 = tpu.dynamic_gather %get3A_166[%gather3A_968] in [0] : vector<16xf32>, vector<16xi32> -> vector<16xf32>
          %lt3A_970 = arith.constant 0 : i32
          %lt3A_971 = vector.broadcast %lt3A_970 : i32 to vector<16xi32>
          %lt3A_972 = arith.cmpi slt, %broadcast_in_dim3A_959, %lt3A_971 : vector<16xi32>
          %add3A_973 = arith.constant 16 : i32
          %add3A_974 = vector.broadcast %add3A_973 : i32 to vector<16xi32>
          %add3A_975 = arith.addi %broadcast_in_dim3A_959, %add3A_974 : vector<16xi32>
          %select_n3A_976 = arith.select %lt3A_972, %add3A_975, %broadcast_in_dim3A_959 : vector<16xi1>, vector<16xi32>
          %broadcast_in_dim3A_977 = vector.shape_cast %select_n3A_976 : vector<16xi32> to vector<16x1xi32>
          %gather3A_978 = vector.shape_cast %broadcast_in_dim3A_977 : vector<16x1xi32> to vector<16xi32>
          %gather3A_979 = tpu.dynamic_gather %get3A_169[%gather3A_978] in [0] : vector<16xf32>, vector<16xi32> -> vector<16xf32>
          %lt3A_980 = arith.constant 0 : i32
          %lt3A_981 = vector.broadcast %lt3A_980 : i32 to vector<16xi32>
          %lt3A_982 = arith.cmpi slt, %broadcast_in_dim3A_959, %lt3A_981 : vector<16xi32>
          %add3A_983 = arith.constant 16 : i32
          %add3A_984 = vector.broadcast %add3A_983 : i32 to vector<16xi32>
          %add3A_985 = arith.addi %broadcast_in_dim3A_959, %add3A_984 : vector<16xi32>
          %select_n3A_986 = arith.select %lt3A_982, %add3A_985, %broadcast_in_dim3A_959 : vector<16xi1>, vector<16xi32>
          %broadcast_in_dim3A_987 = vector.shape_cast %select_n3A_986 : vector<16xi32> to vector<16x1xi32>
          %gather3A_988 = vector.shape_cast %broadcast_in_dim3A_987 : vector<16x1xi32> to vector<16xi32>
          %gather3A_989 = tpu.dynamic_gather %get3A_172[%gather3A_988] in [0] : vector<16xf32>, vector<16xi32> -> vector<16xf32>
          %lt3A_990 = arith.constant 0 : i32
          %lt3A_991 = vector.broadcast %lt3A_990 : i32 to vector<16xi32>
          %lt3A_992 = arith.cmpi slt, %broadcast_in_dim3A_959, %lt3A_991 : vector<16xi32>
          %add3A_993 = arith.constant 16 : i32
          %add3A_994 = vector.broadcast %add3A_993 : i32 to vector<16xi32>
          %add3A_995 = arith.addi %broadcast_in_dim3A_959, %add3A_994 : vector<16xi32>
          %select_n3A_996 = arith.select %lt3A_992, %add3A_995, %broadcast_in_dim3A_959 : vector<16xi1>, vector<16xi32>
          %broadcast_in_dim3A_997 = vector.shape_cast %select_n3A_996 : vector<16xi32> to vector<16x1xi32>
          %gather3A_998 = vector.shape_cast %broadcast_in_dim3A_997 : vector<16x1xi32> to vector<16xi32>
          %gather3A_999 = tpu.dynamic_gather %get3A_175[%gather3A_998] in [0] : vector<16xf32>, vector<16xi32> -> vector<16xf32>
          %mul3A_1000 = arith.mulf %get3A_103, %gather3A_969 : vector<16xf32>
          %mul3A_1001 = arith.mulf %get3A_113, %gather3A_979 : vector<16xf32>
          %add3A_1002 = arith.addf %mul3A_1000, %mul3A_1001 : vector<16xf32>
          %mul3A_1003 = arith.mulf %get3A_123, %gather3A_989 : vector<16xf32>
          %add3A_1004 = arith.addf %mul3A_1003, %gather3A_999 : vector<16xf32>
          %add3A_1005 = arith.addf %add3A_1002, %add3A_1004 : vector<16xf32>
          %min3A_1006 = arith.minimumf %min3A_950, %add3A_1005 : vector<16xf32>
          %mul3A_1007 = arith.mulf %get3A_108, %gather3A_969 : vector<16xf32>
          %mul3A_1008 = arith.mulf %get3A_118, %gather3A_979 : vector<16xf32>
          %add3A_1009 = arith.addf %mul3A_1007, %mul3A_1008 : vector<16xf32>
          %mul3A_1010 = arith.mulf %get3A_128, %gather3A_989 : vector<16xf32>
          %add3A_1011 = arith.addf %mul3A_1010, %gather3A_999 : vector<16xf32>
          %add3A_1012 = arith.addf %add3A_1009, %add3A_1011 : vector<16xf32>
          %min3A_1013 = arith.minimumf %min3A_957, %add3A_1012 : vector<16xf32>
          %broadcast_in_dim3A_1014 = arith.constant 15 : i32
          %broadcast_in_dim3A_1015 = vector.broadcast %broadcast_in_dim3A_1014 : i32 to vector<16xi32>
          %lt3A_1016 = arith.constant 0 : i32
          %lt3A_1017 = vector.broadcast %lt3A_1016 : i32 to vector<16xi32>
          %lt3A_1018 = arith.cmpi slt, %broadcast_in_dim3A_1015, %lt3A_1017 : vector<16xi32>
          %add3A_1019 = arith.constant 16 : i32
          %add3A_1020 = vector.broadcast %add3A_1019 : i32 to vector<16xi32>
          %add3A_1021 = arith.addi %broadcast_in_dim3A_1015, %add3A_1020 : vector<16xi32>
          %select_n3A_1022 = arith.select %lt3A_1018, %add3A_1021, %broadcast_in_dim3A_1015 : vector<16xi1>, vector<16xi32>
          %broadcast_in_dim3A_1023 = vector.shape_cast %select_n3A_1022 : vector<16xi32> to vector<16x1xi32>
          %gather3A_1024 = vector.shape_cast %broadcast_in_dim3A_1023 : vector<16x1xi32> to vector<16xi32>
          %gather3A_1025 = tpu.dynamic_gather %get3A_166[%gather3A_1024] in [0] : vector<16xf32>, vector<16xi32> -> vector<16xf32>
          %lt3A_1026 = arith.constant 0 : i32
          %lt3A_1027 = vector.broadcast %lt3A_1026 : i32 to vector<16xi32>
          %lt3A_1028 = arith.cmpi slt, %broadcast_in_dim3A_1015, %lt3A_1027 : vector<16xi32>
          %add3A_1029 = arith.constant 16 : i32
          %add3A_1030 = vector.broadcast %add3A_1029 : i32 to vector<16xi32>
          %add3A_1031 = arith.addi %broadcast_in_dim3A_1015, %add3A_1030 : vector<16xi32>
          %select_n3A_1032 = arith.select %lt3A_1028, %add3A_1031, %broadcast_in_dim3A_1015 : vector<16xi1>, vector<16xi32>
          %broadcast_in_dim3A_1033 = vector.shape_cast %select_n3A_1032 : vector<16xi32> to vector<16x1xi32>
          %gather3A_1034 = vector.shape_cast %broadcast_in_dim3A_1033 : vector<16x1xi32> to vector<16xi32>
          %gather3A_1035 = tpu.dynamic_gather %get3A_169[%gather3A_1034] in [0] : vector<16xf32>, vector<16xi32> -> vector<16xf32>
          %lt3A_1036 = arith.constant 0 : i32
          %lt3A_1037 = vector.broadcast %lt3A_1036 : i32 to vector<16xi32>
          %lt3A_1038 = arith.cmpi slt, %broadcast_in_dim3A_1015, %lt3A_1037 : vector<16xi32>
          %add3A_1039 = arith.constant 16 : i32
          %add3A_1040 = vector.broadcast %add3A_1039 : i32 to vector<16xi32>
          %add3A_1041 = arith.addi %broadcast_in_dim3A_1015, %add3A_1040 : vector<16xi32>
          %select_n3A_1042 = arith.select %lt3A_1038, %add3A_1041, %broadcast_in_dim3A_1015 : vector<16xi1>, vector<16xi32>
          %broadcast_in_dim3A_1043 = vector.shape_cast %select_n3A_1042 : vector<16xi32> to vector<16x1xi32>
          %gather3A_1044 = vector.shape_cast %broadcast_in_dim3A_1043 : vector<16x1xi32> to vector<16xi32>
          %gather3A_1045 = tpu.dynamic_gather %get3A_172[%gather3A_1044] in [0] : vector<16xf32>, vector<16xi32> -> vector<16xf32>
          %lt3A_1046 = arith.constant 0 : i32
          %lt3A_1047 = vector.broadcast %lt3A_1046 : i32 to vector<16xi32>
          %lt3A_1048 = arith.cmpi slt, %broadcast_in_dim3A_1015, %lt3A_1047 : vector<16xi32>
          %add3A_1049 = arith.constant 16 : i32
          %add3A_1050 = vector.broadcast %add3A_1049 : i32 to vector<16xi32>
          %add3A_1051 = arith.addi %broadcast_in_dim3A_1015, %add3A_1050 : vector<16xi32>
          %select_n3A_1052 = arith.select %lt3A_1048, %add3A_1051, %broadcast_in_dim3A_1015 : vector<16xi1>, vector<16xi32>
          %broadcast_in_dim3A_1053 = vector.shape_cast %select_n3A_1052 : vector<16xi32> to vector<16x1xi32>
          %gather3A_1054 = vector.shape_cast %broadcast_in_dim3A_1053 : vector<16x1xi32> to vector<16xi32>
          %gather3A_1055 = tpu.dynamic_gather %get3A_175[%gather3A_1054] in [0] : vector<16xf32>, vector<16xi32> -> vector<16xf32>
          %mul3A_1056 = arith.mulf %get3A_103, %gather3A_1025 : vector<16xf32>
          %mul3A_1057 = arith.mulf %get3A_113, %gather3A_1035 : vector<16xf32>
          %add3A_1058 = arith.addf %mul3A_1056, %mul3A_1057 : vector<16xf32>
          %mul3A_1059 = arith.mulf %get3A_123, %gather3A_1045 : vector<16xf32>
          %add3A_1060 = arith.addf %mul3A_1059, %gather3A_1055 : vector<16xf32>
          %add3A_1061 = arith.addf %add3A_1058, %add3A_1060 : vector<16xf32>
          %min3A_1062 = arith.minimumf %min3A_1006, %add3A_1061 : vector<16xf32>
          %mul3A_1063 = arith.mulf %get3A_108, %gather3A_1025 : vector<16xf32>
          %mul3A_1064 = arith.mulf %get3A_118, %gather3A_1035 : vector<16xf32>
          %add3A_1065 = arith.addf %mul3A_1063, %mul3A_1064 : vector<16xf32>
          %mul3A_1066 = arith.mulf %get3A_128, %gather3A_1045 : vector<16xf32>
          %add3A_1067 = arith.addf %mul3A_1066, %gather3A_1055 : vector<16xf32>
          %add3A_1068 = arith.addf %add3A_1065, %add3A_1067 : vector<16xf32>
          %min3A_1069 = arith.minimumf %min3A_1013, %add3A_1068 : vector<16xf32>
          scf.yield %min3A_1062, %min3A_1069 : vector<16xf32>, vector<16xf32>
        }
        %scan3A_145 = arith.constant 16 : i32
        %add3A_146 = arith.addf %scan3A_144#0, %add3A_133 : vector<16xf32>
        %add3A_147 = arith.constant 0 : i32
        %add3A_148 = arith.addi %mul3A_99, %add3A_147 : i32
        %swap3A = arith.index_cast %add3A_148 : i32 to index
        %swap3A_149 = tpu.vector_load %arg12[%swap3A] {strides = array<i32>} : memref<1024xf32, #tpu.memory_space<vmem>>, vector<16xf32>,
        %swap3A_150 = vector.shape_cast %swap3A_149 : vector<16xf32> to vector<16xf32>
        %swap3A_151 = vector.shape_cast %add3A_146 : vector<16xf32> to vector<16xf32>
        tpu.vector_store %arg12[%swap3A], %swap3A_151 {strides = array<i32>} : memref<1024xf32, #tpu.memory_space<vmem>>, vector<16xf32>,
        %add3A_152 = arith.addf %scan3A_144#1, %add3A_138 : vector<16xf32>
        %add3A_153 = arith.constant 16 : i32
        %add3A_154 = arith.addi %mul3A_99, %add3A_153 : i32
        %swap3A_155 = arith.index_cast %add3A_154 : i32 to index
        %swap3A_156 = tpu.vector_load %arg12[%swap3A_155] {strides = array<i32>} : memref<1024xf32, #tpu.memory_space<vmem>>, vector<16xf32>,
        %swap3A_157 = vector.shape_cast %swap3A_156 : vector<16xf32> to vector<16xf32>
        %swap3A_158 = vector.shape_cast %add3A_152 : vector<16xf32> to vector<16xf32>
        tpu.vector_store %arg12[%swap3A_155], %swap3A_158 {strides = array<i32>} : memref<1024xf32, #tpu.memory_space<vmem>>, vector<16xf32>,
      }
      %scan3A_96 = arith.constant 32 : i32
      "tpu.region"() ({
        %run_scoped3A = tpu.sem_alloc : memref<!tpu.dma_semaphore, #tpu.memory_space<semaphore_mem>>
        %dma_start3A = arith.constant 0 : i32
        %dma_start3A_97 = tpu.memref_slice %arg12[%dma_start3A] : memref<1024xf32, #tpu.memory_space<vmem>> -> memref<1024xf32, #tpu.memory_space<vmem>>
        %dma_start3A_98 = tpu.memref_slice %arg4[%add3A_73] : memref<17408xf32, #tpu.memory_space<hbm>> -> memref<1024xf32, #tpu.memory_space<hbm>>
        %dma_start3A_99 = tpu.memref_slice %arg4[%add3A_73] : memref<17408xf32, #tpu.memory_space<hbm>> -> memref<1024xf32, #tpu.memory_space<hbm>>
        %dma_start3A_100 = arith.constant 0 : i32
        %dma_start3A_101 = tpu.memref_slice %arg12[%dma_start3A_100] : memref<1024xf32, #tpu.memory_space<vmem>> -> memref<1024xf32, #tpu.memory_space<vmem>>
        tpu.enqueue_dma source(%dma_start3A_101 : memref<1024xf32, #tpu.memory_space<vmem>>) target(%dma_start3A_99 : memref<1024xf32, #tpu.memory_space<hbm>>) target_semaphore(%run_scoped3A : memref<!tpu.dma_semaphore, #tpu.memory_space<semaphore_mem>>)
        %dma_wait3A = arith.constant 0 : i32
        %dma_wait3A_102 = tpu.memref_slice %arg12[%dma_wait3A] : memref<1024xf32, #tpu.memory_space<vmem>> -> memref<1024xf32, #tpu.memory_space<vmem>>
        %dma_wait3A_103 = tpu.memref_slice %arg4[%add3A_73] : memref<17408xf32, #tpu.memory_space<hbm>> -> memref<1024xf32, #tpu.memory_space<hbm>>
        %dma_wait3A_104 = tpu.memref_slice %arg4[%add3A_73] : memref<17408xf32, #tpu.memory_space<hbm>> -> memref<1024xf32, #tpu.memory_space<hbm>>
        %dma_wait3A_105 = arith.constant 0 : i32
        %dma_wait3A_106 = tpu.memref_slice %arg12[%dma_wait3A_105] : memref<1024xf32, #tpu.memory_space<vmem>> -> memref<1024xf32, #tpu.memory_space<vmem>>
        tpu.wait_dma2 semaphore(%run_scoped3A : memref<!tpu.dma_semaphore, #tpu.memory_space<semaphore_mem>>) src(%dma_wait3A_106 : memref<1024xf32, #tpu.memory_space<vmem>>) dst(%dma_wait3A_104 : memref<1024xf32, #tpu.memory_space<hbm>>)
        tpu.yield
      }) : () -> ()
    } else {
    }
    return
  }
}

</mosaic_0001>

<sc_bundles>
// kernel: _chamfer_sc.3.cloned.1.call-start
scs
__scs_entry_jumppad:
0x0: {  	(pc) =	sbr.rel $0x88, $3  }
0x1: {  	(tag) =	ssettag $0x0;
	lr =	simm.s32 $0x1  }
0x2: {  	[smem:$0x3F9F] =	sst lr;
	_ =	strace $0xD0000000  }
0x3: {  	_ = 	snop  }
0x4: {  	_ = 	snop  }
0x5: {  	_ = 	snop  }
0x6: {  	_ = 	snop  }
0x7: {  	_ = 	snop  }
__scs_overlays_trampoline_lowered:
0x8: {  	[smem:$0x3FAE] =	sst s0  }
0x9: {  	[smem:$0x3FAF] =	sst s1  }
0xa: {  	[smem:$0x3FB0] =	sst s2  }
0xb: {  	[smem:$0x3FB1] =	sst s3  }
0xc: {  	[smem:$0x3FB2] =	sst s4  }
0xd: {  	[smem:$0x3FB3] =	sst s5  }
0xe: {  	[smem:$0x3FB4] =	sst s6  }
0xf: {  	[smem:$0x3FB5] =	sst s7  }
0x10: {  	[smem:$0x3FB6] =	sst s8  }
0x11: {  	[smem:$0x3FB7] =	sst s9;
	s0 =	simm.s32 @!p0 $0x0  }
0x12: {  	s1 =	sld [smem:$0x3F9D];
	s0 =	simm.s32 @p0 $0x1  }
0x13: {  	[smem:$0x3FB8] =	sst s0;
	s0 =	simm.s32 @!p1 $0x0  }
0x14: {  	s2 =	sld [smem:$0x3F9C];
	s0 =	simm.s32 @p1 $0x1  }
0x15: {  	[smem:$0x3FB9] =	sst s0;
	s0 =	simm.s32 @!p2 $0x0  }
0x16: {  	s3 =	sld [smem:$0x3FDB];
	s0 =	simm.s32 @p2 $0x1  }
0x17: {  	s4 =	simm.s32 $0x1BF5;
	[smem:$0x3FBB] =	sst s0  }
0x18: {  	s0 =	sld [smem:$0x3F9E];
	_ =	swait.ge [sflag:s4], $0x0  }
0x19: {  	s7 =	sld [smem:$0x3F9F]  }
0x1a: {  	s8 =	sadd.s32 $0xFFFFE003, lr  }
0x1b: {  	s9 =	sadd.s32 $0xFFFFFEF7, lr;
	s5 =	simm.s32 $0xFFFFFFFF;
	p2 =	slt.u32 s8, $0xFFFFF086  }
0x1c: {  	p1 =	slt.u32 s9, $0xF7A;
	s5 =	simm.s32 @!p2 $0x0  }
0x1d: {  	s5 =	simm.s32 @p1 $0x1;
	p0 =	seq.s32 s7, s2  }
0x1e: {  	s7 =	smul.u32 @!p0 $0xF7A, s2;
	p2 =	seq.s32 @!p0 s5, $0x0  }
0x1f: {  	s9 =	smul.u32 $0xF7A, s1;
	s8 =	simm.s32 @!p0 $0x1BF5;
	p2 =	por !p2, p0  }
0x20: {  	[sflag:s8] =	ssyncset.s32 @!p0 $0xFFFFF086;
	s6 =	sadd.s32 @!p0 s3, s7;
	s7 =	simm.s32 @!p0 $0x108  }
0x21: {  	s3 =	sadd.s32 s3, s9;
	s6 =	sadd.s32 @!p0 $0x88, s6;
	s7 =	simm.s32 @p2 $0x1082  }
0x22: {  	[simem:s7], [sflag:s8] =	dma.local @!p0 [hbm:s6], $0xF7A  }
0x23: {  	s9 =	sor.u32 $0xD0000000, s2;
	s6 =	simm.s32 $0x108;
	_ =	swait.ge @!p0 [sflag:s8], $0x0  }
0x24: {  	s3 =	sadd.s32 $0x88, s3;
	s6 =	simm.s32 @!p1 $0x1082;
	[sflag:s4] =	ssyncset.s32 $0xFFFFF086  }
0x25: {  	[simem:s6], [sflag:s4] =	dma.local [hbm:s3], $0xF7A  }
0x26: {  	[smem:$0x3F9F] =	sst s1;
	(tag) =	ssettag s2;
	_ =	strace s9  }
0x27: {  	s1 =	sld [smem:$0x3FAF]  }
0x28: {  	s2 =	sld [smem:$0x3FB0]  }
0x29: {  	s4 =	sld [smem:$0x3FB2]  }
0x2a: {  	p0 =	seq.s32 s5, $0x0;
	s5 =	sld [smem:$0x3FB3]  }
0x2b: {  	s6 =	sld [smem:$0x3FB4]  }
0x2c: {  	s7 =	sld [smem:$0x3FB5]  }
0x2d: {  	s3 =	simm.s32 $0x108;
	s8 =	sld [smem:$0x3FB6]  }
0x2e: {  	s3 =	simm.s32 @!p0 $0x1082;
	s9 =	sld [smem:$0x3FB7]  }
0x2f: {  	lr =	sadd.s32 s0, s3;
	s0 =	sld [smem:$0x3FAE]  }
0x30: {  	s3 =	sld [smem:$0x3FB1]  }
0x31: {  	[smem:$0x3FBA] =	sst s10  }
0x32: {  	s10 =	sld [smem:$0x3FB8];
	_ =	sdelay $0x3  }
0x33: {  	p0 =	seq.s32 s10, $0x1;
	s10 =	sld [smem:$0x3FBA];
	_ =	sdelay $0x3  }
0x34: {  	[smem:$0x3FBA] =	sst s10  }
0x35: {  	s10 =	sld [smem:$0x3FB9];
	_ =	sdelay $0x3  }
0x36: {  	p1 =	seq.s32 s10, $0x1;
	s10 =	sld [smem:$0x3FBA];
	_ =	sdelay $0x3  }
0x37: {  	[smem:$0x3FBA] =	sst s10  }
0x38: {  	s10 =	sld [smem:$0x3FBB]  }
0x39: {  	_ = 	snop;
	(pc) =	sbr.ind lr, $3  }
0x3a: {  	_ = 	snop  }
0x3b: {  	_ = 	snop  }
0x3c: {  	p2 =	seq.s32 s10, $0x1;
	s10 =	sld [smem:$0x3FBA]  }
0x3d: {  	_ =	shalt  }
0x3e: {  	_ =	shalt  }
0x3f: {  	_ =	shalt  }
0x40: {  	_ =	shalt  }
0x41: {  	_ =	shalt  }
0x42: {  	_ =	shalt  }
0x43: {  	_ =	shalt  }
0x44: {  	_ =	shalt  }
0x45: {  	_ =	shalt  }
0x46: {  	_ =	shalt  }
0x47: {  	_ =	shalt  }
0x48: {  	_ =	shalt  }
0x49: {  	_ =	shalt  }
0x4a: {  	_ =	shalt  }
0x4b: {  	_ =	shalt  }
0x4c: {  	_ =	shalt  }
0x4d: {  	_ =	shalt  }
0x4e: {  	_ =	shalt  }
0x4f: {  	_ =	shalt  }
0x50: {  	_ =	shalt  }
0x51: {  	_ =	shalt  }
0x52: {  	_ =	shalt  }
0x53: {  	_ =	shalt  }
0x54: {  	_ =	shalt  }
0x55: {  	_ =	shalt  }
0x56: {  	_ =	shalt  }
0x57: {  	_ =	shalt  }
0x58: {  	_ =	shalt  }
0x59: {  	_ =	shalt  }
0x5a: {  	_ =	shalt  }
0x5b: {  	_ =	shalt  }
0x5c: {  	_ =	shalt  }
0x5d: {  	_ =	shalt  }
0x5e: {  	_ =	shalt  }
0x5f: {  	_ =	shalt  }
0x60: {  	_ =	shalt  }
0x61: {  	_ =	shalt  }
0x62: {  	_ =	shalt  }
0x63: {  	_ =	shalt  }
0x64: {  	_ =	shalt  }
0x65: {  	_ =	shalt  }
0x66: {  	_ =	shalt  }
0x67: {  	_ =	shalt  }
0x68: {  	_ =	shalt  }
0x69: {  	_ =	shalt  }
0x6a: {  	_ =	shalt  }
0x6b: {  	_ =	shalt  }
0x6c: {  	_ =	shalt  }
0x6d: {  	_ =	shalt  }
0x6e: {  	_ =	shalt  }
0x6f: {  	_ =	shalt  }
0x70: {  	_ =	shalt  }
0x71: {  	_ =	shalt  }
0x72: {  	_ =	shalt  }
0x73: {  	_ =	shalt  }
0x74: {  	_ =	shalt  }
0x75: {  	_ =	shalt  }
0x76: {  	_ =	shalt  }
0x77: {  	_ =	shalt  }
0x78: {  	_ =	shalt  }
0x79: {  	_ =	shalt  }
0x7a: {  	_ =	shalt  }
0x7b: {  	_ =	shalt  }
0x7c: {  	_ =	shalt  }
0x7d: {  	_ =	shalt  }
0x7e: {  	_ =	shalt  }
0x7f: {  	_ =	shalt  }
0x80: {  	_ =	shalt  }
0x81: {  	_ =	shalt  }
0x82: {  	_ =	shalt  }
0x83: {  	_ =	shalt  }
0x84: {  	_ =	shalt  }
0x85: {  	_ =	shalt  }
0x86: {  	_ =	shalt  }
0x87: {  	_ =	shalt  }
.Lfunc_end0:
.L_simem_size_0:
called_computation_lowered:
.L_overlay_start_0:
0x88: {  	s2 =	sld [smem:$0x3FD9]  }
0x89: {  	s3 =	sld [smem:$0x3FFE];
	_ =	sdelay $0x1  }
0x8a: {  	s1 =	srdreg.scid  }
0x8b: {  	s0 =	sand.u32 $0x1, s1  }
0x8c: {  	s17 =	sshll.u32 s0, $0xA;
	s2 =	sadd.s32 s3, s2  }
0x8d: {  	s2 =	sadd.s32 s2, s17  }
0x8e: {  	[smem:$0x3FC6] =	sst s2  }
0x8f: {  	_ = 	snop  }
0x90: {  	s2 =	sld [smem:$0x3FD0];
	(tm) =	ssettm $0x1  }
0x91: {  	s18 =	sld [smem:$0x3FFB];
	_ =	sdelay $0x3  }
0x92: {  	_ =	strace s18  }
0x93: {  	s3 =	sld [smem:$0x3FFC];
	_ =	sdelay $0x3  }
0x94: {  	_ =	strace s3  }
0x95: {  	s3 =	sld [smem:$0x3FFD];
	_ =	sdelay $0x3  }
0x96: {  	_ =	strace s3  }
0x97: {  	_ =	strace $0x8FFFFFFF  }
0x98: {  	s19 =	sld [smem:$0x3FDB];
	_ =	sdelay $0x1  }
0x99: {  	s4 =	simm.s32 $_scs_section_size  }
0x9a: {  	s5 =	simm.s32 $_size__tile_overlayer_lowered;
	s6 =	simm.s32 $_tile_overlayer_lowered  }
0x9b: {  	s22 =	simm.s32 $0x1BFF;
	s21 =	sshll.u32 s6, $0x1;
	s3 =	sadd.s32 s4, s19  }
0x9c: {  	s7 =	simm.s32 $0x0;
	s20 =	sshll.u32 s5, $0x1;
	s5 =	sadd.s32 s21, s3  }
0x9d: {  	[timem:s7], [sflag:s22] =	dma.local [hbm:s5], s20  }
0x9e: {  	_ =	swait.ge [sflag:s22], s20  }
0x9f: {  	s4 =	ssub.s32 $0x0, s20;
	[sflag:s22] =	ssyncset.done $0x0  }
0xa0: {  	[sflag:s22] =	ssyncadd.s32 s4;
	_ =	sdelay $0x1  }
0xa1: {  	s23 =	simm.s32 $0x1B8B  }
0xa2: {  	_ =	swait.ge [sflag:s23], $0x1  }
0xa3: {  	[sflag:s23] =	ssyncset.done $0x0  }
0xa4: {  	s25 =	simm.s32 $0x1B8E;
	s24 =	sld [smem:$0x3FFE];
	[sflag:s23] =	ssyncadd.s32 $0xFFFFFFFF  }
0xa5: {  	s26 =	simm.s32 $execute0_lowered;
	[smem:$0x3FD2] =	sst s25  }
0xa6: {  	s5 =	sshll.u32 s26, $0x1;
	_ =	strace $0x80000046;
	[dreg:$0x1] =	wrdreg $0xFFFFFFFF  }
0xa7: {  	s28 =	simm.s32 $_size_execute0_lowered;
	s3 =	sadd.s32 s3, s5;
	[dreg:$0x0] =	wrdreg $0x0  }
0xa8: {  	s5 =	sshll.u32 s28, $0x1;
	[dreg:$0x2] =	wrdreg s3  }
0xa9: {  	[dreg:$0x3] =	wrdreg s5  }
0xaa: {  	[dreg:$0x4] =	wrdreg $0xC0  }
0xab: {  	_ =	task [dreg:s7], $0x5FFFF  }
0xac: {  	[dreg:$0x1] =	wrdreg $0xFFFFFFFF  }
0xad: {  	[dreg:$0x0] =	wrdreg $0x60  }
0xae: {  	[dreg:$0x2] =	wrdreg s24  }
0xaf: {  	[dreg:$0x3] =	wrdreg s2  }
0xb0: {  	[dreg:$0x4] =	wrdreg $0x9  }
0xb1: {  	_ =	task.clear_ibuf [dreg:s7], $0x5FFFF;
	_ =	strace $0x90000046  }
0xb2: {  	s29 =	simm.s32 $0x9;
	_ =	strace $0x80000048  }
0xb3: {  	_ =	swait.ge [sflag:s29], $0x1  }
0xb4: {  	[sflag:s29] =	ssyncadd.s32 $0xFFFFFFFF  }
0xb5: {  	_ =	strace $0x90000048  }
0xb6: {  	_ =	sfence  }
0xb7: {  	s30 =	sld [smem:$0x0];
	_ =	sdelay $0x2  }
0xb8: {  	s31 =	sshll.u32 s1, $0xD;
	s1 =	sshrl.u32 s1, $0x2  }
0xb9: {  	s3 =	sand.u32 $0x4000, s31;
	s1 =	sadd.s32 s1, s30  }
0xba: {  	s0 =	sor.u32 s3, s0;
	s1 =	sshll.u32 s1, $0x11  }
0xbb: {  	s0 =	sor.u32 s1, s0  }
0xbc: {  	s0 =	sadd.s32 $0x8F2B, s0  }
0xbd: {  	[sflag:s0] =	ssyncadd.remote.s32 $0x1  }
0xbe: {  	_ =	sfence.sel $0xFFFF  }
0xbf: {  	[dreg:$0x0] =	wrdreg $0xFFFFFFFF;
	(pc) =	sbr.abs _section_cstart, $3  }
0xc0: {  	[dreg:$0x1] =	wrdreg $0xFFFFFFFF  }
0xc1: {  	_ =	task.clear_ibuf [dreg:s7], $0x2FFFF;
	_ =	strace $0x9FFFFFFF  }
0xc2: {  	(tm) =	ssettm $0x7FFFFFFF  }
0xc3: {  	_ =	shalt  }
tec
execute0_lowered:
.L_overlay_start_1:
0x0: {  	(tag) =	ssettag $0x1  }
0x1: {  	s3 =	rddreg [dreg:$0x0]  }
0x2: {  	s16 =	rddreg [dreg:$0x1]  }
0x3: {  	s0 =	rddreg [dreg:$0x2];
	s1 =	simm.s32 $0x0  }
0x4: {  	s2 =	stileid.u32;
	s4 =	srdreg.scid;
	s21 =	simm.s32 $0x4400  }
0x5: {  	s22 =	simm.s32 $0x2000;
	s23 =	simm.s32 $0x4800;
	s24 =	simm.s32 $0x4C00  }
0x6: {  	[smem:$0x7FF] =	sst s1;
	s13 =	sadd.s32 $0x600, s3;
	s11 =	sadd.s32 $0x1E00, s3  }
0x7: {  	s5 =	sshll.u32 s2, $0x1;
	s9 =	sshrl.u32 s2, $0x1;
	s4 =	sand.u32 $0x1, s4  }
0x8: {  	s19 =	sadd.s32 $0x7E0, s3;
	p0 =	sgt.u32 s2, $0x7;
	_ =	strace $0x80000047  }
0x9: {  	s5 =	sand.u32 $0x2, s5;
	s10 =	sand.u32 $0x3, s9;
	s6 =	ssub.s32 $0x2, s4  }
0xa: {  	s20 =	sshll.u32 s9, $0x8;
	s12 =	sor.u32 s4, s5;
	s14 =	smul.u32 $0x3000, s10  }
0xb: {  	s25 =	sshrl.u32 s6, $0x1;
	s7 =	sshll.u32 s10, $0xC;
	s10 =	smul.u32 $0x600, s10  }
0xc: {  	s5 =	sshll.u32 s12, $0xA;
	s17 =	ssub.s32 s6, s25;
	s12 =	sshll.u32 s12, $0x6  }
0xd: {  	s25 =	simm.s32 $0x0;
	s26 =	sor.u32 s14, s5;
	s5 =	sor.u32 s7, s5  }
0xe: {  	s18 =	sshrl.u32 s14, $0x3;
	s14 =	sor.u32 s14, s12;
	s29 =	sor.u32 s20, s12  }
0xf: {  	s10 =	sadd.s32 s11, s10;
	s17 =	smax.u32 s17, $0x1;
	s20 =	simm.s32 $0x1000  }
0x10: {  	s15 =	sadd.s32 $0x400, s5;
	s4 =	sshrl.u32 s26, $0x3;
	s28 =	sadd.s32 s13, s18  }
0x11: {  	s14 =	sshrl.u32 s14, $0x3;
	s31 =	sshrl.u32 s29, $0x3;
	s3 =	sadd.s32 s11, s4  }
0x12: {  	v55 =	vimm.s32 $0x0;
	s4 =	sadd.s32 s18, s19;
	s5 =	sadd.s32 $0x3E0, s28;
	s7 =	sadd.s32 $0x5E0, s28  }
.Ltmp0:
0x13: {  	v48 =	vimm.s32 $0x1;
	v51 =	vimm.s32 $0x2;
	v53 =	vimm.s32 $0x3;
	s15 =	sshrl.u32 s15, $0x3;
	s18 =	sadd.s32 s11, s18;
	(pc) =	sbr.rel .LBB2_1-.Ltmp0, $4  }
0x14: {  	v63 =	vimm.s32 $0x4;
	v42 =	vimm.s32 $0x5;
	v19 =	vimm.s32 $0x6;
	s11 =	sadd.s32 s14, s19;
	s30 =	sadd.s32 s13, s14;
	s19 =	simm.s32 $0x4000  }
0x15: {  	v6 =	vimm.s32 $0x7;
	v54 =	vimm.s32 $0x8;
	v61 =	vimm.s32 $0x9;
	s6 =	sadd.s32 $0x200, s3;
	s8 =	sadd.s32 $0x400, s3;
	s9 =	sadd.s32 s16, s15  }
0x16: {  	v15 =	vimm.s32 $0xA;
	v16 =	vimm.s32 $0xB;
	v17 =	vimm.s32 $0xC;
	s12 =	sadd.s32 $0x200, s18;
	s13 =	sadd.s32 $0x3E0, s30;
	s14 =	sadd.s32 $0x400, s18  }
0x17: {  	v18 =	vimm.s32 $0xD;
	v20 =	vimm.s32 $0xE;
	v11 =	vimm.s32 $0xF;
	s15 =	sadd.s32 $0x5E0, s30;
	s16 =	sadd.s32 s16, s31;
	s18 =	simm.s32 $0x1  }
.LBB2_16:
0x18: {  	s25 =	sadd.s32 $0x1, s25  }
0x19: {  	p1 =	sne.s32 s25, s17  }
.Ltmp1:
0x1a: {  	_ = 	snop;
	(pc) =	sbr.rel @!p1 .LBB2_17-.Ltmp1, $1  }
0x1b: {  	_ =	sdelay $0x3  }
.LBB2_1:
.Ltmp2:
0x1c: {  	(pc) =	sbr.rel @p0 .LBB2_9-.Ltmp2, $2  }
0x1d: {  	_ =	sdelay $0x2  }
0x1e: {  	s26 =	simm.s32 $0x0  }
0x1f: {  	[tilespmem:s26], [sflag:$0x1] =	stream.linear.gather [hbm4b:s10+s26], $0x1000, $0x38;
	[tilespmem:$0x5000] =	vst v63  }
0x20: {  	_ =	swait.ge [sflag:s18], $0x1000  }
0x21: {  	[sflag:s18] =	ssyncset.done $0x0  }
0x22: {  	[sflag:s18] =	ssyncadd.s32 $0xFFFFF000  }
0x23: {  	[tilespmem:s19], [sflag:$0x1] =	stream.linear.gather [hbm4b:s11+s26], $0x40, $0x38;
	[tilespmem:$0x5000] =	vst v63  }
0x24: {  	_ =	swait.ge [sflag:s18], $0x40  }
0x25: {  	[sflag:s18] =	ssyncset.done $0x0  }
0x26: {  	[sflag:s18] =	ssyncadd.s32 $0xFFFFFFC0  }
0x27: {  	[tilespmem:s20], [sflag:$0x1] =	stream.linear.gather [hbm4b:s12+s26], $0x1000, $0x38;
	[tilespmem:$0x5000] =	vst v63  }
0x28: {  	_ =	swait.ge [sflag:s18], $0x1000  }
0x29: {  	[sflag:s18] =	ssyncset.done $0x0  }
0x2a: {  	[sflag:s18] =	ssyncadd.s32 $0xFFFFF000  }
0x2b: {  	[tilespmem:s21], [sflag:$0x1] =	stream.linear.gather [hbm4b:s13+s26], $0x40, $0x38;
	[tilespmem:$0x5000] =	vst v63  }
0x2c: {  	_ =	swait.ge [sflag:s18], $0x40  }
0x2d: {  	[sflag:s18] =	ssyncset.done $0x0  }
0x2e: {  	[sflag:s18] =	ssyncadd.s32 $0xFFFFFFC0  }
0x2f: {  	[tilespmem:s22], [sflag:$0x1] =	stream.linear.gather [hbm4b:s14+s26], $0x1000, $0x38;
	[tilespmem:$0x5000] =	vst v63  }
0x30: {  	_ =	swait.ge [sflag:s18], $0x1000  }
0x31: {  	[sflag:s18] =	ssyncset.done $0x0  }
0x32: {  	[sflag:s18] =	ssyncadd.s32 $0xFFFFF000  }
0x33: {  	[tilespmem:s23], [sflag:$0x1] =	stream.linear.gather [hbm4b:s15+s26], $0x40, $0x38;
	[tilespmem:$0x5000] =	vst v63  }
0x34: {  	_ =	swait.ge [sflag:s18], $0x40  }
0x35: {  	[sflag:s18] =	ssyncset.done $0x0  }
0x36: {  	s28 =	simm.s32 $0x0;
	[sflag:s18] =	ssyncadd.s32 $0xFFFFFFC0  }
0x37: {  	v3 =	vld [tilespmem:s28+$0x0]  }
0x38: {  	v1 =	vld [tilespmem:s28+$0x1000]  }
0x39: {  	v0 =	vld [tilespmem:s28+$0x2000];
	_ =	sdelay $0x2  }
0x3a: {  	s29 =	simm.s32 $0x40;
	s30 =	simm.s32 $0x80;
	v2 =	vmul.f32 v3, v3;
	v3 =	vmul.f32 $-2.000000000e+00, v3  }
.LBB2_3:
0x3b: {  	p1 =	sne.s32 s30, $0x3FC0;
	v4 =	vmul.f32 v1, v1;
	v1 =	vmul.f32 $-2.000000000e+00, v1  }
0x3c: {  	s31 =	sshra.s32 s29, $0x2;
	s29 =	smov.u32 s30;
	v5 =	vmul.f32 v0, v0;
	[tilespmem:s28+$0x0] =	vst v3;
	v0 =	vmul.f32 $-2.000000000e+00, v0  }
0x3d: {  	v3 =	vld [tilespmem:s31+$0x0];
	v2 =	vadd.f32 v4, v2;
	[tilespmem:s28+$0x1000] =	vst v1  }
.Ltmp3:
0x3e: {  	v1 =	vld [tilespmem:s31+$0x1000];
	[tilespmem:s28+$0x2000] =	vst v0;
	(pc) =	sbr.rel @p1 .LBB2_3-.Ltmp3, $3  }
0x3f: {  	v0 =	vld [tilespmem:s31+$0x2000];
	v2 =	vadd.f32 v5, v2;
	_ =	sdelay $0x1  }
0x40: {  	[tilespmem:s28+$0x3000] =	vst v2;
	s28 =	smov.u32 s31  }
0x41: {  	s30 =	sadd.s32 $0x40, s30;
	v2 =	vmul.f32 v3, v3;
	v3 =	vmul.f32 $-2.000000000e+00, v3  }
0x42: {  	v4 =	vmul.f32 $-2.000000000e+00, v1  }
0x43: {  	s29 =	sshra.s32 s29, $0x2;
	[tilespmem:s28+$0x0] =	vst v3  }
0x44: {  	v5 =	vmul.f32 $-2.000000000e+00, v0;
	v3 =	vld [tilespmem:s29+$0x0];
	[tilespmem:s28+$0x1000] =	vst v4  }
0x45: {  	v4 =	vld [tilespmem:s29+$0x1000]  }
0x46: {  	v52 =	vmul.f32 v1, v1;
	[tilespmem:s28+$0x2000] =	vst v5  }
0x47: {  	v5 =	vld [tilespmem:s29+$0x2000]  }
0x48: {  	v56 =	vmul.f32 v0, v0;
	v1 =	vadd.f32 v52, v2;
	_ =	sdelay $0x1  }
0x49: {  	v0 =	vadd.f32 v56, v1;
	v57 =	vmul.f32 v3, v3;
	v58 =	vmul.f32 v4, v4  }
0x4a: {  	v3 =	vmul.f32 $-2.000000000e+00, v3  }
0x4b: {  	[tilespmem:s28+$0x3000] =	vst v0;
	v59 =	vmul.f32 $-2.000000000e+00, v4;
	v4 =	vmul.f32 v5, v5;
	v1 =	vadd.f32 v58, v57  }
0x4c: {  	[tilespmem:s29+$0x0] =	vst v3;
	v60 =	vmul.f32 $-2.000000000e+00, v5  }
0x4d: {  	[tilespmem:s29+$0x1000] =	vst v59;
	v62 =	vadd.f32 v4, v1  }
0x4e: {  	[tilespmem:s29+$0x2000] =	vst v60  }
0x4f: {  	p2 =	por $0x1, $0x1;
	[tilespmem:s29+$0x3000] =	vst v62  }
.LBB2_5:
0x50: {  	s28 =	simm.s32 $0x0  }
0x51: {  	v0 =	vld [tilespmem:s28+$0x3000]  }
0x52: {  	v2 =	vld [tilespmem:s28+$0x0]  }
0x53: {  	v3 =	vld [tilespmem:s28+$0x1000]  }
0x54: {  	v1 =	vld [tilespmem:s28+$0x2000];
	_ =	sdelay $0x2  }
0x55: {  	v4 =	vperm.xlane v0, v11;
	v7 =	vperm.xlane v0, v20  }
0x56: {  	v5 =	vimm.s32 $0xF;
	v8 =	vperm.xlane v0, v18;
	v9 =	vperm.xlane v2, v11  }
0x57: {  	v11 =	vperm.xlane v3, v11;
	v12 =	vperm.xlane v1, v5  }
0x58: {  	v13 =	vperm.xlane v0, v17;
	v14 =	vperm.xlane v2, v20  }
0x59: {  	v22 =	vperm.xlane v3, v20;
	v23 =	vperm.xlane v1, v20  }
0x5a: {  	v24 =	vperm.xlane v0, v16;
	v25 =	vperm.xlane v2, v18  }
0x5b: {  	v26 =	vperm.xlane v3, v18;
	v27 =	vperm.xlane v1, v18  }
0x5c: {  	v28 =	vperm.xlane v0, v15;
	v29 =	vperm.xlane v2, v17  }
0x5d: {  	v30 =	vperm.xlane v3, v17;
	v32 =	vperm.xlane v1, v17  }
0x5e: {  	v46 =	vperm.xlane v0, v61;
	v34 =	vperm.xlane v2, v16  }
0x5f: {  	v35 =	vperm.xlane v3, v16;
	v36 =	vperm.xlane v1, v16  }
0x60: {  	v50 =	vperm.xlane v0, v54;
	v41 =	vperm.xlane v2, v15  }
0x61: {  	v43 =	vperm.xlane v3, v15;
	v44 =	vperm.xlane v1, v15  }
0x62: {  	v38 =	vperm.xlane v0, v6;
	v5 =	vperm.xlane v0, v19  }
0x63: {  	v45 =	vimm.s32 $0x5;
	v47 =	vperm.xlane v2, v61;
	v60 =	vperm.xlane v2, v6  }
0x64: {  	v62 =	vperm.xlane v3, v6;
	[tilespmem:$0x1FF70] =	vst v5;
	v5 =	vperm.xlane v0, v45  }
0x65: {  	v10 =	vperm.xlane v3, v19;
	v15 =	vperm.xlane v1, v19  }
0x66: {  	v16 =	vld [tilespmem:s26+$0x4000];
	[tilespmem:$0x1FF80] =	vst v5;
	v5 =	vperm.xlane v1, v6;
	v6 =	vperm.xlane v0, v63  }
0x67: {  	v17 =	vld [tilespmem:s26+$0x4010];
	v21 =	vperm.xlane v0, v51;
	v37 =	vperm.xlane v0, v48  }
0x68: {  	v20 =	vld [tilespmem:s26+$0x4800];
	[tilespmem:$0x1FFA0] =	vst v6;
	v6 =	vperm.xlane v2, v19;
	v19 =	vperm.xlane v0, v53  }
0x69: {  	v52 =	vperm.xlane v0, v55;
	[tilespmem:$0x1FFE0] =	vst v21;
	v21 =	vld [tilespmem:s26+$0x4810];
	v0 =	vperm.xlane v2, v51  }
0x6a: {  	v42 =	vperm.xlane v3, v61;
	v40 =	vperm.xlane v1, v61;
	v18 =	vld [tilespmem:s26+$0x4400];
	[tilespmem:$0x1FFB0] =	vst v19  }
0x6b: {  	v57 =	vperm.xlane v2, v54;
	v19 =	vld [tilespmem:s26+$0x4410];
	[tilespmem:$0x1FFC0] =	vst v0;
	v0 =	vperm.xlane v2, v48  }
0x6c: {  	v31 =	vperm.xlane v2, v45;
	v56 =	vperm.xlane v2, v63  }
0x6d: {  	v39 =	vmul.f32 v12, v20;
	[tilespmem:$0x1FFD0] =	vst v0;
	v0 =	vperm.xlane v2, v55  }
0x6e: {  	v61 =	vperm.xlane v2, v53;
	v12 =	vmul.f32 v12, v21  }
0x6f: {  	v39 =	vadd.f32 v4, v39;
	v2 =	vmul.f32 v11, v18;
	[tilespmem:$0x1FFF0] =	vst v0;
	v0 =	vmul.f32 v9, v16  }
0x70: {  	v4 =	vadd.f32 v4, v12;
	v9 =	vmul.f32 v9, v17;
	v11 =	vmul.f32 v11, v19  }
0x71: {  	v0 =	vadd.f32 v2, v0  }
0x72: {  	[tilespmem:$0x1FE10] =	vst v4;
	v2 =	vadd.f32 v11, v9  }
0x73: {  	v4 =	vmul.f32 v23, v20;
	[tilespmem:$0x1FDF0] =	vst v0  }
0x74: {  	v0 =	vmul.f32 v14, v16;
	[tilespmem:$0x1FE00] =	vst v2;
	v2 =	vmul.f32 v22, v18  }
0x75: {  	v4 =	vadd.f32 v7, v4;
	v9 =	vmul.f32 v14, v17;
	v11 =	vmul.f32 v22, v19  }
0x76: {  	v12 =	vmul.f32 v23, v21;
	v0 =	vadd.f32 v2, v0  }
0x77: {  	[tilespmem:$0x1FE40] =	vst v4;
	v2 =	vadd.f32 v11, v9  }
0x78: {  	v7 =	vadd.f32 v7, v12;
	v4 =	vmul.f32 v27, v20;
	[tilespmem:$0x1FE20] =	vst v0  }
0x79: {  	v0 =	vmul.f32 v25, v16;
	[tilespmem:$0x1FE30] =	vst v2;
	v2 =	vmul.f32 v26, v18  }
0x7a: {  	[tilespmem:$0x1FE50] =	vst v7;
	v7 =	vmul.f32 v25, v17;
	v4 =	vadd.f32 v8, v4;
	v9 =	vmul.f32 v26, v19  }
0x7b: {  	v0 =	vadd.f32 v2, v0  }
0x7c: {  	v11 =	vmul.f32 v27, v21;
	[tilespmem:$0x1FE80] =	vst v4;
	v2 =	vadd.f32 v9, v7  }
0x7d: {  	[tilespmem:$0x1FE60] =	vst v0  }
0x7e: {  	v4 =	vadd.f32 v8, v11;
	v0 =	vmul.f32 v29, v16;
	[tilespmem:$0x1FE70] =	vst v2;
	v2 =	vmul.f32 v30, v18  }
0x7f: {  	v7 =	vmul.f32 v29, v17;
	v9 =	vmul.f32 v30, v19  }
0x80: {  	[tilespmem:$0x1FE90] =	vst v4;
	v4 =	vmul.f32 v32, v20;
	v0 =	vadd.f32 v2, v0  }
0x81: {  	v2 =	vadd.f32 v9, v7  }
0x82: {  	v8 =	vmul.f32 v32, v21;
	v4 =	vadd.f32 v13, v4;
	[tilespmem:$0x1FEA0] =	vst v0  }
0x83: {  	v0 =	vmul.f32 v34, v16;
	[tilespmem:$0x1FEB0] =	vst v2;
	v2 =	vmul.f32 v35, v18  }
0x84: {  	v7 =	vmul.f32 v34, v17;
	v9 =	vmul.f32 v35, v19;
	[tilespmem:$0x1FEC0] =	vst v4;
	v4 =	vadd.f32 v13, v8  }
0x85: {  	v58 =	vperm.xlane v3, v54;
	v8 =	vmul.f32 v36, v21;
	v0 =	vadd.f32 v2, v0  }
0x86: {  	v59 =	vperm.xlane v1, v54;
	v33 =	vperm.xlane v3, v45;
	[tilespmem:$0x1FED0] =	vst v4;
	v2 =	vadd.f32 v9, v7  }
0x87: {  	v23 =	vperm.xlane v3, v63;
	v4 =	vmul.f32 v36, v20;
	v7 =	vadd.f32 v24, v8;
	[tilespmem:$0x1FEE0] =	vst v0  }
0x88: {  	v8 =	vmul.f32 v43, v19;
	v0 =	vmul.f32 v41, v16;
	[tilespmem:$0x1FEF0] =	vst v2  }
0x89: {  	v4 =	vadd.f32 v24, v4;
	v2 =	vmul.f32 v43, v18;
	[tilespmem:$0x1FF10] =	vst v7;
	v7 =	vmul.f32 v41, v17  }
0x8a: {  	v12 =	vmul.f32 v58, v19;
	v9 =	vmul.f32 v44, v21  }
0x8b: {  	[tilespmem:$0x1FF00] =	vst v4;
	v4 =	vmul.f32 v44, v20;
	v43 =	vadd.f32 v2, v0;
	v2 =	vadd.f32 v8, v7  }
0x8c: {  	v0 =	vmul.f32 v47, v16;
	v7 =	vmul.f32 v47, v17  }
0x8d: {  	v8 =	vmul.f32 v42, v19;
	[tilespmem:$0x1FF20] =	vst v2;
	v2 =	vmul.f32 v42, v18  }
0x8e: {  	v14 =	vmul.f32 v31, v16;
	v49 =	vadd.f32 v28, v4;
	v4 =	vadd.f32 v28, v9  }
0x8f: {  	[tilespmem:$0x1FDE0] =	vst v37;
	v9 =	vmul.f32 v40, v21;
	v37 =	vadd.f32 v2, v0;
	v0 =	vadd.f32 v8, v7  }
0x90: {  	v22 =	vmul.f32 v33, v18;
	v13 =	vmul.f32 v59, v21;
	[tilespmem:$0x1FF30] =	vst v4  }
0x91: {  	v4 =	vmul.f32 v40, v20;
	v8 =	vmul.f32 v57, v17;
	[tilespmem:$0x1FF40] =	vst v0;
	v0 =	vadd.f32 v46, v9  }
0x92: {  	v11 =	vmul.f32 v57, v16;
	v47 =	vadd.f32 v50, v13;
	v7 =	vmul.f32 v58, v18  }
0x93: {  	v40 =	vadd.f32 v46, v4;
	v9 =	vmul.f32 v59, v20;
	[tilespmem:$0x1FF50] =	vst v0;
	v0 =	vadd.f32 v12, v8  }
0x94: {  	v4 =	vadd.f32 v7, v11;
	v11 =	vmul.f32 v60, v16;
	v8 =	vmul.f32 v62, v18  }
0x95: {  	v13 =	vmul.f32 v62, v19;
	v7 =	vadd.f32 v50, v9;
	v12 =	vmul.f32 v60, v17;
	[tilespmem:$0x1FF60] =	vst v0;
	v0 =	vld [tilespmem:$0x1FF70]  }
0x96: {  	v9 =	vmul.f32 v5, v20;
	v5 =	vmul.f32 v5, v21;
	v8 =	vadd.f32 v8, v11  }
0x97: {  	v11 =	vmul.f32 v6, v16;
	v54 =	vadd.f32 v13, v12;
	v12 =	vmul.f32 v10, v18  }
0x98: {  	[tilespmem:$0x1FF90] =	vst v61;
	v13 =	vmul.f32 v15, v20;
	v61 =	vadd.f32 v38, v5;
	v5 =	vmul.f32 v15, v21  }
0x99: {  	v6 =	vmul.f32 v6, v17;
	v10 =	vmul.f32 v10, v19;
	v11 =	vadd.f32 v12, v11  }
0x9a: {  	v26 =	vperm.xlane v3, v51;
	v12 =	vadd.f32 v0, v13;
	v60 =	vadd.f32 v0, v5;
	v0 =	vld [tilespmem:$0x1FF80]  }
0x9b: {  	v30 =	vperm.xlane v3, v48;
	v62 =	vadd.f32 v10, v6;
	v10 =	vperm.xlane v1, v45  }
0x9c: {  	v24 =	vperm.xlane v3, v53;
	v2 =	vperm.xlane v3, v55  }
0x9d: {  	v3 =	vmul.f32 v10, v20;
	v5 =	vmul.f32 v10, v21  }
0x9e: {  	v13 =	vadd.f32 v22, v14  }
0x9f: {  	v14 =	vadd.f32 v0, v3;
	v59 =	vadd.f32 v0, v5;
	v0 =	vld [tilespmem:$0x1FF90]  }
0xa0: {  	v15 =	vmul.f32 v31, v17;
	v6 =	vmul.f32 v33, v19;
	_ =	sdelay $0x1  }
0xa1: {  	v6 =	vadd.f32 v6, v15;
	v15 =	vmul.f32 v23, v18;
	v3 =	vmul.f32 v56, v16;
	_ =	sdelay $0x1  }
0xa2: {  	v22 =	vadd.f32 v15, v3;
	v15 =	vmul.f32 v0, v16;
	v27 =	vmul.f32 v0, v17;
	v0 =	vld [tilespmem:$0x1FFA0]  }
0xa3: {  	v10 =	vperm.xlane v1, v63  }
0xa4: {  	v23 =	vmul.f32 v23, v19;
	v5 =	vmul.f32 v56, v17  }
0xa5: {  	v3 =	vmul.f32 v10, v20;
	v10 =	vmul.f32 v10, v21  }
0xa6: {  	v5 =	vadd.f32 v23, v5  }
0xa7: {  	v23 =	vadd.f32 v0, v3;
	v58 =	vadd.f32 v0, v10;
	v0 =	vld [tilespmem:$0x1FFB0]  }
0xa8: {  	v3 =	vperm.xlane v1, v53  }
0xa9: {  	v25 =	vmul.f32 v24, v18;
	v42 =	vperm.xlane v1, v55  }
0xaa: {  	v10 =	vmul.f32 v24, v19;
	v28 =	vmul.f32 v3, v20  }
0xab: {  	v63 =	vperm.xlane v1, v48;
	v25 =	vadd.f32 v25, v15;
	v24 =	vperm.xlane v1, v51  }
0xac: {  	v15 =	vadd.f32 v10, v27;
	v1 =	vmul.f32 v3, v21;
	v27 =	vadd.f32 v0, v28;
	v28 =	vld [tilespmem:$0x1FFC0];
	_ =	sdelay $0x1  }
0xad: {  	v57 =	vadd.f32 v0, v1;
	v0 =	vld [tilespmem:$0x1FFD0];
	_ =	sdelay $0x2  }
0xae: {  	v10 =	vmul.f32 v26, v18;
	v3 =	vmul.f32 v28, v16;
	_ =	sdelay $0x1  }
0xaf: {  	v32 =	vmul.f32 v0, v17;
	v29 =	vadd.f32 v10, v3;
	v10 =	vmul.f32 v0, v16;
	v0 =	vld [tilespmem:$0x1FFE0];
	_ =	sdelay $0x2  }
0xb0: {  	v3 =	vmul.f32 v24, v20;
	v24 =	vmul.f32 v24, v21  }
0xb1: {  	v34 =	vmul.f32 v30, v19  }
0xb2: {  	v31 =	vmul.f32 v30, v18;
	v30 =	vadd.f32 v0, v3;
	v56 =	vadd.f32 v0, v24;
	v0 =	vld [tilespmem:$0x1FFF0];
	_ =	sdelay $0x1  }
0xb3: {  	v41 =	vimm.f32 $+Inf;
	v26 =	vmul.f32 v26, v19;
	v1 =	vmul.f32 v28, v17  }
0xb4: {  	v36 =	vmul.f32 v42, v20;
	v9 =	vadd.f32 v38, v9;
	v33 =	vmul.f32 v63, v20  }
0xb5: {  	v28 =	vadd.f32 v26, v1;
	v26 =	vmul.f32 v2, v18;
	v3 =	vmul.f32 v63, v21  }
0xb6: {  	p1 =	por p2, p2;
	s29 =	simm.s32 $0x40;
	s28 =	sor.u32 $0x10, s26;
	v63 =	vimm.f32 $+Inf;
	v35 =	vmul.f32 v0, v16;
	v24 =	vmul.f32 v0, v17  }
.LBB2_6:
0xb7: {  	v0 =	vld [tilespmem:$0x1FDE0];
	_ =	sdelay $0x3  }
0xb8: {  	v46 =	vmul.f32 v2, v19;
	v2 =	vld [tilespmem:$0x1FE40];
	v32 =	vadd.f32 v34, v32  }
0xb9: {  	v33 =	vadd.f32 v0, v33;
	v34 =	vadd.f32 v0, v3;
	v0 =	vld [tilespmem:$0x1FE20];
	_ =	sdelay $0x4  }
0xba: {  	v45 =	vadd.f32 v2, v0;
	v0 =	vld [tilespmem:$0x1FDF0];
	_ =	sdelay $0x3  }
0xbb: {  	v2 =	vld [tilespmem:$0x1FEC0]  }
0xbc: {  	v39 =	vadd.f32 v39, v0;
	v0 =	vld [tilespmem:$0x1FEA0];
	_ =	sdelay $0x4  }
0xbd: {  	v24 =	vadd.f32 v46, v24;
	v46 =	vadd.f32 v2, v0;
	v0 =	vld [tilespmem:$0x1FE60]  }
0xbe: {  	v2 =	vld [tilespmem:$0x1FE80];
	_ =	sdelay $0x1  }
0xbf: {  	s30 =	sshra.s32 s29, $0x2  }
0xc0: {  	v50 =	vadd.f32 v49, v43;
	v1 =	vld [tilespmem:s30+$0x3000]  }
0xc1: {  	v4 =	vadd.f32 v7, v4;
	v11 =	vadd.f32 v12, v11;
	v38 =	vld [tilespmem:s30+$0x2000]  }
0xc2: {  	v12 =	vadd.f32 v14, v13;
	v48 =	vadd.f32 v2, v0;
	v0 =	vld [tilespmem:$0x1FEE0]  }
0xc3: {  	v14 =	vadd.f32 v27, v25;
	v31 =	vadd.f32 v31, v10;
	v10 =	vmul.f32 v42, v21;
	v2 =	vld [tilespmem:$0x1FF00]  }
0xc4: {  	v26 =	vadd.f32 v26, v35;
	v8 =	vadd.f32 v9, v8;
	v3 =	vld [tilespmem:s30+$0x0]  }
0xc5: {  	v35 =	vadd.f32 v52, v36;
	v36 =	vadd.f32 v52, v10;
	v10 =	vld [tilespmem:s30+$0x1000]  }
0xc6: {  	v9 =	vadd.f32 v23, v22;
	v13 =	vadd.f32 v30, v29  }
0xc7: {  	v22 =	vadd.f32 v35, v26;
	v23 =	vadd.f32 v36, v24  }
0xc8: {  	v24 =	vadd.f32 v33, v31;
	v51 =	vadd.f32 v2, v0;
	v0 =	vimm.s32 $0xF  }
0xc9: {  	v22 =	vmin.f32 v41, v22;
	v2 =	vperm.xlane v1, v0;
	v52 =	vperm.xlane v3, v0  }
0xca: {  	v22 =	vmin.f32 v22, v24;
	v43 =	vperm.xlane v10, v0;
	v44 =	vperm.xlane v38, v0;
	v0 =	vld [tilespmem:$0x1FF60]  }
0xcb: {  	v49 =	vimm.s32 $0xE;
	v7 =	vimm.s32 $0xD;
	v13 =	vmin.f32 v22, v13  }
0xcc: {  	v15 =	vadd.f32 v57, v15;
	v13 =	vmin.f32 v13, v14;
	[tilespmem:$0x1FB20] =	vst v2;
	v2 =	vperm.xlane v1, v49  }
0xcd: {  	v26 =	vadd.f32 v56, v28;
	v25 =	vadd.f32 v34, v32;
	v9 =	vmin.f32 v13, v9  }
0xce: {  	v23 =	vmin.f32 v63, v23;
	v9 =	vmin.f32 v9, v12;
	[tilespmem:$0x1FB80] =	vst v2;
	v2 =	vperm.xlane v1, v7  }
0xcf: {  	v23 =	vmin.f32 v23, v25;
	v9 =	vmin.f32 v9, v11;
	v11 =	vadd.f32 v47, v0;
	v0 =	vld [tilespmem:$0x1FF40]  }
0xd0: {  	v5 =	vadd.f32 v58, v5;
	v22 =	vmin.f32 v23, v26;
	[tilespmem:$0x1FBF0] =	vst v2;
	v2 =	vld [tilespmem:$0x1FF50]  }
0xd1: {  	v6 =	vadd.f32 v59, v6;
	v14 =	vmin.f32 v22, v15  }
0xd2: {  	v5 =	vmin.f32 v14, v5;
	v13 =	vadd.f32 v60, v62  }
0xd3: {  	v5 =	vmin.f32 v5, v6;
	v6 =	vadd.f32 v61, v54  }
0xd4: {  	v5 =	vmin.f32 v5, v13  }
0xd5: {  	v5 =	vmin.f32 v5, v6;
	v6 =	vadd.f32 v2, v0;
	v0 =	vld [tilespmem:$0x1FF20]  }
0xd6: {  	v2 =	vld [tilespmem:$0x1FF30];
	_ =	sdelay $0x3  }
0xd7: {  	v8 =	vmin.f32 v9, v8  }
0xd8: {  	v4 =	vmin.f32 v8, v4;
	v8 =	vadd.f32 v2, v0;
	v0 =	vld [tilespmem:$0x1FEF0]  }
0xd9: {  	v2 =	vld [tilespmem:$0x1FF10];
	_ =	sdelay $0x3  }
0xda: {  	v5 =	vmin.f32 v5, v11  }
0xdb: {  	v5 =	vmin.f32 v5, v6;
	v6 =	vadd.f32 v2, v0;
	v0 =	vld [tilespmem:$0x1FEB0]  }
0xdc: {  	v2 =	vld [tilespmem:$0x1FED0];
	_ =	sdelay $0x4  }
0xdd: {  	v5 =	vmin.f32 v5, v8;
	v8 =	vadd.f32 v2, v0;
	v0 =	vld [tilespmem:$0x1FE70]  }
0xde: {  	v2 =	vld [tilespmem:$0x1FE90];
	_ =	sdelay $0x4  }
0xdf: {  	v5 =	vmin.f32 v5, v6;
	v6 =	vadd.f32 v2, v0;
	v0 =	vld [tilespmem:$0x1FE30]  }
0xe0: {  	v2 =	vld [tilespmem:$0x1FE50];
	_ =	sdelay $0x4  }
0xe1: {  	v53 =	vadd.f32 v40, v37;
	v5 =	vmin.f32 v5, v8;
	v8 =	vadd.f32 v2, v0;
	v0 =	vld [tilespmem:$0x1FE00]  }
0xe2: {  	v2 =	vld [tilespmem:$0x1FE10]  }
0xe3: {  	v4 =	vmin.f32 v4, v53  }
0xe4: {  	v4 =	vmin.f32 v4, v50  }
0xe5: {  	v4 =	vmin.f32 v4, v51  }
0xe6: {  	v4 =	vmin.f32 v4, v46  }
0xe7: {  	v5 =	vmin.f32 v5, v6;
	v6 =	vadd.f32 v2, v0;
	v2 =	vimm.s32 $0xC  }
0xe8: {  	v4 =	vmin.f32 v4, v48;
	v0 =	vperm.xlane v1, v2  }
0xe9: {  	v4 =	vmin.f32 v4, v45  }
0xea: {  	v5 =	vmin.f32 v5, v8;
	[tilespmem:$0x1FC30] =	vst v0;
	v0 =	vmin.f32 v4, v39  }
0xeb: {  	[tilespmem:$0x1FDC0] =	vst v0;
	v0 =	vmin.f32 v5, v6  }
0xec: {  	v27 =	vperm.xlane v38, v7;
	[tilespmem:$0x1FD00] =	vst v0;
	v0 =	vimm.s32 $0xB  }
0xed: {  	v25 =	vperm.xlane v3, v7;
	v4 =	vperm.xlane v1, v0  }
0xee: {  	v26 =	vperm.xlane v10, v7;
	v11 =	vimm.s32 $0x2;
	v8 =	vimm.s32 $0x4  }
0xef: {  	v9 =	vperm.xlane v1, v11;
	v15 =	vperm.xlane v3, v8;
	[tilespmem:$0x1FC70] =	vst v4;
	v4 =	vimm.s32 $0xA  }
0xf0: {  	v14 =	vperm.xlane v10, v8;
	v5 =	vperm.xlane v1, v4  }
0xf1: {  	v13 =	vperm.xlane v38, v8;
	v28 =	vperm.xlane v3, v2  }
0xf2: {  	v29 =	vperm.xlane v10, v2;
	v30 =	vperm.xlane v38, v2;
	[tilespmem:$0x1FC90] =	vst v5;
	v5 =	vimm.s32 $0x9  }
0xf3: {  	v31 =	vperm.xlane v3, v0;
	v2 =	vperm.xlane v1, v5  }
0xf4: {  	v32 =	vperm.xlane v10, v0;
	v34 =	vperm.xlane v38, v0  }
0xf5: {  	v36 =	vperm.xlane v3, v4;
	v39 =	vperm.xlane v10, v4;
	[tilespmem:$0x1FCB0] =	vst v2;
	v2 =	vimm.s32 $0x8  }
0xf6: {  	v40 =	vperm.xlane v38, v4;
	v0 =	vperm.xlane v1, v2  }
0xf7: {  	v45 =	vperm.xlane v3, v5;
	v47 =	vperm.xlane v10, v5  }
0xf8: {  	v48 =	vperm.xlane v38, v5;
	v51 =	vperm.xlane v3, v2;
	[tilespmem:$0x1FCE0] =	vst v0;
	v0 =	vimm.s32 $0x7  }
0xf9: {  	v7 =	vimm.s32 $0x5;
	v53 =	vperm.xlane v10, v2;
	v4 =	vperm.xlane v1, v0  }
0xfa: {  	v54 =	vperm.xlane v38, v2;
	v2 =	vperm.xlane v1, v7  }
0xfb: {  	v61 =	vperm.xlane v3, v0;
	v62 =	vperm.xlane v10, v0;
	[tilespmem:$0x1FCF0] =	vst v4;
	v4 =	vimm.s32 $0x6  }
0xfc: {  	[tilespmem:$0x1FDD0] =	vst v9;
	v9 =	vimm.s32 $0x1;
	v63 =	vperm.xlane v38, v0;
	v5 =	vperm.xlane v1, v4  }
0xfd: {  	v12 =	vimm.s32 $0x3;
	v0 =	vperm.xlane v1, v8;
	v8 =	vperm.xlane v1, v9  }
0xfe: {  	[tilespmem:$0x1FD20] =	vst v5;
	v5 =	vperm.xlane v1, v12;
	v1 =	vperm.xlane v1, v55;
	_ =	sdelay $0x1  }
0xff: {  	[tilespmem:$0x1FDA0] =	vst v1;
	v1 =	vperm.xlane v3, v11;
	_ =	sdelay $0x1  }
0x100: {  	[tilespmem:$0x1FCA0] =	vst v1;
	v1 =	vperm.xlane v10, v11;
	_ =	sdelay $0x1  }
0x101: {  	[tilespmem:$0x1FCC0] =	vst v1;
	v1 =	vperm.xlane v38, v11;
	_ =	sdelay $0x1  }
0x102: {  	[tilespmem:$0x1FCD0] =	vst v1;
	v1 =	vperm.xlane v3, v9;
	_ =	sdelay $0x1  }
0x103: {  	[tilespmem:$0x1FD10] =	vst v1;
	v1 =	vperm.xlane v10, v9;
	_ =	sdelay $0x1  }
0x104: {  	[tilespmem:$0x1FD30] =	vst v1;
	v1 =	vperm.xlane v3, v55;
	_ =	sdelay $0x1  }
0x105: {  	[tilespmem:$0x1FD80] =	vst v1;
	v1 =	vperm.xlane v38, v9;
	_ =	sdelay $0x1  }
0x106: {  	[tilespmem:$0x1FD50] =	vst v1;
	v1 =	vperm.xlane v10, v55;
	_ =	sdelay $0x1  }
0x107: {  	[tilespmem:$0x1FD40] =	vst v1;
	v1 =	vmul.f32 v44, v20;
	_ =	sdelay $0x1  }
0x108: {  	[tilespmem:$0x1FB30] =	vst v1;
	v1 =	vmul.f32 v52, v17;
	_ =	sdelay $0x1  }
0x109: {  	[tilespmem:$0x1FB40] =	vst v1;
	v1 =	vmul.f32 v43, v19;
	_ =	sdelay $0x1  }
0x10a: {  	v23 =	vperm.xlane v10, v49;
	[tilespmem:$0x1FB50] =	vst v1;
	v1 =	vmul.f32 v44, v21;
	_ =	sdelay $0x1  }
0x10b: {  	v24 =	vperm.xlane v38, v49;
	[tilespmem:$0x1FB60] =	vst v1;
	v1 =	vmul.f32 v23, v18;
	_ =	sdelay $0x1  }
0x10c: {  	v22 =	vperm.xlane v3, v49;
	[tilespmem:$0x1FB70] =	vst v1;
	v1 =	vmul.f32 v24, v20;
	_ =	sdelay $0x1  }
0x10d: {  	[tilespmem:$0x1FB90] =	vst v1;
	v1 =	vmul.f32 v22, v17;
	_ =	sdelay $0x1  }
0x10e: {  	[tilespmem:$0x1FBA0] =	vst v1;
	v1 =	vmul.f32 v23, v19;
	_ =	sdelay $0x1  }
0x10f: {  	[tilespmem:$0x1FBB0] =	vst v1;
	v1 =	vmul.f32 v24, v21  }
0x110: {  	[tilespmem:$0x1FD60] =	vst v2  }
0x111: {  	[tilespmem:$0x1FBC0] =	vst v1;
	v1 =	vmul.f32 v25, v16  }
0x112: {  	[tilespmem:$0x1FD70] =	vst v0  }
0x113: {  	v42 =	vperm.xlane v38, v55;
	[tilespmem:$0x1FBD0] =	vst v1;
	v1 =	vmul.f32 v26, v18  }
0x114: {  	v33 =	vperm.xlane v3, v12;
	[tilespmem:$0x1FDE0] =	vst v8;
	v8 =	vperm.xlane v10, v12  }
0x115: {  	v50 =	vmul.f32 v43, v18;
	[tilespmem:$0x1FBE0] =	vst v1;
	v1 =	vmul.f32 v25, v17  }
0x116: {  	v6 =	vperm.xlane v10, v7;
	v0 =	vperm.xlane v3, v4;
	[tilespmem:$0x1FC40] =	vst v8  }
0x117: {  	v2 =	vperm.xlane v10, v4;
	[tilespmem:$0x1FC00] =	vst v1;
	v1 =	vmul.f32 v26, v19  }
0x118: {  	v4 =	vperm.xlane v38, v4;
	v8 =	vperm.xlane v38, v12;
	[tilespmem:$0x1FD90] =	vst v5  }
0x119: {  	v5 =	vperm.xlane v3, v7;
	[tilespmem:$0x1FC10] =	vst v1;
	v1 =	vmul.f32 v28, v16  }
0x11a: {  	v7 =	vperm.xlane v38, v7;
	v38 =	vmul.f32 v52, v16  }
0x11b: {  	v12 =	vmul.f32 v4, v20;
	[tilespmem:$0x1FC20] =	vst v1;
	v1 =	vmul.f32 v28, v17  }
0x11c: {  	v43 =	vmul.f32 v22, v16;
	v22 =	vmul.f32 v4, v21;
	v4 =	vadd.f32 v50, v38  }
0x11d: {  	[tilespmem:$0x1FC50] =	vst v1;
	v1 =	vmul.f32 v31, v17  }
0x11e: {  	[tilespmem:$0x1FDF0] =	vst v4;
	v4 =	vld [tilespmem:$0x1FB30];
	v25 =	vmul.f32 v0, v16;
	v26 =	vmul.f32 v0, v17  }
0x11f: {  	v0 =	vmul.f32 v7, v20;
	[tilespmem:$0x1FC80] =	vst v1;
	v1 =	vmul.f32 v7, v21;
	v7 =	vld [tilespmem:$0x1FB20];
	_ =	sdelay $0x4  }
0x120: {  	v4 =	vadd.f32 v7, v4  }
0x121: {  	v38 =	vld [tilespmem:$0x1FB50]  }
0x122: {  	[tilespmem:$0x1FDB0] =	vst v4;
	v4 =	vld [tilespmem:$0x1FB40];
	_ =	sdelay $0x4  }
0x123: {  	v4 =	vadd.f32 v38, v4;
	_ =	sdelay $0x1  }
0x124: {  	[tilespmem:$0x1FE00] =	vst v4;
	v4 =	vld [tilespmem:$0x1FB60];
	_ =	sdelay $0x4  }
0x125: {  	v4 =	vadd.f32 v7, v4;
	_ =	sdelay $0x1  }
0x126: {  	[tilespmem:$0x1FE10] =	vst v4;
	v4 =	vld [tilespmem:$0x1FB70];
	_ =	sdelay $0x4  }
0x127: {  	v4 =	vadd.f32 v4, v43  }
0x128: {  	v7 =	vld [tilespmem:$0x1FB80]  }
0x129: {  	[tilespmem:$0x1FE20] =	vst v4;
	v4 =	vld [tilespmem:$0x1FB90];
	_ =	sdelay $0x4  }
0x12a: {  	v4 =	vadd.f32 v7, v4  }
0x12b: {  	v43 =	vld [tilespmem:$0x1FBB0]  }
0x12c: {  	[tilespmem:$0x1FE40] =	vst v4;
	v4 =	vld [tilespmem:$0x1FBA0];
	_ =	sdelay $0x4  }
0x12d: {  	v4 =	vadd.f32 v43, v4;
	_ =	sdelay $0x1  }
0x12e: {  	[tilespmem:$0x1FE30] =	vst v4;
	v4 =	vld [tilespmem:$0x1FBC0];
	_ =	sdelay $0x4  }
0x12f: {  	v4 =	vadd.f32 v7, v4  }
0x130: {  	v7 =	vld [tilespmem:$0x1FBE0]  }
0x131: {  	[tilespmem:$0x1FE50] =	vst v4;
	v4 =	vld [tilespmem:$0x1FBD0];
	_ =	sdelay $0x4  }
0x132: {  	v4 =	vadd.f32 v7, v4;
	v7 =	vld [tilespmem:$0x1FBF0];
	_ =	sdelay $0x2  }
0x133: {  	v55 =	vmul.f32 v27, v20;
	_ =	sdelay $0x1  }
0x134: {  	[tilespmem:$0x1FE60] =	vst v4;
	v4 =	vadd.f32 v7, v55  }
0x135: {  	v38 =	vmul.f32 v13, v20;
	v55 =	vmul.f32 v13, v21;
	v13 =	vld [tilespmem:$0x1FC10]  }
0x136: {  	[tilespmem:$0x1FE80] =	vst v4;
	v4 =	vld [tilespmem:$0x1FC00];
	_ =	sdelay $0x4  }
0x137: {  	v57 =	vmul.f32 v27, v21;
	v4 =	vadd.f32 v13, v4;
	_ =	sdelay $0x1  }
0x138: {  	[tilespmem:$0x1FE70] =	vst v4;
	v4 =	vadd.f32 v7, v57;
	_ =	sdelay $0x1  }
0x139: {  	[tilespmem:$0x1FE90] =	vst v4;
	v4 =	vld [tilespmem:$0x1FC20];
	_ =	sdelay $0x1  }
0x13a: {  	v7 =	vld [tilespmem:$0x1FC30]  }
0x13b: {  	v60 =	vmul.f32 v29, v18;
	_ =	sdelay $0x1  }
0x13c: {  	v46 =	vmul.f32 v30, v20;
	v4 =	vadd.f32 v60, v4;
	_ =	sdelay $0x1  }
0x13d: {  	[tilespmem:$0x1FEA0] =	vst v4;
	v4 =	vadd.f32 v7, v46;
	_ =	sdelay $0x1  }
0x13e: {  	[tilespmem:$0x1FEC0] =	vst v4;
	v4 =	vld [tilespmem:$0x1FC50];
	_ =	sdelay $0x2  }
0x13f: {  	v35 =	vmul.f32 v29, v19;
	_ =	sdelay $0x1  }
0x140: {  	v30 =	vmul.f32 v30, v21;
	v4 =	vadd.f32 v35, v4;
	_ =	sdelay $0x1  }
0x141: {  	[tilespmem:$0x1FEB0] =	vst v4;
	v4 =	vadd.f32 v7, v30;
	v7 =	vld [tilespmem:$0x1FC70]  }
0x142: {  	v58 =	vmul.f32 v31, v16;
	v56 =	vmul.f32 v32, v18;
	_ =	sdelay $0x1  }
0x143: {  	v52 =	vmul.f32 v34, v20;
	[tilespmem:$0x1FED0] =	vst v4;
	v4 =	vadd.f32 v56, v58;
	_ =	sdelay $0x1  }
0x144: {  	[tilespmem:$0x1FEE0] =	vst v4;
	v4 =	vadd.f32 v7, v52;
	_ =	sdelay $0x1  }
0x145: {  	[tilespmem:$0x1FF00] =	vst v4;
	v4 =	vld [tilespmem:$0x1FC80];
	_ =	sdelay $0x2  }
0x146: {  	v32 =	vmul.f32 v32, v19;
	_ =	sdelay $0x1  }
0x147: {  	[tilespmem:$0x1FC60] =	vst v8;
	v34 =	vmul.f32 v34, v21;
	v4 =	vadd.f32 v32, v4  }
0x148: {  	v13 =	vld [tilespmem:$0x1FC60]  }
0x149: {  	v44 =	vmul.f32 v39, v18;
	v39 =	vmul.f32 v39, v19;
	[tilespmem:$0x1FEF0] =	vst v4;
	v4 =	vadd.f32 v7, v34;
	v7 =	vld [tilespmem:$0x1FC90]  }
0x14a: {  	v31 =	vmul.f32 v36, v16;
	v36 =	vmul.f32 v36, v17  }
0x14b: {  	v49 =	vmul.f32 v40, v20  }
0x14c: {  	v40 =	vmul.f32 v40, v21;
	v59 =	vmul.f32 v45, v16;
	[tilespmem:$0x1FF10] =	vst v4;
	v4 =	vadd.f32 v39, v36  }
0x14d: {  	v35 =	vadd.f32 v44, v31;
	v44 =	vmul.f32 v13, v21;
	v30 =	vmul.f32 v13, v20;
	v13 =	vld [tilespmem:$0x1FCE0]  }
0x14e: {  	v37 =	vmul.f32 v47, v18;
	[tilespmem:$0x1FF20] =	vst v4;
	v49 =	vadd.f32 v7, v49;
	v4 =	vadd.f32 v7, v40;
	v7 =	vld [tilespmem:$0x1FCB0]  }
0x14f: {  	v41 =	vmul.f32 v48, v20;
	v45 =	vmul.f32 v45, v17  }
0x150: {  	v47 =	vmul.f32 v47, v19;
	v48 =	vmul.f32 v48, v21  }
0x151: {  	v8 =	vmul.f32 v54, v20;
	v54 =	vmul.f32 v54, v21  }
0x152: {  	v50 =	vmul.f32 v14, v18;
	v43 =	vmul.f32 v14, v19;
	v14 =	vld [tilespmem:$0x1FC40];
	[tilespmem:$0x1FF30] =	vst v4;
	v4 =	vadd.f32 v47, v45  }
0x153: {  	v60 =	vld [tilespmem:$0x1FCA0];
	v47 =	vadd.f32 v13, v54;
	v40 =	vadd.f32 v7, v41  }
0x154: {  	[tilespmem:$0x1FF40] =	vst v4;
	v4 =	vadd.f32 v7, v48;
	v7 =	vadd.f32 v13, v8;
	v13 =	vld [tilespmem:$0x1FD20];
	_ =	sdelay $0x2  }
0x155: {  	v29 =	vmul.f32 v51, v16;
	v3 =	vmul.f32 v6, v18  }
0x156: {  	v23 =	vmul.f32 v5, v16;
	v46 =	vmul.f32 v14, v18  }
0x157: {  	v52 =	vmul.f32 v14, v19;
	v14 =	vld [tilespmem:$0x1FCD0];
	v39 =	vmul.f32 v60, v16;
	v12 =	vadd.f32 v13, v12  }
0x158: {  	v48 =	vmul.f32 v60, v17;
	v60 =	vadd.f32 v13, v22;
	v13 =	vadd.f32 v3, v23;
	v3 =	vld [tilespmem:$0x1FD60]  }
0x159: {  	v51 =	vmul.f32 v51, v17;
	v11 =	vmul.f32 v2, v18  }
0x15a: {  	v2 =	vmul.f32 v2, v19;
	v6 =	vmul.f32 v6, v19  }
0x15b: {  	v27 =	vmul.f32 v53, v18;
	v53 =	vmul.f32 v53, v19  }
0x15c: {  	v9 =	vmul.f32 v63, v20;
	v45 =	vmul.f32 v14, v20  }
0x15d: {  	v8 =	vadd.f32 v53, v51;
	v53 =	vmul.f32 v14, v21;
	v14 =	vadd.f32 v3, v0;
	v0 =	vld [tilespmem:$0x1FD70]  }
0x15e: {  	v37 =	vadd.f32 v37, v59;
	v63 =	vmul.f32 v63, v21;
	v10 =	vmul.f32 v62, v18;
	v31 =	vld [tilespmem:$0x1FCC0]  }
0x15f: {  	v62 =	vmul.f32 v62, v19;
	v24 =	vmul.f32 v5, v17;
	v11 =	vadd.f32 v11, v25;
	v25 =	vld [tilespmem:$0x1FD50]  }
0x160: {  	v5 =	vmul.f32 v15, v16;
	v15 =	vmul.f32 v15, v17;
	[tilespmem:$0x1FF50] =	vst v4;
	v4 =	vadd.f32 v27, v29;
	v27 =	vld [tilespmem:$0x1FD30]  }
0x161: {  	v6 =	vadd.f32 v6, v24;
	v28 =	vmul.f32 v61, v16;
	v61 =	vmul.f32 v61, v17  }
0x162: {  	v57 =	vmul.f32 v33, v16;
	v23 =	vadd.f32 v0, v38;
	v58 =	vadd.f32 v0, v55;
	v0 =	vld [tilespmem:$0x1FD90]  }
0x163: {  	v54 =	vadd.f32 v62, v61;
	v62 =	vadd.f32 v2, v26;
	v2 =	vld [tilespmem:$0x1FD40];
	v41 =	vmul.f32 v31, v18  }
0x164: {  	v56 =	vmul.f32 v33, v17;
	v33 =	vmul.f32 v25, v20;
	[tilespmem:$0x1FF60] =	vst v8;
	v8 =	vadd.f32 v10, v28;
	v10 =	vld [tilespmem:$0x1FCF0]  }
0x165: {  	v51 =	vmul.f32 v31, v19;
	v28 =	vld [tilespmem:$0x1FD10];
	v29 =	vadd.f32 v41, v39;
	v31 =	vmul.f32 v27, v18  }
0x166: {  	v59 =	vadd.f32 v3, v1;
	v3 =	vmul.f32 v25, v21;
	v1 =	vld [tilespmem:$0x1FD80];
	v25 =	vadd.f32 v46, v57  }
0x167: {  	p2 =	sne.s32 s29, $0x3FC0;
	v34 =	vmul.f32 v27, v19;
	v27 =	vadd.f32 v0, v30;
	v57 =	vadd.f32 v0, v44;
	v0 =	vld [tilespmem:$0x1FDD0]  }
.Ltmp4:
0x168: {  	v36 =	vmul.f32 v42, v20;
	v22 =	vadd.f32 v50, v5;
	v5 =	vadd.f32 v43, v15;
	(pc) =	sbr.rel @p2 .LBB2_6-.Ltmp4, $4  }
0x169: {  	v26 =	vmul.f32 v2, v18;
	v39 =	vld [tilespmem:$0x1FDB0];
	v15 =	vadd.f32 v52, v56;
	v9 =	vadd.f32 v10, v9  }
0x16a: {  	v41 =	vld [tilespmem:$0x1FDC0];
	v61 =	vadd.f32 v10, v63;
	v10 =	vmul.f32 v28, v16;
	v32 =	vmul.f32 v28, v17  }
0x16b: {  	v43 =	vmovc v35;
	v52 =	vld [tilespmem:$0x1FDA0];
	v28 =	vadd.f32 v51, v48;
	v55 =	vimm.s32 $0x0;
	v35 =	vmul.f32 v1, v16  }
0x16c: {  	s29 =	sadd.s32 $0x40, s29;
	v63 =	vld [tilespmem:$0x1FD00];
	v24 =	vmul.f32 v1, v17;
	v30 =	vadd.f32 v0, v45;
	v56 =	vadd.f32 v0, v53  }
0x16d: {  	v48 =	vld [tilespmem:$0x1FDE0];
	_ =	sdelay $0x1  }
0x16e: {  	v0 =	vadd.f32 v31, v10  }
0x16f: {  	v1 =	vadd.f32 v34, v32;
	v26 =	vadd.f32 v26, v35  }
0x170: {  	v46 =	vadd.f32 v49, v43;
	v51 =	vadd.f32 v52, v36  }
0x171: {  	v11 =	vadd.f32 v12, v11;
	v10 =	vadd.f32 v48, v33  }
0x172: {  	v2 =	vmul.f32 v2, v19;
	v12 =	vadd.f32 v14, v13;
	v14 =	vadd.f32 v51, v26  }
0x173: {  	v50 =	vmul.f32 v42, v21;
	v8 =	vadd.f32 v9, v8;
	v0 =	vadd.f32 v10, v0  }
0x174: {  	v13 =	vadd.f32 v30, v29;
	v2 =	vadd.f32 v2, v24;
	v49 =	vmin.f32 v41, v14  }
0x175: {  	v31 =	vadd.f32 v52, v50;
	v10 =	vadd.f32 v27, v25;
	v0 =	vmin.f32 v49, v0  }
0x176: {  	v53 =	vld [tilespmem:$0x1FE20];
	v9 =	vadd.f32 v23, v22;
	v3 =	vadd.f32 v48, v3;
	v0 =	vmin.f32 v0, v13  }
0x177: {  	v38 =	vld [tilespmem:$0x1FDF0];
	v2 =	vadd.f32 v31, v2;
	v0 =	vmin.f32 v0, v10  }
0x178: {  	v4 =	vadd.f32 v7, v4;
	v36 =	vld [tilespmem:$0x1FE40];
	v1 =	vadd.f32 v3, v1;
	v0 =	vmin.f32 v0, v9  }
0x179: {  	v42 =	vld [tilespmem:$0x1FEC0];
	v2 =	vmin.f32 v63, v2;
	v14 =	vadd.f32 v56, v28;
	v0 =	vmin.f32 v0, v12  }
0x17a: {  	v50 =	vadd.f32 v57, v15;
	v56 =	vld [tilespmem:$0x1FF60];
	v1 =	vmin.f32 v2, v1;
	v0 =	vmin.f32 v0, v11  }
0x17b: {  	v51 =	vadd.f32 v58, v5;
	v58 =	vld [tilespmem:$0x1FF20];
	v1 =	vmin.f32 v1, v14;
	v0 =	vmin.f32 v0, v8  }
0x17c: {  	v52 =	vadd.f32 v59, v6;
	v1 =	vmin.f32 v1, v50;
	v0 =	vmin.f32 v0, v4;
	v4 =	vld [tilespmem:$0x1FF30]  }
0x17d: {  	v57 =	vld [tilespmem:$0x1FF40];
	v32 =	vadd.f32 v36, v53;
	v53 =	vadd.f32 v60, v62;
	v1 =	vmin.f32 v1, v51  }
0x17e: {  	v54 =	vadd.f32 v61, v54;
	v59 =	vld [tilespmem:$0x1FEF0];
	v1 =	vmin.f32 v1, v52  }
0x17f: {  	v5 =	vld [tilespmem:$0x1FF50];
	v3 =	vadd.f32 v47, v56;
	v1 =	vmin.f32 v1, v53  }
0x180: {  	v6 =	vld [tilespmem:$0x1FE50];
	v1 =	vmin.f32 v1, v54  }
0x181: {  	v1 =	vmin.f32 v1, v3;
	v3 =	vadd.f32 v4, v58;
	v4 =	vld [tilespmem:$0x1FF10]  }
0x182: {  	v33 =	vadd.f32 v39, v38;
	v39 =	vld [tilespmem:$0x1FEA0]  }
0x183: {  	v38 =	vld [tilespmem:$0x1FEE0]  }
0x184: {  	v48 =	vld [tilespmem:$0x1FF00];
	v2 =	vadd.f32 v5, v57  }
0x185: {  	v60 =	vld [tilespmem:$0x1FEB0]  }
0x186: {  	v1 =	vmin.f32 v1, v2;
	v2 =	vadd.f32 v4, v59;
	v4 =	vld [tilespmem:$0x1FED0]  }
0x187: {  	v5 =	vld [tilespmem:$0x1FE30]  }
0x188: {  	v44 =	vld [tilespmem:$0x1FE60]  }
0x189: {  	v45 =	vld [tilespmem:$0x1FE80]  }
0x18a: {  	v7 =	vadd.f32 v40, v37;
	v61 =	vld [tilespmem:$0x1FE70];
	v15 =	vimm.s32 $0xA  }
0x18b: {  	v34 =	vadd.f32 v42, v39;
	v1 =	vmin.f32 v1, v3;
	v3 =	vadd.f32 v4, v60;
	v4 =	vld [tilespmem:$0x1FE90]  }
0x18c: {  	v38 =	vadd.f32 v48, v38;
	v5 =	vadd.f32 v6, v5;
	v0 =	vmin.f32 v0, v7  }
0x18d: {  	v6 =	vmul.f32 v17, v17;
	v7 =	vmul.f32 v19, v19;
	v0 =	vmin.f32 v0, v46  }
0x18e: {  	v35 =	vadd.f32 v45, v44;
	v62 =	vmul.f32 v16, v16;
	v8 =	vld [tilespmem:$0x1FE10];
	v0 =	vmin.f32 v0, v38  }
0x18f: {  	v16 =	vimm.s32 $0xB;
	v63 =	vadd.f32 v7, v6;
	v7 =	vld [tilespmem:$0x1FE00];
	v0 =	vmin.f32 v0, v34  }
0x190: {  	v1 =	vmin.f32 v1, v2;
	v2 =	vadd.f32 v4, v61;
	v4 =	vmul.f32 v18, v18  }
0x191: {  	v48 =	vimm.s32 $0x1;
	v51 =	vimm.s32 $0x2;
	v0 =	vmin.f32 v0, v35  }
0x192: {  	v1 =	vmin.f32 v1, v3;
	v3 =	vadd.f32 v4, v62;
	v4 =	vmul.f32 v20, v20  }
0x193: {  	v53 =	vimm.s32 $0x3;
	v6 =	vmul.f32 v21, v21;
	v0 =	vmin.f32 v0, v32  }
0x194: {  	v7 =	vadd.f32 v8, v7;
	v1 =	vmin.f32 v1, v2;
	v3 =	vadd.f32 v4, v3  }
.Ltmp5:
0x195: {  	v0 =	vmin.f32 v0, v33;
	v2 =	vadd.f32 v6, v63;
	v1 =	vmin.f32 v1, v5;
	(pc) =	sbr.rel @p1 .LBB2_5-.Ltmp5, $4  }
0x196: {  	v11 =	vimm.s32 $0xF;
	v1 =	vmin.f32 v1, v7;
	v0 =	vadd.f32 v0, v3  }
0x197: {  	v54 =	vimm.s32 $0x8;
	v17 =	vimm.s32 $0xC;
	v1 =	vadd.f32 v1, v2  }
0x198: {  	v19 =	vimm.s32 $0x6;
	v61 =	vimm.s32 $0x9;
	v18 =	vimm.s32 $0xD;
	[tilespmem:s26+$0x4C00] =	vst v0  }
0x199: {  	p2 =	por $0x0, $0x0;
	v63 =	vimm.s32 $0x4;
	v6 =	vimm.s32 $0x7;
	v20 =	vimm.s32 $0xE;
	s26 =	simm.s32 $0x20;
	[tilespmem:s28+$0x4C00] =	vst v1  }
.Ltmp6:
0x19a: {  	(pc) =	sbr.rel .LBB2_16-.Ltmp6, $4  }
0x19b: {  	[hbm4b:s16+s1] =	stream.linear.scatter [tilespmem:s24], [sflag:$0x1], $0x40, $0x38;
	[tilespmem:$0x5000] =	vst v63  }
0x19c: {  	_ =	swait.ge [sflag:s18], $0x40  }
0x19d: {  	[sflag:s18] =	ssyncset.done $0x0  }
0x19e: {  	v42 =	vimm.s32 $0x5;
	[sflag:s18] =	ssyncadd.s32 $0xFFFFFFC0  }
.LBB2_9:
0x19f: {  	[tilespmem:s26], [sflag:$0x1] =	stream.linear.gather [hbm4b:s4+s26], $0x100, $0x38;
	[tilespmem:$0x5000] =	vst v63  }
0x1a0: {  	_ =	swait.ge [sflag:s18], $0x100  }
0x1a1: {  	[sflag:s18] =	ssyncset.done $0x0  }
0x1a2: {  	[sflag:s18] =	ssyncadd.s32 $0xFFFFFF00  }
0x1a3: {  	[tilespmem:s19], [sflag:$0x1] =	stream.linear.gather [hbm4b:s3+s26], $0x400, $0x38;
	[tilespmem:$0x5000] =	vst v63  }
0x1a4: {  	_ =	swait.ge [sflag:s18], $0x400  }
0x1a5: {  	[sflag:s18] =	ssyncset.done $0x0  }
0x1a6: {  	[sflag:s18] =	ssyncadd.s32 $0xFFFFFC00  }
0x1a7: {  	[tilespmem:s20], [sflag:$0x1] =	stream.linear.gather [hbm4b:s5+s26], $0x100, $0x38;
	[tilespmem:$0x5000] =	vst v63  }
0x1a8: {  	_ =	swait.ge [sflag:s18], $0x100  }
0x1a9: {  	[sflag:s18] =	ssyncset.done $0x0  }
0x1aa: {  	[sflag:s18] =	ssyncadd.s32 $0xFFFFFF00  }
0x1ab: {  	[tilespmem:s21], [sflag:$0x1] =	stream.linear.gather [hbm4b:s6+s26], $0x400, $0x38;
	[tilespmem:$0x5000] =	vst v63  }
0x1ac: {  	_ =	swait.ge [sflag:s18], $0x400  }
0x1ad: {  	[sflag:s18] =	ssyncset.done $0x0  }
0x1ae: {  	[sflag:s18] =	ssyncadd.s32 $0xFFFFFC00  }
0x1af: {  	[tilespmem:s22], [sflag:$0x1] =	stream.linear.gather [hbm4b:s7+s26], $0x100, $0x38;
	[tilespmem:$0x5000] =	vst v63  }
0x1b0: {  	_ =	swait.ge [sflag:s18], $0x100  }
0x1b1: {  	[sflag:s18] =	ssyncset.done $0x0  }
0x1b2: {  	[sflag:s18] =	ssyncadd.s32 $0xFFFFFF00  }
0x1b3: {  	[tilespmem:s23], [sflag:$0x1] =	stream.linear.gather [hbm4b:s8+s26], $0x400, $0x38;
	[tilespmem:$0x5000] =	vst v63  }
0x1b4: {  	_ =	swait.ge [sflag:s18], $0x400  }
0x1b5: {  	[sflag:s18] =	ssyncset.done $0x0  }
0x1b6: {  	s28 =	simm.s32 $0x0;
	[sflag:s18] =	ssyncadd.s32 $0xFFFFFC00  }
0x1b7: {  	v3 =	vld [tilespmem:s28+$0x0]  }
0x1b8: {  	v1 =	vld [tilespmem:s28+$0x1000]  }
0x1b9: {  	v0 =	vld [tilespmem:s28+$0x2000];
	_ =	sdelay $0x2  }
0x1ba: {  	s29 =	simm.s32 $0x40;
	s30 =	simm.s32 $0x80;
	v2 =	vmul.f32 v3, v3;
	v3 =	vmul.f32 $-2.000000000e+00, v3  }
.LBB2_10:
0x1bb: {  	p1 =	sne.s32 s30, $0x3C0;
	v4 =	vmul.f32 v1, v1;
	v1 =	vmul.f32 $-2.000000000e+00, v1  }
0x1bc: {  	s31 =	sshra.s32 s29, $0x2;
	s29 =	smov.u32 s30;
	v5 =	vmul.f32 v0, v0;
	[tilespmem:s28+$0x0] =	vst v3;
	v0 =	vmul.f32 $-2.000000000e+00, v0  }
0x1bd: {  	v3 =	vld [tilespmem:s31+$0x0];
	v2 =	vadd.f32 v4, v2;
	[tilespmem:s28+$0x1000] =	vst v1  }
.Ltmp7:
0x1be: {  	v1 =	vld [tilespmem:s31+$0x1000];
	[tilespmem:s28+$0x2000] =	vst v0;
	(pc) =	sbr.rel @p1 .LBB2_10-.Ltmp7, $3  }
0x1bf: {  	v0 =	vld [tilespmem:s31+$0x2000];
	v2 =	vadd.f32 v5, v2;
	_ =	sdelay $0x1  }
0x1c0: {  	[tilespmem:s28+$0x3000] =	vst v2;
	s28 =	smov.u32 s31  }
0x1c1: {  	s30 =	sadd.s32 $0x40, s30;
	v2 =	vmul.f32 v3, v3;
	v3 =	vmul.f32 $-2.000000000e+00, v3  }
0x1c2: {  	v4 =	vmul.f32 $-2.000000000e+00, v1  }
0x1c3: {  	s29 =	sshra.s32 s29, $0x2;
	[tilespmem:s28+$0x0] =	vst v3  }
0x1c4: {  	v5 =	vmul.f32 $-2.000000000e+00, v0;
	v3 =	vld [tilespmem:s29+$0x0];
	[tilespmem:s28+$0x1000] =	vst v4  }
0x1c5: {  	v4 =	vld [tilespmem:s29+$0x1000]  }
0x1c6: {  	v52 =	vmul.f32 v1, v1;
	[tilespmem:s28+$0x2000] =	vst v5  }
0x1c7: {  	v5 =	vld [tilespmem:s29+$0x2000]  }
0x1c8: {  	v56 =	vmul.f32 v0, v0;
	v1 =	vadd.f32 v52, v2;
	_ =	sdelay $0x1  }
0x1c9: {  	v0 =	vadd.f32 v56, v1;
	v57 =	vmul.f32 v3, v3;
	v58 =	vmul.f32 v4, v4  }
0x1ca: {  	v3 =	vmul.f32 $-2.000000000e+00, v3  }
0x1cb: {  	[tilespmem:s28+$0x3000] =	vst v0;
	v59 =	vmul.f32 $-2.000000000e+00, v4;
	v4 =	vmul.f32 v5, v5;
	v1 =	vadd.f32 v58, v57  }
0x1cc: {  	[tilespmem:s29+$0x0] =	vst v3;
	v60 =	vmul.f32 $-2.000000000e+00, v5  }
0x1cd: {  	[tilespmem:s29+$0x1000] =	vst v59;
	v62 =	vadd.f32 v4, v1  }
0x1ce: {  	[tilespmem:s29+$0x2000] =	vst v60  }
0x1cf: {  	[tilespmem:s29+$0x3000] =	vst v62  }
.LBB2_12:
0x1d0: {  	s28 =	simm.s32 $0x0  }
0x1d1: {  	v0 =	vld [tilespmem:s28+$0x3000]  }
0x1d2: {  	v2 =	vld [tilespmem:s28+$0x0]  }
0x1d3: {  	v3 =	vld [tilespmem:s28+$0x1000]  }
0x1d4: {  	v1 =	vld [tilespmem:s28+$0x2000];
	_ =	sdelay $0x2  }
0x1d5: {  	v5 =	vperm.xlane v0, v11;
	v7 =	vperm.xlane v0, v20  }
0x1d6: {  	v8 =	vperm.xlane v0, v18;
	v9 =	vperm.xlane v2, v11  }
0x1d7: {  	v10 =	vperm.xlane v3, v11;
	v11 =	vperm.xlane v1, v11  }
0x1d8: {  	v12 =	vperm.xlane v0, v17;
	v13 =	vperm.xlane v2, v20  }
0x1d9: {  	v14 =	vperm.xlane v3, v20;
	v22 =	vperm.xlane v1, v20  }
0x1da: {  	v23 =	vperm.xlane v0, v16;
	v24 =	vperm.xlane v2, v18  }
0x1db: {  	v27 =	vperm.xlane v0, v15;
	v28 =	vperm.xlane v2, v17  }
0x1dc: {  	v30 =	vperm.xlane v3, v17;
	v32 =	vperm.xlane v1, v17  }
0x1dd: {  	v46 =	vperm.xlane v0, v61;
	v34 =	vperm.xlane v2, v16  }
0x1de: {  	v35 =	vperm.xlane v3, v16;
	v36 =	vperm.xlane v1, v16  }
0x1df: {  	v50 =	vperm.xlane v0, v54;
	v40 =	vperm.xlane v2, v15  }
0x1e0: {  	v38 =	vperm.xlane v3, v15;
	v44 =	vperm.xlane v1, v15  }
0x1e1: {  	v37 =	vperm.xlane v0, v6;
	v4 =	vperm.xlane v0, v19  }
0x1e2: {  	v60 =	vperm.xlane v2, v6;
	v62 =	vperm.xlane v3, v6  }
0x1e3: {  	v15 =	vperm.xlane v3, v19;
	[tilespmem:$0x1FA90] =	vst v4;
	v4 =	vperm.xlane v0, v42  }
0x1e4: {  	s28 =	sshll.u32 s26, $0x5;
	v29 =	vperm.xlane v1, v19;
	v21 =	vperm.xlane v0, v51  }
0x1e5: {  	v16 =	vld [tilespmem:s28+$0x4000];
	[tilespmem:$0x1FAA0] =	vst v4;
	v4 =	vperm.xlane v1, v6;
	v6 =	vperm.xlane v0, v63  }
0x1e6: {  	v17 =	vld [tilespmem:s28+$0x4010];
	v39 =	vperm.xlane v0, v48;
	v43 =	vperm.xlane v2, v53;
	[tilespmem:$0x1FB00] =	vst v21  }
0x1e7: {  	v20 =	vld [tilespmem:s28+$0x4800];
	[tilespmem:$0x1FAC0] =	vst v6;
	v6 =	vperm.xlane v2, v19;
	v19 =	vperm.xlane v0, v53  }
0x1e8: {  	v21 =	vld [tilespmem:s28+$0x4810];
	[tilespmem:$0x1FAB0] =	vst v43;
	v43 =	vperm.xlane v0, v55;
	v0 =	vperm.xlane v2, v51  }
0x1e9: {  	v25 =	vperm.xlane v3, v18;
	v26 =	vperm.xlane v1, v18;
	v18 =	vld [tilespmem:s28+$0x4400];
	[tilespmem:$0x1FAD0] =	vst v19  }
0x1ea: {  	v47 =	vperm.xlane v2, v61;
	v19 =	vld [tilespmem:s28+$0x4410];
	[tilespmem:$0x1FAE0] =	vst v0;
	v0 =	vperm.xlane v2, v48  }
0x1eb: {  	v56 =	vperm.xlane v2, v54;
	v31 =	vperm.xlane v2, v42  }
0x1ec: {  	v45 =	vmul.f32 v11, v20;
	[tilespmem:$0x1FAF0] =	vst v0;
	v0 =	vperm.xlane v2, v55  }
0x1ed: {  	v57 =	vperm.xlane v2, v63;
	[tilespmem:$0x1F8F0] =	vst v39;
	v11 =	vmul.f32 v11, v21  }
0x1ee: {  	v39 =	vadd.f32 v5, v45;
	v2 =	vmul.f32 v10, v18;
	[tilespmem:$0x1FB10] =	vst v0;
	v0 =	vmul.f32 v9, v16  }
0x1ef: {  	v5 =	vadd.f32 v5, v11;
	v9 =	vmul.f32 v9, v17;
	v10 =	vmul.f32 v10, v19  }
0x1f0: {  	v0 =	vadd.f32 v2, v0  }
0x1f1: {  	[tilespmem:$0x1F920] =	vst v5;
	v2 =	vadd.f32 v10, v9  }
0x1f2: {  	v5 =	vmul.f32 v22, v20;
	[tilespmem:$0x1F900] =	vst v0  }
0x1f3: {  	v0 =	vmul.f32 v13, v16;
	[tilespmem:$0x1F910] =	vst v2;
	v2 =	vmul.f32 v14, v18  }
0x1f4: {  	v5 =	vadd.f32 v7, v5;
	v9 =	vmul.f32 v13, v17;
	v10 =	vmul.f32 v14, v19  }
0x1f5: {  	v11 =	vmul.f32 v22, v21;
	v0 =	vadd.f32 v2, v0  }
0x1f6: {  	[tilespmem:$0x1F950] =	vst v5;
	v2 =	vadd.f32 v10, v9  }
0x1f7: {  	v7 =	vadd.f32 v7, v11;
	v5 =	vmul.f32 v26, v20;
	[tilespmem:$0x1F930] =	vst v0  }
0x1f8: {  	v0 =	vmul.f32 v24, v16;
	[tilespmem:$0x1F940] =	vst v2;
	v2 =	vmul.f32 v25, v18  }
0x1f9: {  	[tilespmem:$0x1F960] =	vst v7;
	v7 =	vmul.f32 v24, v17;
	v5 =	vadd.f32 v8, v5;
	v9 =	vmul.f32 v25, v19  }
0x1fa: {  	v0 =	vadd.f32 v2, v0  }
0x1fb: {  	v10 =	vmul.f32 v26, v21;
	[tilespmem:$0x1F990] =	vst v5;
	v2 =	vadd.f32 v9, v7  }
0x1fc: {  	[tilespmem:$0x1F970] =	vst v0  }
0x1fd: {  	v5 =	vadd.f32 v8, v10;
	v0 =	vmul.f32 v28, v16;
	[tilespmem:$0x1F980] =	vst v2;
	v2 =	vmul.f32 v30, v18  }
0x1fe: {  	v7 =	vmul.f32 v28, v17;
	v9 =	vmul.f32 v30, v19  }
0x1ff: {  	[tilespmem:$0x1F9A0] =	vst v5;
	v5 =	vmul.f32 v32, v20;
	v0 =	vadd.f32 v2, v0  }
0x200: {  	v2 =	vadd.f32 v9, v7  }
0x201: {  	v49 =	vperm.xlane v3, v61;
	v8 =	vmul.f32 v32, v21;
	v5 =	vadd.f32 v12, v5;
	[tilespmem:$0x1F9B0] =	vst v0  }
0x202: {  	v0 =	vmul.f32 v34, v16;
	[tilespmem:$0x1F9C0] =	vst v2;
	v2 =	vmul.f32 v35, v18  }
0x203: {  	v7 =	vmul.f32 v34, v17;
	v9 =	vmul.f32 v35, v19;
	[tilespmem:$0x1F9D0] =	vst v5;
	v5 =	vadd.f32 v12, v8  }
0x204: {  	v58 =	vperm.xlane v3, v54;
	v8 =	vmul.f32 v36, v21;
	v0 =	vadd.f32 v2, v0  }
0x205: {  	v52 =	vperm.xlane v1, v61;
	[tilespmem:$0x1F9E0] =	vst v5;
	v5 =	vmul.f32 v36, v20;
	v2 =	vadd.f32 v9, v7  }
0x206: {  	v59 =	vperm.xlane v1, v54;
	v11 =	vmul.f32 v58, v19;
	v7 =	vadd.f32 v23, v8;
	[tilespmem:$0x1F9F0] =	vst v0  }
0x207: {  	v5 =	vadd.f32 v23, v5;
	v0 =	vmul.f32 v40, v16;
	[tilespmem:$0x1FA00] =	vst v2;
	v2 =	vmul.f32 v38, v18  }
0x208: {  	v8 =	vmul.f32 v38, v19;
	[tilespmem:$0x1FA20] =	vst v7;
	v7 =	vmul.f32 v40, v17  }
0x209: {  	v13 =	vmul.f32 v6, v16;
	[tilespmem:$0x1FA10] =	vst v5;
	v5 =	vmul.f32 v44, v20;
	v0 =	vadd.f32 v2, v0  }
0x20a: {  	v6 =	vmul.f32 v6, v17;
	v14 =	vmul.f32 v29, v20;
	v2 =	vadd.f32 v8, v7  }
0x20b: {  	v10 =	vmul.f32 v56, v16;
	v9 =	vmul.f32 v44, v21;
	v5 =	vadd.f32 v27, v5;
	[tilespmem:$0x1FA30] =	vst v0  }
0x20c: {  	v7 =	vmul.f32 v47, v17;
	v8 =	vmul.f32 v49, v19;
	[tilespmem:$0x1FA40] =	vst v2  }
0x20d: {  	v0 =	vmul.f32 v47, v16;
	v2 =	vmul.f32 v49, v18;
	[tilespmem:$0x1FA50] =	vst v5;
	v5 =	vadd.f32 v27, v9  }
0x20e: {  	v12 =	vmul.f32 v59, v21;
	v9 =	vmul.f32 v52, v21  }
0x20f: {  	[tilespmem:$0x1FA60] =	vst v5;
	v5 =	vmul.f32 v52, v20;
	v45 =	vadd.f32 v2, v0;
	v0 =	vadd.f32 v8, v7  }
0x210: {  	v41 =	vadd.f32 v50, v12;
	v12 =	vmul.f32 v62, v19;
	v7 =	vmul.f32 v58, v18  }
0x211: {  	v8 =	vmul.f32 v56, v17;
	[tilespmem:$0x1FA70] =	vst v0;
	v40 =	vadd.f32 v46, v5;
	v0 =	vadd.f32 v46, v9  }
0x212: {  	v9 =	vmul.f32 v59, v20;
	v5 =	vadd.f32 v7, v10;
	v10 =	vmul.f32 v60, v16  }
0x213: {  	v47 =	vadd.f32 v11, v8;
	v8 =	vmul.f32 v62, v18;
	v11 =	vmul.f32 v60, v17;
	[tilespmem:$0x1FA80] =	vst v0;
	v0 =	vld [tilespmem:$0x1FA90]  }
0x214: {  	v7 =	vadd.f32 v50, v9;
	v9 =	vmul.f32 v4, v20;
	v4 =	vmul.f32 v4, v21  }
0x215: {  	v8 =	vadd.f32 v8, v10;
	v52 =	vadd.f32 v12, v11;
	v12 =	vmul.f32 v15, v19  }
0x216: {  	v10 =	vadd.f32 v37, v9;
	v37 =	vadd.f32 v37, v4;
	v4 =	vmul.f32 v29, v21  }
0x217: {  	v33 =	vperm.xlane v3, v42;
	v22 =	vperm.xlane v1, v42;
	v62 =	vadd.f32 v12, v6  }
0x218: {  	v26 =	vperm.xlane v3, v51;
	v12 =	vadd.f32 v0, v14;
	v60 =	vadd.f32 v0, v4;
	v0 =	vld [tilespmem:$0x1FAA0]  }
0x219: {  	v24 =	vperm.xlane v3, v53;
	v23 =	vperm.xlane v3, v63  }
0x21a: {  	v2 =	vperm.xlane v3, v55;
	v29 =	vperm.xlane v3, v48  }
0x21b: {  	v3 =	vmul.f32 v22, v20;
	v4 =	vmul.f32 v22, v21;
	_ =	sdelay $0x1  }
0x21c: {  	v11 =	vmul.f32 v15, v18;
	v14 =	vadd.f32 v0, v3;
	v59 =	vadd.f32 v0, v4;
	v0 =	vld [tilespmem:$0x1FAB0];
	_ =	sdelay $0x1  }
0x21d: {  	v9 =	vadd.f32 v11, v13;
	v13 =	vmul.f32 v31, v17;
	v6 =	vmul.f32 v33, v19  }
0x21e: {  	v15 =	vmul.f32 v31, v16;
	v11 =	vmul.f32 v33, v18  }
0x21f: {  	v6 =	vadd.f32 v6, v13;
	v13 =	vmul.f32 v23, v18;
	v22 =	vmul.f32 v23, v19  }
0x220: {  	v23 =	vmul.f32 v0, v16;
	v25 =	vmul.f32 v0, v17;
	v0 =	vld [tilespmem:$0x1FAC0]  }
0x221: {  	v11 =	vadd.f32 v11, v15;
	v15 =	vperm.xlane v1, v63;
	v3 =	vmul.f32 v57, v16  }
0x222: {  	v4 =	vmul.f32 v57, v17  }
0x223: {  	v13 =	vadd.f32 v13, v3;
	v3 =	vmul.f32 v15, v20;
	v15 =	vmul.f32 v15, v21  }
0x224: {  	v38 =	vperm.xlane v1, v55;
	v4 =	vadd.f32 v22, v4  }
0x225: {  	v27 =	vmul.f32 v24, v18;
	v22 =	vadd.f32 v0, v3;
	v58 =	vadd.f32 v0, v15;
	v0 =	vld [tilespmem:$0x1FAD0]  }
0x226: {  	v63 =	vperm.xlane v1, v48;
	v3 =	vperm.xlane v1, v53  }
0x227: {  	v15 =	vmul.f32 v24, v19;
	v24 =	vperm.xlane v1, v51  }
0x228: {  	v23 =	vadd.f32 v27, v23;
	v27 =	vmul.f32 v3, v20;
	v1 =	vmul.f32 v3, v21  }
0x229: {  	v15 =	vadd.f32 v15, v25  }
0x22a: {  	v25 =	vadd.f32 v0, v27;
	v57 =	vadd.f32 v0, v1;
	v0 =	vld [tilespmem:$0x1FAF0]  }
0x22b: {  	v28 =	vld [tilespmem:$0x1FAE0];
	_ =	sdelay $0x3  }
0x22c: {  	v30 =	vmul.f32 v0, v16;
	v32 =	vmul.f32 v0, v17;
	v0 =	vld [tilespmem:$0x1FB00]  }
0x22d: {  	v3 =	vmul.f32 v28, v16;
	v27 =	vmul.f32 v26, v18  }
0x22e: {  	v1 =	vmul.f32 v28, v17  }
0x22f: {  	v28 =	vadd.f32 v27, v3;
	v3 =	vmul.f32 v24, v20;
	v24 =	vmul.f32 v24, v21  }
0x230: {  	v31 =	vmul.f32 v29, v18  }
0x231: {  	v34 =	vmul.f32 v29, v19;
	v29 =	vadd.f32 v0, v3;
	v56 =	vadd.f32 v0, v24;
	v0 =	vld [tilespmem:$0x1FB10];
	_ =	sdelay $0x1  }
0x232: {  	v36 =	vmul.f32 v38, v20  }
0x233: {  	v44 =	vimm.f32 $+Inf;
	v33 =	vmul.f32 v63, v20;
	v26 =	vmul.f32 v26, v19  }
0x234: {  	v49 =	vimm.f32 $+Inf;
	v3 =	vmul.f32 v63, v21;
	v24 =	vmul.f32 v2, v18  }
0x235: {  	s30 =	simm.s32 $0x40;
	s29 =	sor.u32 $0x10, s28;
	v27 =	vadd.f32 v26, v1;
	v35 =	vmul.f32 v0, v16;
	v26 =	vmul.f32 v0, v17  }
.LBB2_13:
0x236: {  	v0 =	vld [tilespmem:$0x1F8F0];
	_ =	sdelay $0x3  }
0x237: {  	v46 =	vmul.f32 v2, v19;
	v2 =	vld [tilespmem:$0x1F950];
	v30 =	vadd.f32 v31, v30;
	v32 =	vadd.f32 v34, v32  }
0x238: {  	v31 =	vadd.f32 v0, v33;
	v34 =	vadd.f32 v0, v3;
	v0 =	vld [tilespmem:$0x1F930];
	_ =	sdelay $0x3  }
0x239: {  	v53 =	vld [tilespmem:$0x1F9D0];
	v24 =	vadd.f32 v24, v35  }
0x23a: {  	v35 =	vadd.f32 v43, v36;
	v36 =	vadd.f32 v2, v0;
	v2 =	vld [tilespmem:$0x1F9B0]  }
0x23b: {  	s31 =	sshra.s32 s30, $0x2  }
0x23c: {  	v1 =	vld [tilespmem:s31+$0x3000];
	_ =	sdelay $0x1  }
0x23d: {  	v63 =	vld [tilespmem:$0x1F990]  }
0x23e: {  	v26 =	vadd.f32 v46, v26;
	v46 =	vadd.f32 v53, v2;
	v2 =	vld [tilespmem:$0x1F970]  }
0x23f: {  	v53 =	vadd.f32 v40, v45;
	v45 =	vimm.s32 $0xE  }
0x240: {  	v5 =	vadd.f32 v7, v5;
	v9 =	vadd.f32 v12, v9;
	v7 =	vperm.xlane v1, v45  }
0x241: {  	v51 =	vmul.f32 v38, v21;
	v8 =	vadd.f32 v10, v8;
	v11 =	vadd.f32 v14, v11  }
0x242: {  	v42 =	vld [tilespmem:$0x1FA50];
	v12 =	vadd.f32 v29, v28;
	v15 =	vadd.f32 v57, v15;
	[tilespmem:$0x1F690] =	vst v7;
	v7 =	vimm.s32 $0xD  }
0x243: {  	v33 =	vadd.f32 v43, v51;
	v10 =	vperm.xlane v1, v7;
	v48 =	vadd.f32 v63, v2;
	v2 =	vld [tilespmem:$0x1FA30]  }
0x244: {  	v14 =	vadd.f32 v35, v24;
	v24 =	vadd.f32 v34, v32  }
0x245: {  	[tilespmem:$0x1F700] =	vst v10;
	v10 =	vadd.f32 v22, v13;
	v22 =	vadd.f32 v33, v26  }
0x246: {  	v0 =	vld [tilespmem:$0x1F900];
	v13 =	vadd.f32 v25, v23;
	v23 =	vadd.f32 v31, v30  }
0x247: {  	v43 =	vld [tilespmem:$0x1FA10];
	v14 =	vmin.f32 v44, v14;
	v25 =	vadd.f32 v56, v27;
	v22 =	vmin.f32 v49, v22  }
0x248: {  	v14 =	vmin.f32 v14, v23;
	v22 =	vmin.f32 v22, v24;
	v50 =	vadd.f32 v42, v2;
	v2 =	vld [tilespmem:$0x1F9F0]  }
0x249: {  	v38 =	vld [tilespmem:s31+$0x1000];
	v4 =	vadd.f32 v58, v4;
	v12 =	vmin.f32 v14, v12;
	v14 =	vmin.f32 v22, v25  }
0x24a: {  	v6 =	vadd.f32 v59, v6;
	v3 =	vld [tilespmem:s31+$0x0];
	v12 =	vmin.f32 v12, v13;
	v13 =	vmin.f32 v14, v15  }
0x24b: {  	v0 =	vadd.f32 v39, v0;
	v39 =	vld [tilespmem:s31+$0x2000];
	v4 =	vmin.f32 v13, v4  }
0x24c: {  	v10 =	vmin.f32 v12, v10;
	v12 =	vadd.f32 v60, v62;
	v4 =	vmin.f32 v4, v6  }
0x24d: {  	v6 =	vadd.f32 v37, v52;
	v51 =	vadd.f32 v43, v2;
	v2 =	vimm.s32 $0xF  }
0x24e: {  	v4 =	vmin.f32 v4, v12;
	v42 =	vperm.xlane v1, v2  }
0x24f: {  	v4 =	vmin.f32 v4, v6;
	v6 =	vld [tilespmem:$0x1FA80];
	v43 =	vperm.xlane v38, v2  }
0x250: {  	v35 =	vperm.xlane v39, v2;
	[tilespmem:$0x1F630] =	vst v42;
	v42 =	vperm.xlane v3, v2;
	v2 =	vld [tilespmem:$0x1FA70]  }
0x251: {  	v10 =	vmin.f32 v10, v11  }
0x252: {  	v9 =	vmin.f32 v10, v9  }
0x253: {  	v8 =	vmin.f32 v9, v8  }
0x254: {  	v5 =	vmin.f32 v8, v5;
	v8 =	vld [tilespmem:$0x1FA60]  }
0x255: {  	v6 =	vadd.f32 v6, v2;
	v2 =	vld [tilespmem:$0x1FA40]  }
0x256: {  	v10 =	vadd.f32 v41, v47;
	_ =	sdelay $0x1  }
0x257: {  	v4 =	vmin.f32 v4, v10  }
0x258: {  	v4 =	vmin.f32 v4, v6;
	v6 =	vld [tilespmem:$0x1FA20]  }
0x259: {  	v8 =	vadd.f32 v8, v2;
	v2 =	vld [tilespmem:$0x1FA00];
	_ =	sdelay $0x3  }
0x25a: {  	v4 =	vmin.f32 v4, v8;
	v8 =	vld [tilespmem:$0x1F9E0]  }
0x25b: {  	v6 =	vadd.f32 v6, v2;
	v2 =	vld [tilespmem:$0x1F9C0];
	_ =	sdelay $0x3  }
0x25c: {  	v4 =	vmin.f32 v4, v6;
	v6 =	vld [tilespmem:$0x1F9A0]  }
0x25d: {  	v8 =	vadd.f32 v8, v2;
	v2 =	vld [tilespmem:$0x1F980];
	_ =	sdelay $0x3  }
0x25e: {  	v4 =	vmin.f32 v4, v8;
	v8 =	vld [tilespmem:$0x1F960]  }
0x25f: {  	v6 =	vadd.f32 v6, v2;
	v2 =	vld [tilespmem:$0x1F940];
	_ =	sdelay $0x3  }
0x260: {  	v4 =	vmin.f32 v4, v6;
	v6 =	vld [tilespmem:$0x1F920]  }
0x261: {  	v5 =	vmin.f32 v5, v53;
	v8 =	vadd.f32 v8, v2;
	v2 =	vld [tilespmem:$0x1F910]  }
0x262: {  	v5 =	vmin.f32 v5, v50  }
0x263: {  	v5 =	vmin.f32 v5, v51  }
0x264: {  	v5 =	vmin.f32 v5, v46  }
0x265: {  	v26 =	vperm.xlane v38, v7;
	v27 =	vperm.xlane v39, v7;
	v5 =	vmin.f32 v5, v48  }
0x266: {  	v23 =	vperm.xlane v38, v45;
	v5 =	vmin.f32 v5, v36;
	v6 =	vadd.f32 v6, v2  }
0x267: {  	v0 =	vmin.f32 v5, v0;
	v4 =	vmin.f32 v4, v8;
	v2 =	vimm.s32 $0xC  }
0x268: {  	[tilespmem:$0x1F8A0] =	vst v0;
	v9 =	vperm.xlane v1, v2;
	v28 =	vperm.xlane v3, v2;
	v0 =	vmin.f32 v4, v6  }
0x269: {  	v29 =	vperm.xlane v38, v2;
	v30 =	vperm.xlane v39, v2;
	[tilespmem:$0x1F8C0] =	vst v0;
	v0 =	vimm.s32 $0xB  }
0x26a: {  	v2 =	vperm.xlane v1, v61;
	v4 =	vperm.xlane v1, v0  }
0x26b: {  	v31 =	vperm.xlane v3, v0;
	v32 =	vperm.xlane v38, v0  }
0x26c: {  	[tilespmem:$0x1F7D0] =	vst v2;
	v34 =	vperm.xlane v39, v0;
	v0 =	vperm.xlane v1, v54  }
0x26d: {  	v24 =	vperm.xlane v39, v45;
	v22 =	vperm.xlane v3, v45;
	v2 =	vimm.s32 $0x7;
	[tilespmem:$0x1F7A0] =	vst v4  }
0x26e: {  	v25 =	vperm.xlane v3, v7;
	v4 =	vimm.s32 $0xA;
	[tilespmem:$0x1F800] =	vst v0;
	v0 =	vperm.xlane v1, v2  }
0x26f: {  	v5 =	vperm.xlane v1, v4;
	v36 =	vperm.xlane v3, v4  }
0x270: {  	v40 =	vperm.xlane v38, v4;
	v45 =	vperm.xlane v39, v4;
	v4 =	vimm.s32 $0x6  }
0x271: {  	v7 =	vimm.s32 $0x5;
	v10 =	vimm.s32 $0x2;
	[tilespmem:$0x1F810] =	vst v0;
	v0 =	vperm.xlane v1, v4  }
0x272: {  	v52 =	vperm.xlane v3, v54;
	v8 =	vimm.s32 $0x4;
	[tilespmem:$0x1F750] =	vst v9;
	v9 =	vperm.xlane v1, v10  }
0x273: {  	v53 =	vperm.xlane v38, v54;
	v15 =	vperm.xlane v3, v8;
	[tilespmem:$0x1F830] =	vst v0;
	v0 =	vimm.s32 $0x8  }
0x274: {  	[tilespmem:$0x1F8D0] =	vst v9;
	v54 =	vperm.xlane v39, v0;
	v0 =	vperm.xlane v1, v7  }
0x275: {  	v11 =	vimm.s32 $0x3;
	v14 =	vperm.xlane v38, v8;
	v13 =	vperm.xlane v39, v8;
	[tilespmem:$0x1F7B0] =	vst v5  }
0x276: {  	v9 =	vimm.s32 $0x1;
	v5 =	vperm.xlane v1, v11;
	[tilespmem:$0x1F860] =	vst v0;
	v0 =	vperm.xlane v1, v8  }
0x277: {  	v8 =	vperm.xlane v1, v9;
	v1 =	vperm.xlane v1, v55;
	_ =	sdelay $0x1  }
0x278: {  	[tilespmem:$0x1F8E0] =	vst v1;
	v1 =	vperm.xlane v3, v10;
	_ =	sdelay $0x1  }
0x279: {  	[tilespmem:$0x1F7C0] =	vst v1;
	v1 =	vperm.xlane v38, v10;
	_ =	sdelay $0x1  }
0x27a: {  	[tilespmem:$0x1F7E0] =	vst v1;
	v1 =	vperm.xlane v39, v10;
	_ =	sdelay $0x1  }
0x27b: {  	[tilespmem:$0x1F7F0] =	vst v1;
	v1 =	vperm.xlane v3, v9;
	_ =	sdelay $0x1  }
0x27c: {  	[tilespmem:$0x1F820] =	vst v1;
	v1 =	vperm.xlane v38, v9;
	_ =	sdelay $0x1  }
0x27d: {  	[tilespmem:$0x1F840] =	vst v1;
	v1 =	vperm.xlane v3, v55;
	_ =	sdelay $0x1  }
0x27e: {  	[tilespmem:$0x1F890] =	vst v1;
	v1 =	vperm.xlane v39, v9;
	_ =	sdelay $0x1  }
0x27f: {  	[tilespmem:$0x1F850] =	vst v1;
	v1 =	vperm.xlane v38, v55;
	_ =	sdelay $0x1  }
0x280: {  	[tilespmem:$0x1F870] =	vst v1;
	v1 =	vmul.f32 v43, v18;
	_ =	sdelay $0x1  }
0x281: {  	[tilespmem:$0x1F620] =	vst v1;
	v1 =	vmul.f32 v35, v20;
	_ =	sdelay $0x1  }
0x282: {  	[tilespmem:$0x1F640] =	vst v1;
	v1 =	vmul.f32 v43, v19;
	_ =	sdelay $0x1  }
0x283: {  	[tilespmem:$0x1F650] =	vst v1;
	v1 =	vmul.f32 v35, v21;
	_ =	sdelay $0x1  }
0x284: {  	[tilespmem:$0x1F660] =	vst v1;
	v1 =	vmul.f32 v22, v16;
	_ =	sdelay $0x1  }
0x285: {  	[tilespmem:$0x1F670] =	vst v1;
	v1 =	vmul.f32 v23, v18;
	_ =	sdelay $0x1  }
0x286: {  	[tilespmem:$0x1F680] =	vst v1;
	v1 =	vmul.f32 v24, v20;
	_ =	sdelay $0x1  }
0x287: {  	[tilespmem:$0x1F6A0] =	vst v1;
	v1 =	vmul.f32 v22, v17;
	_ =	sdelay $0x1  }
0x288: {  	[tilespmem:$0x1F6B0] =	vst v1;
	v1 =	vmul.f32 v23, v19;
	_ =	sdelay $0x1  }
0x289: {  	[tilespmem:$0x1F6C0] =	vst v1;
	v1 =	vmul.f32 v24, v21  }
0x28a: {  	v58 =	vmul.f32 v27, v20;
	v57 =	vmul.f32 v27, v21  }
0x28b: {  	v47 =	vperm.xlane v3, v61;
	[tilespmem:$0x1F6D0] =	vst v1;
	v1 =	vmul.f32 v25, v16  }
0x28c: {  	v51 =	vperm.xlane v39, v61;
	v48 =	vperm.xlane v38, v61  }
0x28d: {  	v50 =	vmul.f32 v42, v17;
	[tilespmem:$0x1F6E0] =	vst v1;
	v1 =	vmul.f32 v26, v18  }
0x28e: {  	v6 =	vperm.xlane v38, v7;
	v61 =	vperm.xlane v3, v2  }
0x28f: {  	v62 =	vperm.xlane v38, v2;
	[tilespmem:$0x1F6F0] =	vst v1;
	v1 =	vmul.f32 v25, v17  }
0x290: {  	v63 =	vperm.xlane v39, v2;
	[tilespmem:$0x1F8B0] =	vst v5;
	v5 =	vperm.xlane v3, v7  }
0x291: {  	v2 =	vperm.xlane v38, v4;
	[tilespmem:$0x1F710] =	vst v1;
	v1 =	vmul.f32 v26, v19  }
0x292: {  	[tilespmem:$0x1F880] =	vst v0;
	v0 =	vperm.xlane v3, v4;
	v24 =	vmul.f32 v5, v17  }
0x293: {  	v25 =	vmul.f32 v5, v16;
	v5 =	vld [tilespmem:$0x1F650];
	[tilespmem:$0x1F720] =	vst v1;
	v1 =	vmul.f32 v28, v16  }
0x294: {  	[tilespmem:$0x1F8F0] =	vst v8;
	v8 =	vperm.xlane v38, v11;
	v27 =	vmul.f32 v0, v16  }
0x295: {  	v26 =	vmul.f32 v0, v17;
	v0 =	vld [tilespmem:$0x1F620];
	[tilespmem:$0x1F730] =	vst v1;
	v1 =	vmul.f32 v29, v18  }
0x296: {  	v7 =	vperm.xlane v39, v7;
	v4 =	vperm.xlane v39, v4;
	[tilespmem:$0x1F760] =	vst v8  }
0x297: {  	v8 =	vperm.xlane v39, v11;
	[tilespmem:$0x1F740] =	vst v1;
	v1 =	vmul.f32 v28, v17  }
0x298: {  	v38 =	vperm.xlane v39, v55;
	v39 =	vmul.f32 v42, v16;
	v5 =	vadd.f32 v5, v50  }
0x299: {  	[tilespmem:$0x1F770] =	vst v1;
	v1 =	vmul.f32 v31, v16  }
0x29a: {  	v12 =	vmul.f32 v2, v18;
	v23 =	vmul.f32 v2, v19;
	v0 =	vadd.f32 v0, v39;
	[tilespmem:$0x1F910] =	vst v5;
	v5 =	vld [tilespmem:$0x1F660]  }
0x29b: {  	v2 =	vmul.f32 v7, v20;
	[tilespmem:$0x1F790] =	vst v1;
	v1 =	vmul.f32 v7, v21;
	v7 =	vld [tilespmem:$0x1F630]  }
0x29c: {  	[tilespmem:$0x1F900] =	vst v0;
	v0 =	vld [tilespmem:$0x1F640];
	_ =	sdelay $0x3  }
0x29d: {  	v5 =	vadd.f32 v7, v5  }
0x29e: {  	v35 =	vadd.f32 v7, v0;
	v7 =	vld [tilespmem:$0x1F680]  }
0x29f: {  	[tilespmem:$0x1F920] =	vst v5;
	v5 =	vld [tilespmem:$0x1F670];
	_ =	sdelay $0x4  }
0x2a0: {  	v5 =	vadd.f32 v7, v5  }
0x2a1: {  	v7 =	vld [tilespmem:$0x1F690]  }
0x2a2: {  	[tilespmem:$0x1F930] =	vst v5;
	v5 =	vld [tilespmem:$0x1F6A0];
	_ =	sdelay $0x4  }
0x2a3: {  	v5 =	vadd.f32 v7, v5  }
0x2a4: {  	v39 =	vld [tilespmem:$0x1F6C0]  }
0x2a5: {  	[tilespmem:$0x1F950] =	vst v5;
	v5 =	vld [tilespmem:$0x1F6B0];
	_ =	sdelay $0x4  }
0x2a6: {  	v5 =	vadd.f32 v39, v5;
	_ =	sdelay $0x1  }
0x2a7: {  	[tilespmem:$0x1F940] =	vst v5;
	v5 =	vld [tilespmem:$0x1F6D0];
	_ =	sdelay $0x4  }
0x2a8: {  	v5 =	vadd.f32 v7, v5  }
0x2a9: {  	v7 =	vld [tilespmem:$0x1F6F0]  }
0x2aa: {  	[tilespmem:$0x1F960] =	vst v5;
	v5 =	vld [tilespmem:$0x1F6E0];
	_ =	sdelay $0x4  }
0x2ab: {  	v5 =	vadd.f32 v7, v5;
	v7 =	vld [tilespmem:$0x1F700];
	_ =	sdelay $0x4  }
0x2ac: {  	[tilespmem:$0x1F970] =	vst v5;
	v5 =	vadd.f32 v7, v58  }
0x2ad: {  	v50 =	vmul.f32 v13, v20;
	v58 =	vmul.f32 v13, v21;
	v13 =	vld [tilespmem:$0x1F720]  }
0x2ae: {  	[tilespmem:$0x1F990] =	vst v5;
	v5 =	vld [tilespmem:$0x1F710];
	_ =	sdelay $0x4  }
0x2af: {  	v5 =	vadd.f32 v13, v5;
	_ =	sdelay $0x1  }
0x2b0: {  	[tilespmem:$0x1F980] =	vst v5;
	v5 =	vadd.f32 v7, v57  }
0x2b1: {  	v7 =	vld [tilespmem:$0x1F740]  }
0x2b2: {  	[tilespmem:$0x1F9A0] =	vst v5;
	v5 =	vld [tilespmem:$0x1F730];
	_ =	sdelay $0x4  }
0x2b3: {  	v5 =	vadd.f32 v7, v5;
	v7 =	vld [tilespmem:$0x1F750];
	_ =	sdelay $0x2  }
0x2b4: {  	v44 =	vmul.f32 v30, v20;
	_ =	sdelay $0x1  }
0x2b5: {  	[tilespmem:$0x1F9B0] =	vst v5;
	v5 =	vadd.f32 v7, v44;
	_ =	sdelay $0x1  }
0x2b6: {  	[tilespmem:$0x1F9D0] =	vst v5;
	v5 =	vld [tilespmem:$0x1F770];
	_ =	sdelay $0x2  }
0x2b7: {  	v59 =	vmul.f32 v29, v19;
	_ =	sdelay $0x1  }
0x2b8: {  	v49 =	vmul.f32 v30, v21;
	v5 =	vadd.f32 v59, v5;
	_ =	sdelay $0x1  }
0x2b9: {  	[tilespmem:$0x1F9C0] =	vst v5;
	v5 =	vadd.f32 v7, v49;
	_ =	sdelay $0x1  }
0x2ba: {  	[tilespmem:$0x1F9E0] =	vst v5;
	v5 =	vld [tilespmem:$0x1F790];
	_ =	sdelay $0x1  }
0x2bb: {  	v7 =	vld [tilespmem:$0x1F7A0]  }
0x2bc: {  	v56 =	vmul.f32 v32, v18;
	_ =	sdelay $0x1  }
0x2bd: {  	v46 =	vmul.f32 v34, v20;
	v5 =	vadd.f32 v56, v5;
	_ =	sdelay $0x1  }
0x2be: {  	v60 =	vmul.f32 v31, v17;
	v32 =	vmul.f32 v32, v19;
	[tilespmem:$0x1F9F0] =	vst v5;
	v5 =	vadd.f32 v7, v46;
	_ =	sdelay $0x1  }
0x2bf: {  	v34 =	vmul.f32 v34, v21;
	[tilespmem:$0x1FA10] =	vst v5;
	v5 =	vadd.f32 v32, v60;
	_ =	sdelay $0x1  }
0x2c0: {  	[tilespmem:$0x1FA00] =	vst v5;
	v5 =	vadd.f32 v7, v34;
	v7 =	vld [tilespmem:$0x1F7B0]  }
0x2c1: {  	v28 =	vmul.f32 v40, v18;
	v31 =	vmul.f32 v36, v16;
	_ =	sdelay $0x1  }
0x2c2: {  	v55 =	vmul.f32 v45, v20;
	[tilespmem:$0x1FA20] =	vst v5;
	v5 =	vadd.f32 v28, v31  }
0x2c3: {  	[tilespmem:$0x1F780] =	vst v8  }
0x2c4: {  	v40 =	vmul.f32 v40, v19;
	v36 =	vmul.f32 v36, v17;
	v13 =	vld [tilespmem:$0x1F780];
	[tilespmem:$0x1FA30] =	vst v5;
	v5 =	vadd.f32 v7, v55;
	_ =	sdelay $0x1  }
0x2c5: {  	v45 =	vmul.f32 v45, v21;
	[tilespmem:$0x1FA50] =	vst v5;
	v5 =	vadd.f32 v40, v36  }
0x2c6: {  	v30 =	vmul.f32 v48, v18;
	v48 =	vmul.f32 v48, v19  }
0x2c7: {  	v29 =	vmul.f32 v47, v16;
	v47 =	vmul.f32 v47, v17;
	[tilespmem:$0x1FA40] =	vst v5;
	v5 =	vadd.f32 v7, v45;
	v7 =	vld [tilespmem:$0x1F7D0]  }
0x2c8: {  	v49 =	vmul.f32 v13, v20;
	v28 =	vmul.f32 v13, v21;
	v13 =	vld [tilespmem:$0x1F800];
	_ =	sdelay $0x1  }
0x2c9: {  	v41 =	vmul.f32 v51, v20;
	v51 =	vmul.f32 v51, v21;
	[tilespmem:$0x1FA60] =	vst v5;
	v5 =	vadd.f32 v48, v47  }
0x2ca: {  	v37 =	vmul.f32 v54, v20;
	v54 =	vmul.f32 v54, v21  }
0x2cb: {  	[tilespmem:$0x1FA70] =	vst v5;
	v40 =	vadd.f32 v7, v41;
	v5 =	vadd.f32 v7, v51  }
0x2cc: {  	v7 =	vadd.f32 v13, v37;
	v41 =	vadd.f32 v13, v54;
	v13 =	vld [tilespmem:$0x1F810]  }
0x2cd: {  	v33 =	vperm.xlane v3, v11  }
0x2ce: {  	v10 =	vmul.f32 v61, v16;
	v8 =	vmul.f32 v62, v18  }
0x2cf: {  	v9 =	vmul.f32 v63, v20;
	v63 =	vmul.f32 v63, v21  }
0x2d0: {  	v8 =	vadd.f32 v8, v10;
	v0 =	vmul.f32 v14, v18;
	v39 =	vmul.f32 v14, v19;
	v14 =	vld [tilespmem:$0x1F760]  }
0x2d1: {  	v11 =	vmul.f32 v4, v20;
	v10 =	vadd.f32 v13, v9;
	v37 =	vadd.f32 v13, v63;
	v13 =	vld [tilespmem:$0x1F830]  }
0x2d2: {  	v4 =	vmul.f32 v4, v21;
	v61 =	vmul.f32 v61, v17  }
0x2d3: {  	v62 =	vmul.f32 v62, v19;
	v3 =	vmul.f32 v6, v18  }
0x2d4: {  	v6 =	vmul.f32 v6, v19;
	v22 =	vmul.f32 v15, v16;
	v59 =	vld [tilespmem:$0x1F820]  }
0x2d5: {  	v44 =	vmul.f32 v14, v18;
	v56 =	vmul.f32 v14, v19;
	v14 =	vld [tilespmem:$0x1F7F0]  }
0x2d6: {  	v42 =	vmul.f32 v52, v16;
	v31 =	vld [tilespmem:$0x1F7C0];
	v9 =	vadd.f32 v12, v27;
	v12 =	vadd.f32 v13, v11  }
0x2d7: {  	v52 =	vmul.f32 v52, v17;
	v60 =	vadd.f32 v13, v4;
	v13 =	vadd.f32 v0, v22;
	v0 =	vld [tilespmem:$0x1F880]  }
0x2d8: {  	v43 =	vmul.f32 v53, v18;
	v53 =	vmul.f32 v53, v19  }
0x2d9: {  	v15 =	vmul.f32 v15, v17;
	v57 =	vmul.f32 v33, v16;
	v45 =	vadd.f32 v30, v29;
	v30 =	vld [tilespmem:$0x1F7E0]  }
0x2da: {  	v46 =	vmul.f32 v33, v17;
	v32 =	vmul.f32 v59, v17;
	v11 =	vadd.f32 v3, v25;
	v3 =	vld [tilespmem:$0x1F860]  }
0x2db: {  	v6 =	vadd.f32 v6, v24;
	v55 =	vmul.f32 v31, v16;
	v36 =	vmul.f32 v38, v20  }
0x2dc: {  	v48 =	vmul.f32 v14, v20;
	v22 =	vadd.f32 v0, v50;
	v58 =	vadd.f32 v0, v58;
	v0 =	vld [tilespmem:$0x1F8B0]  }
0x2dd: {  	v47 =	vadd.f32 v53, v52;
	v52 =	vadd.f32 v62, v61;
	v61 =	vimm.s32 $0x9;
	v27 =	vld [tilespmem:$0x1F840]  }
0x2de: {  	v62 =	vadd.f32 v23, v26;
	v29 =	vmul.f32 v30, v18;
	[tilespmem:$0x1FA80] =	vst v5;
	v5 =	vadd.f32 v43, v42;
	v4 =	vld [tilespmem:$0x1F850]  }
0x2df: {  	v43 =	vmul.f32 v30, v19;
	v30 =	vmul.f32 v59, v16;
	v59 =	vadd.f32 v3, v1;
	v1 =	vld [tilespmem:$0x1F890]  }
0x2e0: {  	v23 =	vadd.f32 v44, v57;
	v51 =	vmul.f32 v14, v21;
	v14 =	vadd.f32 v3, v2;
	v2 =	vld [tilespmem:$0x1F870]  }
0x2e1: {  	p1 =	sne.s32 s30, $0x3C0;
	v42 =	vmul.f32 v31, v17;
	v25 =	vadd.f32 v0, v49;
	v57 =	vadd.f32 v0, v28;
	v0 =	vld [tilespmem:$0x1F8D0]  }
.Ltmp8:
0x2e2: {  	v54 =	vimm.s32 $0x8;
	v31 =	vmul.f32 v27, v18;
	v34 =	vmul.f32 v27, v19;
	(pc) =	sbr.rel @p1 .LBB2_13-.Ltmp8, $4  }
0x2e3: {  	v27 =	vadd.f32 v43, v42;
	v33 =	vmul.f32 v4, v20;
	v3 =	vmul.f32 v4, v21  }
0x2e4: {  	v44 =	vld [tilespmem:$0x1F8A0];
	v4 =	vadd.f32 v39, v15;
	v39 =	vmovc v35;
	v15 =	vadd.f32 v56, v46;
	v35 =	vmul.f32 v1, v16  }
0x2e5: {  	v43 =	vld [tilespmem:$0x1F8E0];
	v24 =	vmul.f32 v2, v18;
	v28 =	vadd.f32 v29, v55;
	v55 =	vimm.s32 $0x0  }
0x2e6: {  	s30 =	sadd.s32 $0x40, s30;
	v49 =	vld [tilespmem:$0x1F8C0];
	v26 =	vmul.f32 v1, v17;
	v29 =	vadd.f32 v0, v48;
	v56 =	vadd.f32 v0, v51  }
0x2e7: {  	_ = 	snop  }
0x2e8: {  	v0 =	vadd.f32 v31, v30;
	v2 =	vmul.f32 v2, v19;
	v46 =	vld [tilespmem:$0x1F9B0]  }
0x2e9: {  	v1 =	vadd.f32 v34, v32;
	v34 =	vmul.f32 v38, v21;
	v24 =	vadd.f32 v24, v35;
	v48 =	vld [tilespmem:$0x1F9D0]  }
0x2ea: {  	v2 =	vadd.f32 v2, v26;
	v26 =	vadd.f32 v43, v36  }
0x2eb: {  	v63 =	vld [tilespmem:$0x1F8F0];
	v8 =	vadd.f32 v10, v8;
	v31 =	vadd.f32 v43, v34  }
0x2ec: {  	v38 =	vld [tilespmem:$0x1F930];
	v10 =	vadd.f32 v22, v13;
	v13 =	vadd.f32 v26, v24  }
0x2ed: {  	v42 =	vld [tilespmem:$0x1F950];
	v2 =	vadd.f32 v31, v2  }
0x2ee: {  	v34 =	vadd.f32 v48, v46;
	v46 =	vmin.f32 v44, v13;
	v13 =	vadd.f32 v56, v27;
	v56 =	vld [tilespmem:$0x1FA70]  }
0x2ef: {  	v2 =	vmin.f32 v49, v2;
	v49 =	vadd.f32 v58, v4;
	v4 =	vld [tilespmem:$0x1FA80]  }
0x2f0: {  	v50 =	vld [tilespmem:$0x1F970];
	v3 =	vadd.f32 v63, v3  }
0x2f1: {  	v51 =	vld [tilespmem:$0x1F990]  }
0x2f2: {  	v53 =	vld [tilespmem:$0x1FA30];
	v9 =	vadd.f32 v12, v9;
	v1 =	vadd.f32 v3, v1  }
0x2f3: {  	v11 =	vadd.f32 v14, v11;
	v48 =	vadd.f32 v57, v15;
	v57 =	vld [tilespmem:$0x1FA40]  }
0x2f4: {  	v14 =	vadd.f32 v25, v23;
	v1 =	vmin.f32 v2, v1;
	v2 =	vadd.f32 v4, v56;
	v4 =	vld [tilespmem:$0x1FA60]  }
0x2f5: {  	v52 =	vadd.f32 v37, v52;
	v30 =	vadd.f32 v63, v33;
	v63 =	vld [tilespmem:$0x1FA50]  }
0x2f6: {  	v12 =	vadd.f32 v29, v28;
	v32 =	vadd.f32 v42, v38  }
0x2f7: {  	v35 =	vadd.f32 v51, v50;
	v0 =	vadd.f32 v30, v0;
	v1 =	vmin.f32 v1, v13  }
0x2f8: {  	v50 =	vadd.f32 v59, v6;
	v51 =	vadd.f32 v60, v62;
	v58 =	vld [tilespmem:$0x1FA00];
	v1 =	vmin.f32 v1, v48  }
0x2f9: {  	v0 =	vmin.f32 v46, v0;
	v1 =	vmin.f32 v1, v49;
	v3 =	vadd.f32 v4, v57;
	v4 =	vld [tilespmem:$0x1FA20]  }
0x2fa: {  	v43 =	vld [tilespmem:$0x1F900];
	v36 =	vadd.f32 v63, v53;
	v0 =	vmin.f32 v0, v12;
	v1 =	vmin.f32 v1, v50  }
0x2fb: {  	v42 =	vld [tilespmem:$0x1F9F0];
	v53 =	vadd.f32 v41, v47;
	v0 =	vmin.f32 v0, v14;
	v1 =	vmin.f32 v1, v51  }
0x2fc: {  	v59 =	vld [tilespmem:$0x1F9C0];
	v0 =	vmin.f32 v0, v10;
	v1 =	vmin.f32 v1, v52  }
0x2fd: {  	v5 =	vadd.f32 v7, v5;
	v6 =	vld [tilespmem:$0x1F960];
	v0 =	vmin.f32 v0, v11;
	v1 =	vmin.f32 v1, v53  }
0x2fe: {  	v0 =	vmin.f32 v0, v9;
	v1 =	vmin.f32 v1, v2;
	v2 =	vadd.f32 v4, v58;
	v4 =	vld [tilespmem:$0x1F9E0]  }
0x2ff: {  	v33 =	vadd.f32 v39, v43;
	v43 =	vld [tilespmem:$0x1FA10];
	v0 =	vmin.f32 v0, v8  }
0x300: {  	v0 =	vmin.f32 v0, v5;
	v5 =	vld [tilespmem:$0x1F940];
	_ =	sdelay $0x1  }
0x301: {  	v7 =	vadd.f32 v40, v45;
	v60 =	vld [tilespmem:$0x1F980]  }
0x302: {  	v1 =	vmin.f32 v1, v3;
	v3 =	vadd.f32 v4, v59;
	v4 =	vld [tilespmem:$0x1F9A0]  }
0x303: {  	v38 =	vadd.f32 v43, v42;
	v0 =	vmin.f32 v0, v7;
	v7 =	vmul.f32 v19, v19  }
0x304: {  	v0 =	vmin.f32 v0, v36;
	v5 =	vadd.f32 v6, v5;
	v6 =	vmul.f32 v17, v17  }
0x305: {  	v62 =	vmul.f32 v16, v16;
	v8 =	vld [tilespmem:$0x1F920];
	v0 =	vmin.f32 v0, v38  }
0x306: {  	v15 =	vimm.s32 $0xA;
	v0 =	vmin.f32 v0, v34;
	v63 =	vadd.f32 v7, v6;
	v7 =	vld [tilespmem:$0x1F910]  }
0x307: {  	v1 =	vmin.f32 v1, v2;
	v2 =	vadd.f32 v4, v60;
	v4 =	vmul.f32 v18, v18  }
0x308: {  	v16 =	vimm.s32 $0xB;
	v48 =	vimm.s32 $0x1;
	v0 =	vmin.f32 v0, v35  }
0x309: {  	v1 =	vmin.f32 v1, v3;
	v3 =	vadd.f32 v4, v62;
	v4 =	vmul.f32 v20, v20  }
0x30a: {  	s26 =	sadd.s32 $0x1, s26;
	v42 =	vimm.s32 $0x5;
	v0 =	vmin.f32 v0, v32;
	v6 =	vmul.f32 v21, v21  }
0x30b: {  	p1 =	sne.s32 s26, $0x20;
	v7 =	vadd.f32 v8, v7;
	v1 =	vmin.f32 v1, v2;
	v3 =	vadd.f32 v4, v3  }
.Ltmp9:
0x30c: {  	v0 =	vmin.f32 v0, v33;
	v2 =	vadd.f32 v6, v63;
	v1 =	vmin.f32 v1, v5;
	(pc) =	sbr.rel @p1 .LBB2_12-.Ltmp9, $4  }
0x30d: {  	v11 =	vimm.s32 $0xF;
	v1 =	vmin.f32 v1, v7;
	v0 =	vadd.f32 v0, v3  }
0x30e: {  	v51 =	vimm.s32 $0x2;
	v53 =	vimm.s32 $0x3;
	v1 =	vadd.f32 v1, v2  }
0x30f: {  	v19 =	vimm.s32 $0x6;
	v17 =	vimm.s32 $0xC;
	v18 =	vimm.s32 $0xD;
	[tilespmem:s28+$0x4C00] =	vst v0  }
0x310: {  	v63 =	vimm.s32 $0x4;
	v6 =	vimm.s32 $0x7;
	v20 =	vimm.s32 $0xE;
	[tilespmem:s29+$0x4C00] =	vst v1  }
.Ltmp10:
0x311: {  	(pc) =	sbr.rel .LBB2_16-.Ltmp10, $4  }
0x312: {  	[hbm4b:s9+s1] =	stream.linear.scatter [tilespmem:s24], [sflag:$0x1], $0x400, $0x38;
	[tilespmem:$0x5000] =	vst v63  }
0x313: {  	_ =	swait.ge [sflag:s18], $0x400  }
0x314: {  	[sflag:s18] =	ssyncset.done $0x0  }
0x315: {  	[sflag:s18] =	ssyncadd.s32 $0xFFFFFC00  }
.LBB2_17:
0x316: {  	_ =	sfence.sel $0x180000  }
0x317: {  	[bflag:$0x0] =	sbarrier.arrive $0xFFFF  }
0x318: {  	p0 =	sne.s32 s2, $0x0;
	_ =	strace $0x90000047  }
0x319: {  	s0 =	sadd.s32 @!p0 $0x100000, s0;
	[bflag:$0x2] =	sbarrier.arrive $0xFFFF  }
0x31a: {  	[sflag:s0] =	ssyncadd.tile.s32 @!p0 $0x1;
	_ =	shalt  }
.Lfunc_end2:
_tile_overlayer_lowered:
.L_overlay_start_2:
0x31b: {  	(tag) =	ssettag $0x2  }
0x31c: {  	s0 =	rddreg [dreg:$0x0];
	s2 =	stileid.u32  }
0x31d: {  	s1 =	rddreg [dreg:$0x1];
	p0 =	sne.s32 s2, $0x0  }
0x31e: {  	s3 =	rddreg [dreg:$0x2];
	[bflag:$0x3] =	sbarrier.arrive $0xFFFF;
	s2 =	simm.s32 @!p0 $0x1C01  }
0x31f: {  	[timem:s3], [sflag:s2] =	dma.local @!p0 [hbm:s0], s1  }
0x320: {  	s0 =	simm.s32 @!p0 $0x1  }
0x321: {  	_ =	swait.ge @!p0 [sflag:s0], s1  }
0x322: {  	s1 =	ssub.s32 @!p0 $0x0, s1;
	[sflag:s0] =	ssyncset.done @!p0 $0x0  }
0x323: {  	[sflag:s0] =	ssyncadd.s32 @!p0 s1  }
0x324: {  	[bflag:$0x3] =	sbarrier.arrive $0xFFFF  }
0x325: {  	_ =	shalt  }

</sc_bundles>
